<compile_context>
chip_gen: v7x
topology: tpu7x:2x2x1
jax: 0.10.2.dev20260603
libtpu: 0.0.44.dev20260713+nightly
codegen_flags: <defaults>
</compile_context>

<pallas_src>
import functools

import jax
import jax.numpy as jnp
from jax import lax
from jax.experimental import pallas as pl
from jax.experimental.pallas import tpu as pltpu
from jax.experimental.pallas import tpu_sc as plsc

B = 16384
IN_DIM = 784
HID = 400
LAT = 32
K = 8192

NH = 2
BH = B // NH
BB = 2048
BBD = 2048
KC = 256
GE = BH // BB
EPB = K // GE

NC, NS = 2, 16
NW = NC * NS
B_PER_W = BH // NW
CH = 128
NCH = B_PER_W // CH


def _enc_core(xt_ref, w1t_ref, b1_ref, w2t_ref, b2_ref, emb_ref,
              zt_ref, idx_ref, emb_pad_ref, eaug_ref, bestv_ref, bestk_ref):
    i = pl.program_id(0)
    if emb_pad_ref is not None:
        emb_pad_ref[:, :LAT] = emb_ref[pl.ds(i * EPB, EPB), :]

    @pl.when(i == 0)
    def _():
        e = emb_ref[...]
        eaug_ref[:, :LAT] = e.astype(jnp.bfloat16)
        eaug_ref[:, LAT:LAT + 1] = jnp.sum(
            e * e, axis=1, keepdims=True).astype(jnp.bfloat16)

    xb = xt_ref[...].astype(jnp.bfloat16)
    ht = jnp.maximum(
        jnp.dot(w1t_ref[...], xb, preferred_element_type=jnp.float32)
        + b1_ref[...], 0.0)
    zt = (jnp.dot(w2t_ref[...], ht.astype(jnp.bfloat16),
                  preferred_element_type=jnp.float32)
          + b2_ref[...])
    zt_ref[...] = zt

    z_aug = jnp.concatenate(
        [-2.0 * zt, jnp.ones((1, BB), jnp.float32)],
        axis=0).astype(jnp.bfloat16)

    for k in range(K // KC):
        ea = eaug_ref[k * KC:(k + 1) * KC, :]
        s = jnp.dot(ea, z_aug,
                    preferred_element_type=jnp.float32
                    ).astype(jnp.bfloat16)
        if k == 0:
            bestv_ref[...] = s
            bestk_ref[...] = jnp.zeros((KC, BB), jnp.bfloat16)
        else:
            bv = bestv_ref[...]
            upd = s < bv
            bestv_ref[...] = jnp.where(upd, s, bv)
            bestk_ref[...] = jnp.where(
                upd, jnp.bfloat16(k), bestk_ref[...])

    bv = bestv_ref[...]
    m = jnp.min(bv, axis=0, keepdims=True)
    jj = lax.broadcasted_iota(jnp.int32, (KC, BB), 0)
    gidx = bestk_ref[...].astype(jnp.int32) * KC + jj
    cand = jnp.where(bv == m, gidx, K)
    idx_ref[...] = jnp.min(cand, axis=0, keepdims=True)


def _enc_body_pad(xt_ref, w1t_ref, b1_ref, w2t_ref, b2_ref, emb_ref,
                  zt_ref, idx_ref, emb_pad_ref,
                  eaug_ref, bestv_ref, bestk_ref):
    _enc_core(xt_ref, w1t_ref, b1_ref, w2t_ref, b2_ref, emb_ref,
              zt_ref, idx_ref, emb_pad_ref, eaug_ref, bestv_ref, bestk_ref)


def _enc_body_nopad(xt_ref, w1t_ref, b1_ref, w2t_ref, b2_ref, emb_ref,
                    zt_ref, idx_ref,
                    eaug_ref, bestv_ref, bestk_ref):
    _enc_core(xt_ref, w1t_ref, b1_ref, w2t_ref, b2_ref, emb_ref,
              zt_ref, idx_ref, None, eaug_ref, bestv_ref, bestk_ref)


def _dec_core(zq_ref, zt_ref, u1t_ref, c1_ref, u2t_ref, c2_ref,
              outt_ref, loss_ref):
    zq = zq_ref[:, :LAT].astype(jnp.bfloat16)
    ii = lax.broadcasted_iota(jnp.int32, (LAT, LAT), 0)
    jj = lax.broadcasted_iota(jnp.int32, (LAT, LAT), 1)
    eye = (ii == jj).astype(jnp.bfloat16)
    zqt = lax.dot_general(eye, zq, (((1,), (1,)), ((), ())),
                          preferred_element_type=jnp.float32)

    d = zqt - zt_ref[...]
    partial = jnp.sum(d * d).reshape(1, 1)

    @pl.when(pl.program_id(0) == 0)
    def _():
        loss_ref[...] = jnp.zeros((1, 1), jnp.float32)

    loss_ref[...] += partial

    hdt = jnp.maximum(
        jnp.dot(u1t_ref[...], zqt.astype(jnp.bfloat16),
                preferred_element_type=jnp.float32)
        + c1_ref[...], 0.0)
    logits = (jnp.dot(u2t_ref[...], hdt.astype(jnp.bfloat16),
                      preferred_element_type=jnp.float32)
              + c2_ref[...])
    outt_ref[...] = 1.0 / (1.0 + jnp.exp(-logits))


def _dec_body0(zq_ref, zt_ref, u1t_ref, c1_ref, u2t_ref, c2_ref,
               outt_ref, loss_ref):
    _dec_core(zq_ref, zt_ref, u1t_ref, c1_ref, u2t_ref, c2_ref,
              outt_ref, loss_ref)


def _dec_body1(prev_ref, zq_ref, zt_ref, u1t_ref, c1_ref, u2t_ref, c2_ref,
               outt_ref, loss_ref):
    del prev_ref
    _dec_core(zq_ref, zt_ref, u1t_ref, c1_ref, u2t_ref, c2_ref,
              outt_ref, loss_ref)


def _sc_gather_body(emb_hbm, idx_hbm, out_hbm, idx_v, rows_v, gsem, wsem):
    wid = lax.axis_index("s") * NC + lax.axis_index("c")
    base = wid * B_PER_W
    pltpu.sync_copy(idx_hbm.at[pl.ds(wid * NCH, NCH)], idx_v)
    gathers = []
    for j in range(NCH):
        gathers.append(pltpu.async_copy(
            emb_hbm.at[idx_v.at[j]], rows_v.at[pl.ds(j * CH, CH)], gsem))
    writes = []
    for j in range(NCH):
        gathers[j].wait()
        writes.append(pltpu.async_copy(
            rows_v.at[pl.ds(j * CH, CH)],
            out_hbm.at[pl.ds(base + j * CH, CH)], wsem))
    for w in writes:
        w.wait()


@functools.cache
def _sc_gather():
    return functools.partial(
        pl.kernel,
        out_type=jax.ShapeDtypeStruct((BH, 128), jnp.float32),
        mesh=plsc.VectorSubcoreMesh(core_axis_name="c", subcore_axis_name="s",
                                    num_cores=NC, num_subcores=NS),
        scratch_types=[
            pltpu.VMEM((NCH, CH), jnp.int32),
            pltpu.VMEM((B_PER_W, 128), jnp.float32),
            pltpu.SemaphoreType.DMA,
            pltpu.SemaphoreType.DMA,
        ],
    )(_sc_gather_body)


def _enc_call(xt, w1t, b1c, w2t, b2c, emb, half):
    full = lambda shape: pl.BlockSpec(shape, lambda i: (0,) * len(shape))
    off = half * GE
    in_specs = [
        pl.BlockSpec((IN_DIM, BB), lambda i: (0, i + off)),
        full((HID, IN_DIM)),
        full((HID, 1)),
        full((LAT, HID)),
        full((LAT, 1)),
        full((K, LAT)),
    ]
    out_specs = [
        pl.BlockSpec((LAT, BB), lambda i: (0, i)),
        pl.BlockSpec((1, BB), lambda i: (0, i)),
    ]
    out_shape = [
        jax.ShapeDtypeStruct((LAT, BH), jnp.float32),
        jax.ShapeDtypeStruct((1, BH), jnp.int32),
    ]
    body = _enc_body_nopad
    if half == 0:
        out_specs.append(pl.BlockSpec((EPB, 128), lambda i: (i, 0)))
        out_shape.append(jax.ShapeDtypeStruct((K, 128), jnp.float32))
        body = _enc_body_pad
    return pl.pallas_call(
        body,
        grid=(GE,),
        in_specs=in_specs,
        out_specs=out_specs,
        out_shape=out_shape,
        scratch_shapes=[
            pltpu.VMEM((K, LAT + 1), jnp.bfloat16),
            pltpu.VMEM((KC, BB), jnp.bfloat16),
            pltpu.VMEM((KC, BB), jnp.bfloat16),
        ],
    )(xt, w1t, b1c, w2t, b2c, emb)


def _dec_call(z_q, zt, u1t, c1c, u2t, c2c, half, prev=None):
    full = lambda shape: pl.BlockSpec(shape, lambda i: (0,) * len(shape))
    off = half * (BH // BBD)
    in_specs = [
        pl.BlockSpec((BBD, 128), lambda i: (i, 0)),
        pl.BlockSpec((LAT, BBD), lambda i: (0, i)),
        full((HID, LAT)),
        full((HID, 1)),
        full((IN_DIM, HID)),
        full((IN_DIM, 1)),
    ]
    args = [z_q, zt, u1t, c1c, u2t, c2c]
    body = _dec_body0
    aliases = {}
    if prev is not None:
        in_specs.insert(0, pl.BlockSpec(memory_space=pl.ANY))
        args.insert(0, prev)
        body = _dec_body1
        aliases = {0: 0}
    return pl.pallas_call(
        body,
        grid=(BH // BBD,),
        in_specs=in_specs,
        out_specs=[
            pl.BlockSpec((IN_DIM, BBD), lambda i: (0, i + off)),
            pl.BlockSpec((1, 1), lambda i: (0, 0)),
        ],
        out_shape=[
            jax.ShapeDtypeStruct((IN_DIM, B), jnp.float32),
            jax.ShapeDtypeStruct((1, 1), jnp.float32),
        ],
        input_output_aliases=aliases,
    )(*args)


def kernel(x, enc_w1, enc_b1, enc_w2, enc_b2, dec_w1, dec_b1, dec_w2, dec_b2,
           emb):
    xt = x.T
    w1t = enc_w1.T.astype(jnp.bfloat16)
    w2t = enc_w2.T.astype(jnp.bfloat16)
    b1c = enc_b1.reshape(HID, 1)
    b2c = enc_b2.reshape(LAT, 1)
    u1t = dec_w1.T.astype(jnp.bfloat16)
    u2t = dec_w2.T.astype(jnp.bfloat16)
    c1c = dec_b1.reshape(HID, 1)
    c2c = dec_b2.reshape(IN_DIM, 1)

    zt0, idx0, emb_pad = _enc_call(xt, w1t, b1c, w2t, b2c, emb, 0)
    z_q0 = _sc_gather()(emb_pad, idx0.reshape(NW * NCH, CH))

    zt1, idx1 = _enc_call(xt, w1t, b1c, w2t, b2c, emb, 1)
    z_q1 = _sc_gather()(emb_pad, idx1.reshape(NW * NCH, CH))

    out_half, loss0 = _dec_call(z_q0, zt0, u1t, c1c, u2t, c2c, 0)
    outt, loss1 = _dec_call(z_q1, zt1, u1t, c1c, u2t, c2c, 1, prev=out_half)

    x_recon = outt.T
    vq_loss = (loss0[0, 0] + loss1[0, 0]) * (1.25 / (B * LAT))
    return (x_recon, vq_loss)

# --- scband reference (transcript-rebuilt; emitter-appended) ---
"""Pipeline reference for scband-vqvae-18279380812066 (READ-ONLY COPY).

The authoritative reference and input builder live on the scoring server;
editing this copy changes nothing except your own understanding.
"""

import jax, jax.numpy as jnp
import numpy as np


def setup_inputs(seed: int = 0) -> dict:
    key = jax.random.key(seed)
    ks = jax.random.split(key, 10)
    input_dim, hidden_dim, latent_dim, K = 784, 400, 32, 8192
    B = 16384

    def lin(k, fan_in, shape):
        bound = 1.0 / np.sqrt(fan_in)
        return jax.random.uniform(k, shape, jnp.float32, -bound, bound)

    return {
        "x": jax.random.normal(ks[0], (B, input_dim), jnp.float32),
        "enc_w1": lin(ks[1], input_dim, (input_dim, hidden_dim)),
        "enc_b1": lin(ks[2], input_dim, (hidden_dim,)),
        "enc_w2": lin(ks[3], hidden_dim, (hidden_dim, latent_dim)),
        "enc_b2": lin(ks[4], hidden_dim, (latent_dim,)),
        "dec_w1": lin(ks[5], latent_dim, (latent_dim, hidden_dim)),
        "dec_b1": lin(ks[6], latent_dim, (hidden_dim,)),
        "dec_w2": lin(ks[7], hidden_dim, (hidden_dim, input_dim)),
        "dec_b2": lin(ks[8], hidden_dim, (input_dim,)),
        "emb": jax.random.uniform(ks[9], (K, latent_dim), jnp.float32, -1.0 / K, 1.0 / K),
    }


def reference(x, enc_w1, enc_b1, enc_w2, enc_b2, dec_w1, dec_b1, dec_w2, dec_b2, emb):
    sg = jax.lax.stop_gradient
    # Encoder
    h = jax.nn.relu(x @ enc_w1 + enc_b1)
    z = h @ enc_w2 + enc_b2
    # VectorQuantizer
    z_flat = z.reshape(-1, emb.shape[1])
    distances = (
        jnp.sum(z_flat ** 2, axis=1, keepdims=True)
        - 2.0 * (z_flat @ emb.T)
        + jnp.sum(emb ** 2, axis=1)
    )
    encoding_indices = jnp.argmin(distances, axis=1)
    encodings = jax.nn.one_hot(encoding_indices, emb.shape[0], dtype=z_flat.dtype)
    z_q = (encodings @ emb).reshape(z.shape)
    vq_loss = jnp.mean((sg(z_q) - z) ** 2) + 0.25 * jnp.mean((z_q - sg(z)) ** 2)
    z_q = z + sg(z_q - z)
    # Decoder
    hd = jax.nn.relu(z_q @ dec_w1 + dec_b1)
    x_recon = jax.nn.sigmoid(hd @ dec_w2 + dec_b2)
    return (x_recon, vq_loss)

if __name__ == "__main__":
    import jax
    _d = setup_inputs()
    print(jax.jit(kernel)(*tuple(_d.values())))

</pallas_src>

<mosaic_0001>
#map = affine_map<(d0, d1) -> (0, 0)>
module attributes {stable_mosaic.version = 14 : i64} {
  func.func @_sc_gather_body(%arg0: i32, %arg1: i32, %arg2: memref<8192x128xf32, #tpu.memory_space<hbm>>, %arg3: memref<64x128xi32, #tpu.memory_space<hbm>>, %arg4: memref<8192x128xf32, #tpu.memory_space<hbm>>, %arg5: memref<2x128xi32, #tpu.memory_space<vmem>>, %arg6: memref<256x128xf32, #tpu.memory_space<vmem>>, %arg7: memref<!tpu.dma_semaphore, #tpu.memory_space<semaphore_mem>>, %arg8: memref<!tpu.dma_semaphore, #tpu.memory_space<semaphore_mem>>) attributes {dimension_semantics = [#tpu.dimension_semantics<core_parallel>, #tpu.dimension_semantics<subcore_parallel>], iteration_bounds = array<i64: 2, 16>, scalar_prefetch = 0 : i64, scratch_operands = 4 : i64, tpu.core_type = #tpu.core_type<sc_vector_subcore>, window_params = [{transform_indices = #map}, {transform_indices = #map}, {transform_indices = #map}]} {
    %mul3A = arith.constant 2 : i32
    %mul3A_0 = arith.muli %arg1, %mul3A : i32
    %add3A = arith.addi %mul3A_0, %arg0 : i32
    %mul3A_1 = arith.constant 256 : i32
    %mul3A_2 = arith.muli %add3A, %mul3A_1 : i32
    %mul3A_3 = arith.constant 2 : i32
    %mul3A_4 = arith.muli %add3A, %mul3A_3 : i32
    "tpu.region"() ({
      %run_scoped3A = tpu.sem_alloc : memref<!tpu.dma_semaphore, #tpu.memory_space<semaphore_mem>>
      %dma_start3A_87 = arith.constant 0 : i32
      %dma_start3A_88 = tpu.memref_slice %arg3[%mul3A_4, %dma_start3A_87] : memref<64x128xi32, #tpu.memory_space<hbm>> -> memref<2x128xi32, #tpu.memory_space<hbm>>
      %dma_start3A_89 = arith.constant 0 : i32
      %dma_start3A_90 = tpu.memref_slice %arg3[%mul3A_4, %dma_start3A_89] : memref<64x128xi32, #tpu.memory_space<hbm>> -> memref<2x128xi32, #tpu.memory_space<hbm>>
      tpu.enqueue_dma source(%dma_start3A_90 : memref<2x128xi32, #tpu.memory_space<hbm>>) target(%arg5 : memref<2x128xi32, #tpu.memory_space<vmem>>) target_semaphore(%run_scoped3A : memref<!tpu.dma_semaphore, #tpu.memory_space<semaphore_mem>>)
      %dma_wait3A_91 = arith.constant 0 : i32
      %dma_wait3A_92 = tpu.memref_slice %arg3[%mul3A_4, %dma_wait3A_91] : memref<64x128xi32, #tpu.memory_space<hbm>> -> memref<2x128xi32, #tpu.memory_space<hbm>>
      %dma_wait3A_93 = arith.constant 0 : i32
      %dma_wait3A_94 = tpu.memref_slice %arg3[%mul3A_4, %dma_wait3A_93] : memref<64x128xi32, #tpu.memory_space<hbm>> -> memref<2x128xi32, #tpu.memory_space<hbm>>
      tpu.wait_dma2 semaphore(%run_scoped3A : memref<!tpu.dma_semaphore, #tpu.memory_space<semaphore_mem>>) src(%dma_wait3A_94 : memref<2x128xi32, #tpu.memory_space<hbm>>) dst(%arg5 : memref<2x128xi32, #tpu.memory_space<vmem>>)
      tpu.yield
    }) : () -> ()
    %dma_start3A = arith.constant 0 : i32
    %dma_start3A_5 = arith.constant 0 : i32
    %dma_start3A_6 = arith.constant 0 : i32
    %dma_start3A_7 = tpu.memref_slice %arg6[%dma_start3A_5, %dma_start3A_6] : memref<256x128xf32, #tpu.memory_space<vmem>> -> memref<128x128xf32, #tpu.memory_space<vmem>>
    %dma_start3A_8 = arith.constant 0 : i32
    %dma_start3A_9 = tpu.memref_slice %arg5[%dma_start3A, %dma_start3A_8] : memref<2x128xi32, #tpu.memory_space<vmem>> -> memref<1x128xi32, #tpu.memory_space<vmem>>
    %dma_start3A_10 = tpu.memref_squeeze %dma_start3A_9 : memref<1x128xi32, #tpu.memory_space<vmem>> -> memref<128xi32, #tpu.memory_space<vmem>>
    %dma_start3A_11 = arith.constant 0 : i32
    %dma_start3A_12 = arith.constant 0 : i32
    %dma_start3A_13 = tpu.memref_slice %arg2[%dma_start3A_11, %dma_start3A_12] : memref<8192x128xf32, #tpu.memory_space<hbm>> -> memref<8192x128xf32, #tpu.memory_space<hbm>>
    tpu.enqueue_indirect_dma source(%dma_start3A_13 : memref<8192x128xf32, #tpu.memory_space<hbm>>) target(%dma_start3A_7 : memref<128x128xf32, #tpu.memory_space<vmem>>) offsets(%dma_start3A_10 : memref<128xi32, #tpu.memory_space<vmem>>) semaphore(%arg7 : memref<!tpu.dma_semaphore, #tpu.memory_space<semaphore_mem>>)
    %dma_start3A_14 = arith.constant 1 : i32
    %dma_start3A_15 = arith.constant 128 : i32
    %dma_start3A_16 = arith.constant 0 : i32
    %dma_start3A_17 = tpu.memref_slice %arg6[%dma_start3A_15, %dma_start3A_16] : memref<256x128xf32, #tpu.memory_space<vmem>> -> memref<128x128xf32, #tpu.memory_space<vmem>>
    %dma_start3A_18 = arith.constant 0 : i32
    %dma_start3A_19 = tpu.memref_slice %arg5[%dma_start3A_14, %dma_start3A_18] : memref<2x128xi32, #tpu.memory_space<vmem>> -> memref<1x128xi32, #tpu.memory_space<vmem>>
    %dma_start3A_20 = tpu.memref_squeeze %dma_start3A_19 : memref<1x128xi32, #tpu.memory_space<vmem>> -> memref<128xi32, #tpu.memory_space<vmem>>
    %dma_start3A_21 = arith.constant 0 : i32
    %dma_start3A_22 = arith.constant 0 : i32
    %dma_start3A_23 = tpu.memref_slice %arg2[%dma_start3A_21, %dma_start3A_22] : memref<8192x128xf32, #tpu.memory_space<hbm>> -> memref<8192x128xf32, #tpu.memory_space<hbm>>
    tpu.enqueue_indirect_dma source(%dma_start3A_23 : memref<8192x128xf32, #tpu.memory_space<hbm>>) target(%dma_start3A_17 : memref<128x128xf32, #tpu.memory_space<vmem>>) offsets(%dma_start3A_20 : memref<128xi32, #tpu.memory_space<vmem>>) semaphore(%arg7 : memref<!tpu.dma_semaphore, #tpu.memory_space<semaphore_mem>>)
    %dma_wait3A = arith.constant 0 : i32
    %dma_wait3A_24 = arith.constant 0 : i32
    %dma_wait3A_25 = arith.constant 0 : i32
    %dma_wait3A_26 = tpu.memref_slice %arg6[%dma_wait3A_24, %dma_wait3A_25] : memref<256x128xf32, #tpu.memory_space<vmem>> -> memref<128x128xf32, #tpu.memory_space<vmem>>
    %dma_wait3A_27 = arith.constant 0 : i32
    %dma_wait3A_28 = tpu.memref_slice %arg5[%dma_wait3A, %dma_wait3A_27] : memref<2x128xi32, #tpu.memory_space<vmem>> -> memref<1x128xi32, #tpu.memory_space<vmem>>
    %dma_wait3A_29 = tpu.memref_squeeze %dma_wait3A_28 : memref<1x128xi32, #tpu.memory_space<vmem>> -> memref<128xi32, #tpu.memory_space<vmem>>
    %dma_wait3A_30 = arith.constant 0 : i32
    %dma_wait3A_31 = arith.constant 0 : i32
    %dma_wait3A_32 = tpu.memref_slice %arg2[%dma_wait3A_30, %dma_wait3A_31] : memref<8192x128xf32, #tpu.memory_space<hbm>> -> memref<8192x128xf32, #tpu.memory_space<hbm>>
    tpu.wait_indirect_dma semaphore(%arg7 : memref<!tpu.dma_semaphore, #tpu.memory_space<semaphore_mem>>) src(%dma_wait3A_32 : memref<8192x128xf32, #tpu.memory_space<hbm>>) dst(%dma_wait3A_26 : memref<128x128xf32, #tpu.memory_space<vmem>>)
    %add3A_33 = arith.constant 0 : i32
    %add3A_34 = arith.addi %mul3A_2, %add3A_33 : i32
    %dma_start3A_35 = arith.constant 0 : i32
    %dma_start3A_36 = arith.constant 0 : i32
    %dma_start3A_37 = tpu.memref_slice %arg6[%dma_start3A_35, %dma_start3A_36] : memref<256x128xf32, #tpu.memory_space<vmem>> -> memref<128x128xf32, #tpu.memory_space<vmem>>
    %dma_start3A_38 = arith.constant 0 : i32
    %dma_start3A_39 = tpu.memref_slice %arg4[%add3A_34, %dma_start3A_38] : memref<8192x128xf32, #tpu.memory_space<hbm>> -> memref<128x128xf32, #tpu.memory_space<hbm>>
    %dma_start3A_40 = arith.constant 0 : i32
    %dma_start3A_41 = tpu.memref_slice %arg4[%add3A_34, %dma_start3A_40] : memref<8192x128xf32, #tpu.memory_space<hbm>> -> memref<128x128xf32, #tpu.memory_space<hbm>>
    %dma_start3A_42 = arith.constant 0 : i32
    %dma_start3A_43 = arith.constant 0 : i32
    %dma_start3A_44 = tpu.memref_slice %arg6[%dma_start3A_42, %dma_start3A_43] : memref<256x128xf32, #tpu.memory_space<vmem>> -> memref<128x128xf32, #tpu.memory_space<vmem>>
    tpu.enqueue_dma source(%dma_start3A_44 : memref<128x128xf32, #tpu.memory_space<vmem>>) target(%dma_start3A_41 : memref<128x128xf32, #tpu.memory_space<hbm>>) target_semaphore(%arg8 : memref<!tpu.dma_semaphore, #tpu.memory_space<semaphore_mem>>)
    %dma_wait3A_45 = arith.constant 1 : i32
    %dma_wait3A_46 = arith.constant 128 : i32
    %dma_wait3A_47 = arith.constant 0 : i32
    %dma_wait3A_48 = tpu.memref_slice %arg6[%dma_wait3A_46, %dma_wait3A_47] : memref<256x128xf32, #tpu.memory_space<vmem>> -> memref<128x128xf32, #tpu.memory_space<vmem>>
    %dma_wait3A_49 = arith.constant 0 : i32
    %dma_wait3A_50 = tpu.memref_slice %arg5[%dma_wait3A_45, %dma_wait3A_49] : memref<2x128xi32, #tpu.memory_space<vmem>> -> memref<1x128xi32, #tpu.memory_space<vmem>>
    %dma_wait3A_51 = tpu.memref_squeeze %dma_wait3A_50 : memref<1x128xi32, #tpu.memory_space<vmem>> -> memref<128xi32, #tpu.memory_space<vmem>>
    %dma_wait3A_52 = arith.constant 0 : i32
    %dma_wait3A_53 = arith.constant 0 : i32
    %dma_wait3A_54 = tpu.memref_slice %arg2[%dma_wait3A_52, %dma_wait3A_53] : memref<8192x128xf32, #tpu.memory_space<hbm>> -> memref<8192x128xf32, #tpu.memory_space<hbm>>
    tpu.wait_indirect_dma semaphore(%arg7 : memref<!tpu.dma_semaphore, #tpu.memory_space<semaphore_mem>>) src(%dma_wait3A_54 : memref<8192x128xf32, #tpu.memory_space<hbm>>) dst(%dma_wait3A_48 : memref<128x128xf32, #tpu.memory_space<vmem>>)
    %add3A_55 = arith.constant 128 : i32
    %add3A_56 = arith.addi %mul3A_2, %add3A_55 : i32
    %dma_start3A_57 = arith.constant 128 : i32
    %dma_start3A_58 = arith.constant 0 : i32
    %dma_start3A_59 = tpu.memref_slice %arg6[%dma_start3A_57, %dma_start3A_58] : memref<256x128xf32, #tpu.memory_space<vmem>> -> memref<128x128xf32, #tpu.memory_space<vmem>>
    %dma_start3A_60 = arith.constant 0 : i32
    %dma_start3A_61 = tpu.memref_slice %arg4[%add3A_56, %dma_start3A_60] : memref<8192x128xf32, #tpu.memory_space<hbm>> -> memref<128x128xf32, #tpu.memory_space<hbm>>
    %dma_start3A_62 = arith.constant 0 : i32
    %dma_start3A_63 = tpu.memref_slice %arg4[%add3A_56, %dma_start3A_62] : memref<8192x128xf32, #tpu.memory_space<hbm>> -> memref<128x128xf32, #tpu.memory_space<hbm>>
    %dma_start3A_64 = arith.constant 128 : i32
    %dma_start3A_65 = arith.constant 0 : i32
    %dma_start3A_66 = tpu.memref_slice %arg6[%dma_start3A_64, %dma_start3A_65] : memref<256x128xf32, #tpu.memory_space<vmem>> -> memref<128x128xf32, #tpu.memory_space<vmem>>
    tpu.enqueue_dma source(%dma_start3A_66 : memref<128x128xf32, #tpu.memory_space<vmem>>) target(%dma_start3A_63 : memref<128x128xf32, #tpu.memory_space<hbm>>) target_semaphore(%arg8 : memref<!tpu.dma_semaphore, #tpu.memory_space<semaphore_mem>>)
    %dma_wait3A_67 = arith.constant 0 : i32
    %dma_wait3A_68 = arith.constant 0 : i32
    %dma_wait3A_69 = tpu.memref_slice %arg6[%dma_wait3A_67, %dma_wait3A_68] : memref<256x128xf32, #tpu.memory_space<vmem>> -> memref<128x128xf32, #tpu.memory_space<vmem>>
    %dma_wait3A_70 = arith.constant 0 : i32
    %dma_wait3A_71 = tpu.memref_slice %arg4[%add3A_34, %dma_wait3A_70] : memref<8192x128xf32, #tpu.memory_space<hbm>> -> memref<128x128xf32, #tpu.memory_space<hbm>>
    %dma_wait3A_72 = arith.constant 0 : i32
    %dma_wait3A_73 = tpu.memref_slice %arg4[%add3A_34, %dma_wait3A_72] : memref<8192x128xf32, #tpu.memory_space<hbm>> -> memref<128x128xf32, #tpu.memory_space<hbm>>
    %dma_wait3A_74 = arith.constant 0 : i32
    %dma_wait3A_75 = arith.constant 0 : i32
    %dma_wait3A_76 = tpu.memref_slice %arg6[%dma_wait3A_74, %dma_wait3A_75] : memref<256x128xf32, #tpu.memory_space<vmem>> -> memref<128x128xf32, #tpu.memory_space<vmem>>
    tpu.wait_dma2 semaphore(%arg8 : memref<!tpu.dma_semaphore, #tpu.memory_space<semaphore_mem>>) src(%dma_wait3A_76 : memref<128x128xf32, #tpu.memory_space<vmem>>) dst(%dma_wait3A_73 : memref<128x128xf32, #tpu.memory_space<hbm>>)
    %dma_wait3A_77 = arith.constant 128 : i32
    %dma_wait3A_78 = arith.constant 0 : i32
    %dma_wait3A_79 = tpu.memref_slice %arg6[%dma_wait3A_77, %dma_wait3A_78] : memref<256x128xf32, #tpu.memory_space<vmem>> -> memref<128x128xf32, #tpu.memory_space<vmem>>
    %dma_wait3A_80 = arith.constant 0 : i32
    %dma_wait3A_81 = tpu.memref_slice %arg4[%add3A_56, %dma_wait3A_80] : memref<8192x128xf32, #tpu.memory_space<hbm>> -> memref<128x128xf32, #tpu.memory_space<hbm>>
    %dma_wait3A_82 = arith.constant 0 : i32
    %dma_wait3A_83 = tpu.memref_slice %arg4[%add3A_56, %dma_wait3A_82] : memref<8192x128xf32, #tpu.memory_space<hbm>> -> memref<128x128xf32, #tpu.memory_space<hbm>>
    %dma_wait3A_84 = arith.constant 128 : i32
    %dma_wait3A_85 = arith.constant 0 : i32
    %dma_wait3A_86 = tpu.memref_slice %arg6[%dma_wait3A_84, %dma_wait3A_85] : memref<256x128xf32, #tpu.memory_space<vmem>> -> memref<128x128xf32, #tpu.memory_space<vmem>>
    tpu.wait_dma2 semaphore(%arg8 : memref<!tpu.dma_semaphore, #tpu.memory_space<semaphore_mem>>) src(%dma_wait3A_86 : memref<128x128xf32, #tpu.memory_space<vmem>>) dst(%dma_wait3A_83 : memref<128x128xf32, #tpu.memory_space<hbm>>)
    return
  }
}

#map = affine_map<(d0, d1) -> (0, 0)>
module attributes {stable_mosaic.version = 14 : i64} {
  func.func @_sc_gather_body(%arg0: i32, %arg1: i32, %arg2: memref<8192x128xf32, #tpu.memory_space<hbm>>, %arg3: memref<64x128xi32, #tpu.memory_space<hbm>>, %arg4: memref<8192x128xf32, #tpu.memory_space<hbm>>, %arg5: memref<2x128xi32, #tpu.memory_space<vmem>>, %arg6: memref<256x128xf32, #tpu.memory_space<vmem>>, %arg7: memref<!tpu.dma_semaphore, #tpu.memory_space<semaphore_mem>>, %arg8: memref<!tpu.dma_semaphore, #tpu.memory_space<semaphore_mem>>) attributes {dimension_semantics = [#tpu.dimension_semantics<core_parallel>, #tpu.dimension_semantics<subcore_parallel>], iteration_bounds = array<i64: 2, 16>, scalar_prefetch = 0 : i64, scratch_operands = 4 : i64, tpu.core_type = #tpu.core_type<sc_vector_subcore>, window_params = [{transform_indices = #map}, {transform_indices = #map}, {transform_indices = #map}]} {
    %mul3A = arith.constant 2 : i32
    %mul3A_0 = arith.muli %arg1, %mul3A : i32
    %add3A = arith.addi %mul3A_0, %arg0 : i32
    %mul3A_1 = arith.constant 256 : i32
    %mul3A_2 = arith.muli %add3A, %mul3A_1 : i32
    %mul3A_3 = arith.constant 2 : i32
    %mul3A_4 = arith.muli %add3A, %mul3A_3 : i32
    "tpu.region"() ({
      %run_scoped3A = tpu.sem_alloc : memref<!tpu.dma_semaphore, #tpu.memory_space<semaphore_mem>>
      %dma_start3A_87 = arith.constant 0 : i32
      %dma_start3A_88 = tpu.memref_slice %arg3[%mul3A_4, %dma_start3A_87] : memref<64x128xi32, #tpu.memory_space<hbm>> -> memref<2x128xi32, #tpu.memory_space<hbm>>
      %dma_start3A_89 = arith.constant 0 : i32
      %dma_start3A_90 = tpu.memref_slice %arg3[%mul3A_4, %dma_start3A_89] : memref<64x128xi32, #tpu.memory_space<hbm>> -> memref<2x128xi32, #tpu.memory_space<hbm>>
      tpu.enqueue_dma source(%dma_start3A_90 : memref<2x128xi32, #tpu.memory_space<hbm>>) target(%arg5 : memref<2x128xi32, #tpu.memory_space<vmem>>) target_semaphore(%run_scoped3A : memref<!tpu.dma_semaphore, #tpu.memory_space<semaphore_mem>>)
      %dma_wait3A_91 = arith.constant 0 : i32
      %dma_wait3A_92 = tpu.memref_slice %arg3[%mul3A_4, %dma_wait3A_91] : memref<64x128xi32, #tpu.memory_space<hbm>> -> memref<2x128xi32, #tpu.memory_space<hbm>>
      %dma_wait3A_93 = arith.constant 0 : i32
      %dma_wait3A_94 = tpu.memref_slice %arg3[%mul3A_4, %dma_wait3A_93] : memref<64x128xi32, #tpu.memory_space<hbm>> -> memref<2x128xi32, #tpu.memory_space<hbm>>
      tpu.wait_dma2 semaphore(%run_scoped3A : memref<!tpu.dma_semaphore, #tpu.memory_space<semaphore_mem>>) src(%dma_wait3A_94 : memref<2x128xi32, #tpu.memory_space<hbm>>) dst(%arg5 : memref<2x128xi32, #tpu.memory_space<vmem>>)
      tpu.yield
    }) : () -> ()
    %dma_start3A = arith.constant 0 : i32
    %dma_start3A_5 = arith.constant 0 : i32
    %dma_start3A_6 = arith.constant 0 : i32
    %dma_start3A_7 = tpu.memref_slice %arg6[%dma_start3A_5, %dma_start3A_6] : memref<256x128xf32, #tpu.memory_space<vmem>> -> memref<128x128xf32, #tpu.memory_space<vmem>>
    %dma_start3A_8 = arith.constant 0 : i32
    %dma_start3A_9 = tpu.memref_slice %arg5[%dma_start3A, %dma_start3A_8] : memref<2x128xi32, #tpu.memory_space<vmem>> -> memref<1x128xi32, #tpu.memory_space<vmem>>
    %dma_start3A_10 = tpu.memref_squeeze %dma_start3A_9 : memref<1x128xi32, #tpu.memory_space<vmem>> -> memref<128xi32, #tpu.memory_space<vmem>>
    %dma_start3A_11 = arith.constant 0 : i32
    %dma_start3A_12 = arith.constant 0 : i32
    %dma_start3A_13 = tpu.memref_slice %arg2[%dma_start3A_11, %dma_start3A_12] : memref<8192x128xf32, #tpu.memory_space<hbm>> -> memref<8192x128xf32, #tpu.memory_space<hbm>>
    tpu.enqueue_indirect_dma source(%dma_start3A_13 : memref<8192x128xf32, #tpu.memory_space<hbm>>) target(%dma_start3A_7 : memref<128x128xf32, #tpu.memory_space<vmem>>) offsets(%dma_start3A_10 : memref<128xi32, #tpu.memory_space<vmem>>) semaphore(%arg7 : memref<!tpu.dma_semaphore, #tpu.memory_space<semaphore_mem>>)
    %dma_start3A_14 = arith.constant 1 : i32
    %dma_start3A_15 = arith.constant 128 : i32
    %dma_start3A_16 = arith.constant 0 : i32
    %dma_start3A_17 = tpu.memref_slice %arg6[%dma_start3A_15, %dma_start3A_16] : memref<256x128xf32, #tpu.memory_space<vmem>> -> memref<128x128xf32, #tpu.memory_space<vmem>>
    %dma_start3A_18 = arith.constant 0 : i32
    %dma_start3A_19 = tpu.memref_slice %arg5[%dma_start3A_14, %dma_start3A_18] : memref<2x128xi32, #tpu.memory_space<vmem>> -> memref<1x128xi32, #tpu.memory_space<vmem>>
    %dma_start3A_20 = tpu.memref_squeeze %dma_start3A_19 : memref<1x128xi32, #tpu.memory_space<vmem>> -> memref<128xi32, #tpu.memory_space<vmem>>
    %dma_start3A_21 = arith.constant 0 : i32
    %dma_start3A_22 = arith.constant 0 : i32
    %dma_start3A_23 = tpu.memref_slice %arg2[%dma_start3A_21, %dma_start3A_22] : memref<8192x128xf32, #tpu.memory_space<hbm>> -> memref<8192x128xf32, #tpu.memory_space<hbm>>
    tpu.enqueue_indirect_dma source(%dma_start3A_23 : memref<8192x128xf32, #tpu.memory_space<hbm>>) target(%dma_start3A_17 : memref<128x128xf32, #tpu.memory_space<vmem>>) offsets(%dma_start3A_20 : memref<128xi32, #tpu.memory_space<vmem>>) semaphore(%arg7 : memref<!tpu.dma_semaphore, #tpu.memory_space<semaphore_mem>>)
    %dma_wait3A = arith.constant 0 : i32
    %dma_wait3A_24 = arith.constant 0 : i32
    %dma_wait3A_25 = arith.constant 0 : i32
    %dma_wait3A_26 = tpu.memref_slice %arg6[%dma_wait3A_24, %dma_wait3A_25] : memref<256x128xf32, #tpu.memory_space<vmem>> -> memref<128x128xf32, #tpu.memory_space<vmem>>
    %dma_wait3A_27 = arith.constant 0 : i32
    %dma_wait3A_28 = tpu.memref_slice %arg5[%dma_wait3A, %dma_wait3A_27] : memref<2x128xi32, #tpu.memory_space<vmem>> -> memref<1x128xi32, #tpu.memory_space<vmem>>
    %dma_wait3A_29 = tpu.memref_squeeze %dma_wait3A_28 : memref<1x128xi32, #tpu.memory_space<vmem>> -> memref<128xi32, #tpu.memory_space<vmem>>
    %dma_wait3A_30 = arith.constant 0 : i32
    %dma_wait3A_31 = arith.constant 0 : i32
    %dma_wait3A_32 = tpu.memref_slice %arg2[%dma_wait3A_30, %dma_wait3A_31] : memref<8192x128xf32, #tpu.memory_space<hbm>> -> memref<8192x128xf32, #tpu.memory_space<hbm>>
    tpu.wait_indirect_dma semaphore(%arg7 : memref<!tpu.dma_semaphore, #tpu.memory_space<semaphore_mem>>) src(%dma_wait3A_32 : memref<8192x128xf32, #tpu.memory_space<hbm>>) dst(%dma_wait3A_26 : memref<128x128xf32, #tpu.memory_space<vmem>>)
    %add3A_33 = arith.constant 0 : i32
    %add3A_34 = arith.addi %mul3A_2, %add3A_33 : i32
    %dma_start3A_35 = arith.constant 0 : i32
    %dma_start3A_36 = arith.constant 0 : i32
    %dma_start3A_37 = tpu.memref_slice %arg6[%dma_start3A_35, %dma_start3A_36] : memref<256x128xf32, #tpu.memory_space<vmem>> -> memref<128x128xf32, #tpu.memory_space<vmem>>
    %dma_start3A_38 = arith.constant 0 : i32
    %dma_start3A_39 = tpu.memref_slice %arg4[%add3A_34, %dma_start3A_38] : memref<8192x128xf32, #tpu.memory_space<hbm>> -> memref<128x128xf32, #tpu.memory_space<hbm>>
    %dma_start3A_40 = arith.constant 0 : i32
    %dma_start3A_41 = tpu.memref_slice %arg4[%add3A_34, %dma_start3A_40] : memref<8192x128xf32, #tpu.memory_space<hbm>> -> memref<128x128xf32, #tpu.memory_space<hbm>>
    %dma_start3A_42 = arith.constant 0 : i32
    %dma_start3A_43 = arith.constant 0 : i32
    %dma_start3A_44 = tpu.memref_slice %arg6[%dma_start3A_42, %dma_start3A_43] : memref<256x128xf32, #tpu.memory_space<vmem>> -> memref<128x128xf32, #tpu.memory_space<vmem>>
    tpu.enqueue_dma source(%dma_start3A_44 : memref<128x128xf32, #tpu.memory_space<vmem>>) target(%dma_start3A_41 : memref<128x128xf32, #tpu.memory_space<hbm>>) target_semaphore(%arg8 : memref<!tpu.dma_semaphore, #tpu.memory_space<semaphore_mem>>)
    %dma_wait3A_45 = arith.constant 1 : i32
    %dma_wait3A_46 = arith.constant 128 : i32
    %dma_wait3A_47 = arith.constant 0 : i32
    %dma_wait3A_48 = tpu.memref_slice %arg6[%dma_wait3A_46, %dma_wait3A_47] : memref<256x128xf32, #tpu.memory_space<vmem>> -> memref<128x128xf32, #tpu.memory_space<vmem>>
    %dma_wait3A_49 = arith.constant 0 : i32
    %dma_wait3A_50 = tpu.memref_slice %arg5[%dma_wait3A_45, %dma_wait3A_49] : memref<2x128xi32, #tpu.memory_space<vmem>> -> memref<1x128xi32, #tpu.memory_space<vmem>>
    %dma_wait3A_51 = tpu.memref_squeeze %dma_wait3A_50 : memref<1x128xi32, #tpu.memory_space<vmem>> -> memref<128xi32, #tpu.memory_space<vmem>>
    %dma_wait3A_52 = arith.constant 0 : i32
    %dma_wait3A_53 = arith.constant 0 : i32
    %dma_wait3A_54 = tpu.memref_slice %arg2[%dma_wait3A_52, %dma_wait3A_53] : memref<8192x128xf32, #tpu.memory_space<hbm>> -> memref<8192x128xf32, #tpu.memory_space<hbm>>
    tpu.wait_indirect_dma semaphore(%arg7 : memref<!tpu.dma_semaphore, #tpu.memory_space<semaphore_mem>>) src(%dma_wait3A_54 : memref<8192x128xf32, #tpu.memory_space<hbm>>) dst(%dma_wait3A_48 : memref<128x128xf32, #tpu.memory_space<vmem>>)
    %add3A_55 = arith.constant 128 : i32
    %add3A_56 = arith.addi %mul3A_2, %add3A_55 : i32
    %dma_start3A_57 = arith.constant 128 : i32
    %dma_start3A_58 = arith.constant 0 : i32
    %dma_start3A_59 = tpu.memref_slice %arg6[%dma_start3A_57, %dma_start3A_58] : memref<256x128xf32, #tpu.memory_space<vmem>> -> memref<128x128xf32, #tpu.memory_space<vmem>>
    %dma_start3A_60 = arith.constant 0 : i32
    %dma_start3A_61 = tpu.memref_slice %arg4[%add3A_56, %dma_start3A_60] : memref<8192x128xf32, #tpu.memory_space<hbm>> -> memref<128x128xf32, #tpu.memory_space<hbm>>
    %dma_start3A_62 = arith.constant 0 : i32
    %dma_start3A_63 = tpu.memref_slice %arg4[%add3A_56, %dma_start3A_62] : memref<8192x128xf32, #tpu.memory_space<hbm>> -> memref<128x128xf32, #tpu.memory_space<hbm>>
    %dma_start3A_64 = arith.constant 128 : i32
    %dma_start3A_65 = arith.constant 0 : i32
    %dma_start3A_66 = tpu.memref_slice %arg6[%dma_start3A_64, %dma_start3A_65] : memref<256x128xf32, #tpu.memory_space<vmem>> -> memref<128x128xf32, #tpu.memory_space<vmem>>
    tpu.enqueue_dma source(%dma_start3A_66 : memref<128x128xf32, #tpu.memory_space<vmem>>) target(%dma_start3A_63 : memref<128x128xf32, #tpu.memory_space<hbm>>) target_semaphore(%arg8 : memref<!tpu.dma_semaphore, #tpu.memory_space<semaphore_mem>>)
    %dma_wait3A_67 = arith.constant 0 : i32
    %dma_wait3A_68 = arith.constant 0 : i32
    %dma_wait3A_69 = tpu.memref_slice %arg6[%dma_wait3A_67, %dma_wait3A_68] : memref<256x128xf32, #tpu.memory_space<vmem>> -> memref<128x128xf32, #tpu.memory_space<vmem>>
    %dma_wait3A_70 = arith.constant 0 : i32
    %dma_wait3A_71 = tpu.memref_slice %arg4[%add3A_34, %dma_wait3A_70] : memref<8192x128xf32, #tpu.memory_space<hbm>> -> memref<128x128xf32, #tpu.memory_space<hbm>>
    %dma_wait3A_72 = arith.constant 0 : i32
    %dma_wait3A_73 = tpu.memref_slice %arg4[%add3A_34, %dma_wait3A_72] : memref<8192x128xf32, #tpu.memory_space<hbm>> -> memref<128x128xf32, #tpu.memory_space<hbm>>
    %dma_wait3A_74 = arith.constant 0 : i32
    %dma_wait3A_75 = arith.constant 0 : i32
    %dma_wait3A_76 = tpu.memref_slice %arg6[%dma_wait3A_74, %dma_wait3A_75] : memref<256x128xf32, #tpu.memory_space<vmem>> -> memref<128x128xf32, #tpu.memory_space<vmem>>
    tpu.wait_dma2 semaphore(%arg8 : memref<!tpu.dma_semaphore, #tpu.memory_space<semaphore_mem>>) src(%dma_wait3A_76 : memref<128x128xf32, #tpu.memory_space<vmem>>) dst(%dma_wait3A_73 : memref<128x128xf32, #tpu.memory_space<hbm>>)
    %dma_wait3A_77 = arith.constant 128 : i32
    %dma_wait3A_78 = arith.constant 0 : i32
    %dma_wait3A_79 = tpu.memref_slice %arg6[%dma_wait3A_77, %dma_wait3A_78] : memref<256x128xf32, #tpu.memory_space<vmem>> -> memref<128x128xf32, #tpu.memory_space<vmem>>
    %dma_wait3A_80 = arith.constant 0 : i32
    %dma_wait3A_81 = tpu.memref_slice %arg4[%add3A_56, %dma_wait3A_80] : memref<8192x128xf32, #tpu.memory_space<hbm>> -> memref<128x128xf32, #tpu.memory_space<hbm>>
    %dma_wait3A_82 = arith.constant 0 : i32
    %dma_wait3A_83 = tpu.memref_slice %arg4[%add3A_56, %dma_wait3A_82] : memref<8192x128xf32, #tpu.memory_space<hbm>> -> memref<128x128xf32, #tpu.memory_space<hbm>>
    %dma_wait3A_84 = arith.constant 128 : i32
    %dma_wait3A_85 = arith.constant 0 : i32
    %dma_wait3A_86 = tpu.memref_slice %arg6[%dma_wait3A_84, %dma_wait3A_85] : memref<256x128xf32, #tpu.memory_space<vmem>> -> memref<128x128xf32, #tpu.memory_space<vmem>>
    tpu.wait_dma2 semaphore(%arg8 : memref<!tpu.dma_semaphore, #tpu.memory_space<semaphore_mem>>) src(%dma_wait3A_86 : memref<128x128xf32, #tpu.memory_space<vmem>>) dst(%dma_wait3A_83 : memref<128x128xf32, #tpu.memory_space<hbm>>)
    return
  }
}

module attributes {stable_mosaic.version = 14 : i64} {
  func.func @_enc_body_pad(%arg0: i32, %arg1: memref<784x2048xf32, #tpu.memory_space<vmem>>, %arg2: memref<400x784xbf16, #tpu.memory_space<vmem>>, %arg3: memref<400x1xf32, #tpu.memory_space<vmem>>, %arg4: memref<32x400xbf16, #tpu.memory_space<vmem>>, %arg5: memref<32x1xf32, #tpu.memory_space<vmem>>, %arg6: memref<8192x32xf32, #tpu.memory_space<vmem>>, %arg7: memref<32x2048xf32, #tpu.memory_space<vmem>>, %arg8: memref<1x2048xi32, #tpu.memory_space<vmem>>, %arg9: memref<2048x128xf32, #tpu.memory_space<vmem>>, %arg10: memref<8192x33xbf16, #tpu.memory_space<vmem>>, %arg11: memref<256x2048xbf16, #tpu.memory_space<vmem>>, %arg12: memref<256x2048xbf16, #tpu.memory_space<vmem>>) attributes {dimension_semantics = [#tpu.dimension_semantics<arbitrary>], iteration_bounds = array<i64: 4>, scalar_prefetch = 0 : i64, scratch_operands = 3 : i64, tpu.core_type = #tpu.core_type<tc>, window_params = [{transform_indices = @transform_0, window_bounds = array<i64: 784, 2048>}, {pipeline_mode = #tpu.pipeline_mode<synchronous>, transform_indices = @transform_1, window_bounds = array<i64: 400, 784>}, {pipeline_mode = #tpu.pipeline_mode<synchronous>, transform_indices = @transform_2, window_bounds = array<i64: 400, 1>}, {pipeline_mode = #tpu.pipeline_mode<synchronous>, transform_indices = @transform_3, window_bounds = array<i64: 32, 400>}, {pipeline_mode = #tpu.pipeline_mode<synchronous>, transform_indices = @transform_4, window_bounds = array<i64: 32, 1>}, {pipeline_mode = #tpu.pipeline_mode<synchronous>, transform_indices = @transform_5, window_bounds = array<i64: 8192, 32>}, {transform_indices = @transform_6, window_bounds = array<i64: 32, 2048>}, {transform_indices = @transform_7, window_bounds = array<i64: 1, 2048>}, {transform_indices = @transform_8, window_bounds = array<i64: 2048, 128>}]} {
    %mul3A = arith.constant 2048 : i32
    %mul3A_0 = arith.muli %arg0, %mul3A : i32
    %get3A = arith.index_cast %mul3A_0 : i32 to index
    %get3A_1 = arith.constant 0 : index
    %get3A_2 = vector.load %arg6[%get3A, %get3A_1] : memref<8192x32xf32, #tpu.memory_space<vmem>>, vector<2048x32xf32>
    %swap3A = arith.constant 0 : index
    %swap3A_3 = arith.constant 0 : index
    %swap3A_4 = vector.load %arg9[%swap3A, %swap3A_3] : memref<2048x128xf32, #tpu.memory_space<vmem>>, vector<2048x32xf32>
    tpu.vector_store %arg9[%swap3A, %swap3A_3], %get3A_2 {strides = array<i32>} : memref<2048x128xf32, #tpu.memory_space<vmem>>, vector<2048x32xf32>,
    %eq3A = arith.constant 0 : i32
    %eq3A_5 = arith.cmpi eq, %arg0, %eq3A : i32
    %convert_element_type3A = arith.extui %eq3A_5 : i1 to i32
    %cond3A = arith.constant 0 : i32
    %cond3A_6 = arith.cmpi ne, %convert_element_type3A, %cond3A : i32
    scf.if %cond3A_6 {
      %get3A_788 = arith.constant 0 : index
      %get3A_789 = arith.constant 0 : index
      %get3A_790 = vector.load %arg6[%get3A_788, %get3A_789] : memref<8192x32xf32, #tpu.memory_space<vmem>>, vector<8192x32xf32>
      %convert_element_type3A_791 = arith.truncf %get3A_790 : vector<8192x32xf32> to vector<8192x32xbf16>
      %swap3A_792 = arith.constant 0 : index
      %swap3A_793 = arith.constant 0 : index
      %swap3A_794 = vector.load %arg10[%swap3A_792, %swap3A_793] : memref<8192x33xbf16, #tpu.memory_space<vmem>>, vector<8192x32xbf16>
      tpu.vector_store %arg10[%swap3A_792, %swap3A_793], %convert_element_type3A_791 {strides = array<i32>} : memref<8192x33xbf16, #tpu.memory_space<vmem>>, vector<8192x32xbf16>,
      %mul3A_795 = arith.mulf %get3A_790, %get3A_790 : vector<8192x32xf32>
      %reduce_sum3A = arith.constant dense<0.000000e+00> : vector<8192xf32>
      %reduce_sum3A_796 = vector.multi_reduction <add>, %mul3A_795, %reduce_sum3A [1] : vector<8192x32xf32> to vector<8192xf32>
      %broadcast_in_dim3A_797 = vector.shape_cast %reduce_sum3A_796 : vector<8192xf32> to vector<8192x1xf32>
      %convert_element_type3A_798 = arith.truncf %broadcast_in_dim3A_797 : vector<8192x1xf32> to vector<8192x1xbf16>
      %swap3A_799 = arith.constant 0 : index
      %swap3A_800 = arith.constant 32 : index
      %swap3A_801 = vector.load %arg10[%swap3A_799, %swap3A_800] : memref<8192x33xbf16, #tpu.memory_space<vmem>>, vector<8192x1xbf16>
      tpu.vector_store %arg10[%swap3A_799, %swap3A_800], %convert_element_type3A_798 {strides = array<i32>} : memref<8192x33xbf16, #tpu.memory_space<vmem>>, vector<8192x1xbf16>,
    } else {
    }
    %get3A_7 = arith.constant 0 : index
    %get3A_8 = arith.constant 0 : index
    %get3A_9 = vector.load %arg1[%get3A_7, %get3A_8] : memref<784x2048xf32, #tpu.memory_space<vmem>>, vector<784x2048xf32>
    %convert_element_type3A_10 = arith.truncf %get3A_9 : vector<784x2048xf32> to vector<784x2048xbf16>
    %get3A_11 = arith.constant 0 : index
    %get3A_12 = arith.constant 0 : index
    %get3A_13 = vector.load %arg2[%get3A_11, %get3A_12] : memref<400x784xbf16, #tpu.memory_space<vmem>>, vector<400x784xbf16>
    %dot_general3A = arith.constant dense<0.000000e+00> : vector<400x2048xf32>
    %dot_general3A_14 = tpu.matmul %get3A_13, %convert_element_type3A_10, %dot_general3A {dimension_numbers = #tpu.dot_dimension_numbers<[1], [0], [0], [1], [0, 0, 1, 1], [], []>, transpose_lhs_hint = false} : vector<400x784xbf16>, vector<784x2048xbf16>, vector<400x2048xf32> -> vector<400x2048xf32>
    %get3A_15 = arith.constant 0 : index
    %get3A_16 = arith.constant 0 : index
    %get3A_17 = vector.load %arg3[%get3A_15, %get3A_16] : memref<400x1xf32, #tpu.memory_space<vmem>>, vector<400x1xf32>
    %add3A = vector.broadcast %get3A_17 : vector<400x1xf32> to vector<400x2048xf32>
    %add3A_18 = arith.addf %dot_general3A_14, %add3A : vector<400x2048xf32>
    %max3A = arith.constant 0.000000e+00 : f32
    %max3A_19 = vector.broadcast %max3A : f32 to vector<400x2048xf32>
    %max3A_20 = arith.maximumf %add3A_18, %max3A_19 : vector<400x2048xf32>
    %get3A_21 = arith.constant 0 : index
    %get3A_22 = arith.constant 0 : index
    %get3A_23 = vector.load %arg4[%get3A_21, %get3A_22] : memref<32x400xbf16, #tpu.memory_space<vmem>>, vector<32x400xbf16>
    %convert_element_type3A_24 = arith.truncf %max3A_20 : vector<400x2048xf32> to vector<400x2048xbf16>
    %dot_general3A_25 = arith.constant dense<0.000000e+00> : vector<32x2048xf32>
    %dot_general3A_26 = tpu.matmul %get3A_23, %convert_element_type3A_24, %dot_general3A_25 {dimension_numbers = #tpu.dot_dimension_numbers<[1], [0], [0], [1], [0, 0, 1, 1], [], []>, transpose_lhs_hint = false} : vector<32x400xbf16>, vector<400x2048xbf16>, vector<32x2048xf32> -> vector<32x2048xf32>
    %get3A_27 = arith.constant 0 : index
    %get3A_28 = arith.constant 0 : index
    %get3A_29 = vector.load %arg5[%get3A_27, %get3A_28] : memref<32x1xf32, #tpu.memory_space<vmem>>, vector<32x1xf32>
    %add3A_30 = vector.broadcast %get3A_29 : vector<32x1xf32> to vector<32x2048xf32>
    %add3A_31 = arith.addf %dot_general3A_26, %add3A_30 : vector<32x2048xf32>
    %swap3A_32 = arith.constant 0 : index
    %swap3A_33 = arith.constant 0 : index
    %swap3A_34 = vector.load %arg7[%swap3A_32, %swap3A_33] : memref<32x2048xf32, #tpu.memory_space<vmem>>, vector<32x2048xf32>
    tpu.vector_store %arg7[%swap3A_32, %swap3A_33], %add3A_31 {strides = array<i32>} : memref<32x2048xf32, #tpu.memory_space<vmem>>, vector<32x2048xf32>,
    %mul3A_35 = arith.constant -2.000000e+00 : f32
    %mul3A_36 = vector.broadcast %mul3A_35 : f32 to vector<32x2048xf32>
    %mul3A_37 = arith.mulf %mul3A_36, %add3A_31 : vector<32x2048xf32>
    %broadcast_in_dim3A = arith.constant 1.000000e+00 : f32
    %broadcast_in_dim3A_38 = vector.broadcast %broadcast_in_dim3A : f32 to vector<1x2048xf32>
    %concatenate3A = tpu.concatenate %mul3A_37, %broadcast_in_dim3A_38 in 0 : vector<32x2048xf32>, vector<1x2048xf32> -> vector<33x2048xf32>
    %convert_element_type3A_39 = arith.truncf %concatenate3A : vector<33x2048xf32> to vector<33x2048xbf16>
    %get3A_40 = arith.constant 0 : index
    %get3A_41 = arith.constant 0 : index
    %get3A_42 = vector.load %arg10[%get3A_40, %get3A_41] : memref<8192x33xbf16, #tpu.memory_space<vmem>>, vector<256x33xbf16>
    %dot_general3A_43 = arith.constant dense<0.000000e+00> : vector<256x2048xf32>
    %dot_general3A_44 = tpu.matmul %get3A_42, %convert_element_type3A_39, %dot_general3A_43 {dimension_numbers = #tpu.dot_dimension_numbers<[1], [0], [0], [1], [0, 0, 1, 1], [], []>, transpose_lhs_hint = false} : vector<256x33xbf16>, vector<33x2048xbf16>, vector<256x2048xf32> -> vector<256x2048xf32>
    %convert_element_type3A_45 = arith.truncf %dot_general3A_44 : vector<256x2048xf32> to vector<256x2048xbf16>
    %swap3A_46 = arith.constant 0 : index
    %swap3A_47 = arith.constant 0 : index
    %swap3A_48 = vector.load %arg11[%swap3A_46, %swap3A_47] : memref<256x2048xbf16, #tpu.memory_space<vmem>>, vector<256x2048xbf16>
    tpu.vector_store %arg11[%swap3A_46, %swap3A_47], %convert_element_type3A_45 {strides = array<i32>} : memref<256x2048xbf16, #tpu.memory_space<vmem>>, vector<256x2048xbf16>,
    %broadcast_in_dim3A_49 = arith.constant 0.000000e+00 : bf16
    %broadcast_in_dim3A_50 = vector.broadcast %broadcast_in_dim3A_49 : bf16 to vector<256x2048xbf16>
    %swap3A_51 = arith.constant 0 : index
    %swap3A_52 = arith.constant 0 : index
    %swap3A_53 = vector.load %arg12[%swap3A_51, %swap3A_52] : memref<256x2048xbf16, #tpu.memory_space<vmem>>, vector<256x2048xbf16>
    tpu.vector_store %arg12[%swap3A_51, %swap3A_52], %broadcast_in_dim3A_50 {strides = array<i32>} : memref<256x2048xbf16, #tpu.memory_space<vmem>>, vector<256x2048xbf16>,
    %get3A_54 = arith.constant 256 : index
    %get3A_55 = arith.constant 0 : index
    %get3A_56 = vector.load %arg10[%get3A_54, %get3A_55] : memref<8192x33xbf16, #tpu.memory_space<vmem>>, vector<256x33xbf16>
    %dot_general3A_57 = arith.constant dense<0.000000e+00> : vector<256x2048xf32>
    %dot_general3A_58 = tpu.matmul %get3A_56, %convert_element_type3A_39, %dot_general3A_57 {dimension_numbers = #tpu.dot_dimension_numbers<[1], [0], [0], [1], [0, 0, 1, 1], [], []>, transpose_lhs_hint = false} : vector<256x33xbf16>, vector<33x2048xbf16>, vector<256x2048xf32> -> vector<256x2048xf32>
    %convert_element_type3A_59 = arith.truncf %dot_general3A_58 : vector<256x2048xf32> to vector<256x2048xbf16>
    %get3A_60 = arith.constant 0 : index
    %get3A_61 = arith.constant 0 : index
    %get3A_62 = vector.load %arg11[%get3A_60, %get3A_61] : memref<256x2048xbf16, #tpu.memory_space<vmem>>, vector<256x2048xbf16>
    %lt3A = arith.cmpf olt, %convert_element_type3A_59, %get3A_62 : vector<256x2048xbf16>
    %select_n3A = arith.select %lt3A, %convert_element_type3A_59, %get3A_62 : vector<256x2048xi1>, vector<256x2048xbf16>
    %swap3A_63 = arith.constant 0 : index
    %swap3A_64 = arith.constant 0 : index
    %swap3A_65 = vector.load %arg11[%swap3A_63, %swap3A_64] : memref<256x2048xbf16, #tpu.memory_space<vmem>>, vector<256x2048xbf16>
    tpu.vector_store %arg11[%swap3A_63, %swap3A_64], %select_n3A {strides = array<i32>} : memref<256x2048xbf16, #tpu.memory_space<vmem>>, vector<256x2048xbf16>,
    %get3A_66 = arith.constant 0 : index
    %get3A_67 = arith.constant 0 : index
    %get3A_68 = vector.load %arg12[%get3A_66, %get3A_67] : memref<256x2048xbf16, #tpu.memory_space<vmem>>, vector<256x2048xbf16>
    %jit3A = arith.constant 1.000000e+00 : bf16
    %broadcast_in_dim3A_69 = vector.broadcast %jit3A : bf16 to vector<256x2048xbf16>
    %select_n3A_70 = arith.select %lt3A, %broadcast_in_dim3A_69, %get3A_68 : vector<256x2048xi1>, vector<256x2048xbf16>
    %swap3A_71 = arith.constant 0 : index
    %swap3A_72 = arith.constant 0 : index
    %swap3A_73 = vector.load %arg12[%swap3A_71, %swap3A_72] : memref<256x2048xbf16, #tpu.memory_space<vmem>>, vector<256x2048xbf16>
    tpu.vector_store %arg12[%swap3A_71, %swap3A_72], %select_n3A_70 {strides = array<i32>} : memref<256x2048xbf16, #tpu.memory_space<vmem>>, vector<256x2048xbf16>,
    %get3A_74 = arith.constant 512 : index
    %get3A_75 = arith.constant 0 : index
    %get3A_76 = vector.load %arg10[%get3A_74, %get3A_75] : memref<8192x33xbf16, #tpu.memory_space<vmem>>, vector<256x33xbf16>
    %dot_general3A_77 = arith.constant dense<0.000000e+00> : vector<256x2048xf32>
    %dot_general3A_78 = tpu.matmul %get3A_76, %convert_element_type3A_39, %dot_general3A_77 {dimension_numbers = #tpu.dot_dimension_numbers<[1], [0], [0], [1], [0, 0, 1, 1], [], []>, transpose_lhs_hint = false} : vector<256x33xbf16>, vector<33x2048xbf16>, vector<256x2048xf32> -> vector<256x2048xf32>
    %convert_element_type3A_79 = arith.truncf %dot_general3A_78 : vector<256x2048xf32> to vector<256x2048xbf16>
    %get3A_80 = arith.constant 0 : index
    %get3A_81 = arith.constant 0 : index
    %get3A_82 = vector.load %arg11[%get3A_80, %get3A_81] : memref<256x2048xbf16, #tpu.memory_space<vmem>>, vector<256x2048xbf16>
    %lt3A_83 = arith.cmpf olt, %convert_element_type3A_79, %get3A_82 : vector<256x2048xbf16>
    %select_n3A_84 = arith.select %lt3A_83, %convert_element_type3A_79, %get3A_82 : vector<256x2048xi1>, vector<256x2048xbf16>
    %swap3A_85 = arith.constant 0 : index
    %swap3A_86 = arith.constant 0 : index
    %swap3A_87 = vector.load %arg11[%swap3A_85, %swap3A_86] : memref<256x2048xbf16, #tpu.memory_space<vmem>>, vector<256x2048xbf16>
    tpu.vector_store %arg11[%swap3A_85, %swap3A_86], %select_n3A_84 {strides = array<i32>} : memref<256x2048xbf16, #tpu.memory_space<vmem>>, vector<256x2048xbf16>,
    %get3A_88 = arith.constant 0 : index
    %get3A_89 = arith.constant 0 : index
    %get3A_90 = vector.load %arg12[%get3A_88, %get3A_89] : memref<256x2048xbf16, #tpu.memory_space<vmem>>, vector<256x2048xbf16>
    %jit3A_91 = arith.constant 2.000000e+00 : bf16
    %broadcast_in_dim3A_92 = vector.broadcast %jit3A_91 : bf16 to vector<256x2048xbf16>
    %select_n3A_93 = arith.select %lt3A_83, %broadcast_in_dim3A_92, %get3A_90 : vector<256x2048xi1>, vector<256x2048xbf16>
    %swap3A_94 = arith.constant 0 : index
    %swap3A_95 = arith.constant 0 : index
    %swap3A_96 = vector.load %arg12[%swap3A_94, %swap3A_95] : memref<256x2048xbf16, #tpu.memory_space<vmem>>, vector<256x2048xbf16>
    tpu.vector_store %arg12[%swap3A_94, %swap3A_95], %select_n3A_93 {strides = array<i32>} : memref<256x2048xbf16, #tpu.memory_space<vmem>>, vector<256x2048xbf16>,
    %get3A_97 = arith.constant 768 : index
    %get3A_98 = arith.constant 0 : index
    %get3A_99 = vector.load %arg10[%get3A_97, %get3A_98] : memref<8192x33xbf16, #tpu.memory_space<vmem>>, vector<256x33xbf16>
    %dot_general3A_100 = arith.constant dense<0.000000e+00> : vector<256x2048xf32>
    %dot_general3A_101 = tpu.matmul %get3A_99, %convert_element_type3A_39, %dot_general3A_100 {dimension_numbers = #tpu.dot_dimension_numbers<[1], [0], [0], [1], [0, 0, 1, 1], [], []>, transpose_lhs_hint = false} : vector<256x33xbf16>, vector<33x2048xbf16>, vector<256x2048xf32> -> vector<256x2048xf32>
    %convert_element_type3A_102 = arith.truncf %dot_general3A_101 : vector<256x2048xf32> to vector<256x2048xbf16>
    %get3A_103 = arith.constant 0 : index
    %get3A_104 = arith.constant 0 : index
    %get3A_105 = vector.load %arg11[%get3A_103, %get3A_104] : memref<256x2048xbf16, #tpu.memory_space<vmem>>, vector<256x2048xbf16>
    %lt3A_106 = arith.cmpf olt, %convert_element_type3A_102, %get3A_105 : vector<256x2048xbf16>
    %select_n3A_107 = arith.select %lt3A_106, %convert_element_type3A_102, %get3A_105 : vector<256x2048xi1>, vector<256x2048xbf16>
    %swap3A_108 = arith.constant 0 : index
    %swap3A_109 = arith.constant 0 : index
    %swap3A_110 = vector.load %arg11[%swap3A_108, %swap3A_109] : memref<256x2048xbf16, #tpu.memory_space<vmem>>, vector<256x2048xbf16>
    tpu.vector_store %arg11[%swap3A_108, %swap3A_109], %select_n3A_107 {strides = array<i32>} : memref<256x2048xbf16, #tpu.memory_space<vmem>>, vector<256x2048xbf16>,
    %get3A_111 = arith.constant 0 : index
    %get3A_112 = arith.constant 0 : index
    %get3A_113 = vector.load %arg12[%get3A_111, %get3A_112] : memref<256x2048xbf16, #tpu.memory_space<vmem>>, vector<256x2048xbf16>
    %jit3A_114 = arith.constant 3.000000e+00 : bf16
    %broadcast_in_dim3A_115 = vector.broadcast %jit3A_114 : bf16 to vector<256x2048xbf16>
    %select_n3A_116 = arith.select %lt3A_106, %broadcast_in_dim3A_115, %get3A_113 : vector<256x2048xi1>, vector<256x2048xbf16>
    %swap3A_117 = arith.constant 0 : index
    %swap3A_118 = arith.constant 0 : index
    %swap3A_119 = vector.load %arg12[%swap3A_117, %swap3A_118] : memref<256x2048xbf16, #tpu.memory_space<vmem>>, vector<256x2048xbf16>
    tpu.vector_store %arg12[%swap3A_117, %swap3A_118], %select_n3A_116 {strides = array<i32>} : memref<256x2048xbf16, #tpu.memory_space<vmem>>, vector<256x2048xbf16>,
    %get3A_120 = arith.constant 1024 : index
    %get3A_121 = arith.constant 0 : index
    %get3A_122 = vector.load %arg10[%get3A_120, %get3A_121] : memref<8192x33xbf16, #tpu.memory_space<vmem>>, vector<256x33xbf16>
    %dot_general3A_123 = arith.constant dense<0.000000e+00> : vector<256x2048xf32>
    %dot_general3A_124 = tpu.matmul %get3A_122, %convert_element_type3A_39, %dot_general3A_123 {dimension_numbers = #tpu.dot_dimension_numbers<[1], [0], [0], [1], [0, 0, 1, 1], [], []>, transpose_lhs_hint = false} : vector<256x33xbf16>, vector<33x2048xbf16>, vector<256x2048xf32> -> vector<256x2048xf32>
    %convert_element_type3A_125 = arith.truncf %dot_general3A_124 : vector<256x2048xf32> to vector<256x2048xbf16>
    %get3A_126 = arith.constant 0 : index
    %get3A_127 = arith.constant 0 : index
    %get3A_128 = vector.load %arg11[%get3A_126, %get3A_127] : memref<256x2048xbf16, #tpu.memory_space<vmem>>, vector<256x2048xbf16>
    %lt3A_129 = arith.cmpf olt, %convert_element_type3A_125, %get3A_128 : vector<256x2048xbf16>
    %select_n3A_130 = arith.select %lt3A_129, %convert_element_type3A_125, %get3A_128 : vector<256x2048xi1>, vector<256x2048xbf16>
    %swap3A_131 = arith.constant 0 : index
    %swap3A_132 = arith.constant 0 : index
    %swap3A_133 = vector.load %arg11[%swap3A_131, %swap3A_132] : memref<256x2048xbf16, #tpu.memory_space<vmem>>, vector<256x2048xbf16>
    tpu.vector_store %arg11[%swap3A_131, %swap3A_132], %select_n3A_130 {strides = array<i32>} : memref<256x2048xbf16, #tpu.memory_space<vmem>>, vector<256x2048xbf16>,
    %get3A_134 = arith.constant 0 : index
    %get3A_135 = arith.constant 0 : index
    %get3A_136 = vector.load %arg12[%get3A_134, %get3A_135] : memref<256x2048xbf16, #tpu.memory_space<vmem>>, vector<256x2048xbf16>
    %jit3A_137 = arith.constant 4.000000e+00 : bf16
    %broadcast_in_dim3A_138 = vector.broadcast %jit3A_137 : bf16 to vector<256x2048xbf16>
    %select_n3A_139 = arith.select %lt3A_129, %broadcast_in_dim3A_138, %get3A_136 : vector<256x2048xi1>, vector<256x2048xbf16>
    %swap3A_140 = arith.constant 0 : index
    %swap3A_141 = arith.constant 0 : index
    %swap3A_142 = vector.load %arg12[%swap3A_140, %swap3A_141] : memref<256x2048xbf16, #tpu.memory_space<vmem>>, vector<256x2048xbf16>
    tpu.vector_store %arg12[%swap3A_140, %swap3A_141], %select_n3A_139 {strides = array<i32>} : memref<256x2048xbf16, #tpu.memory_space<vmem>>, vector<256x2048xbf16>,
    %get3A_143 = arith.constant 1280 : index
    %get3A_144 = arith.constant 0 : index
    %get3A_145 = vector.load %arg10[%get3A_143, %get3A_144] : memref<8192x33xbf16, #tpu.memory_space<vmem>>, vector<256x33xbf16>
    %dot_general3A_146 = arith.constant dense<0.000000e+00> : vector<256x2048xf32>
    %dot_general3A_147 = tpu.matmul %get3A_145, %convert_element_type3A_39, %dot_general3A_146 {dimension_numbers = #tpu.dot_dimension_numbers<[1], [0], [0], [1], [0, 0, 1, 1], [], []>, transpose_lhs_hint = false} : vector<256x33xbf16>, vector<33x2048xbf16>, vector<256x2048xf32> -> vector<256x2048xf32>
    %convert_element_type3A_148 = arith.truncf %dot_general3A_147 : vector<256x2048xf32> to vector<256x2048xbf16>
    %get3A_149 = arith.constant 0 : index
    %get3A_150 = arith.constant 0 : index
    %get3A_151 = vector.load %arg11[%get3A_149, %get3A_150] : memref<256x2048xbf16, #tpu.memory_space<vmem>>, vector<256x2048xbf16>
    %lt3A_152 = arith.cmpf olt, %convert_element_type3A_148, %get3A_151 : vector<256x2048xbf16>
    %select_n3A_153 = arith.select %lt3A_152, %convert_element_type3A_148, %get3A_151 : vector<256x2048xi1>, vector<256x2048xbf16>
    %swap3A_154 = arith.constant 0 : index
    %swap3A_155 = arith.constant 0 : index
    %swap3A_156 = vector.load %arg11[%swap3A_154, %swap3A_155] : memref<256x2048xbf16, #tpu.memory_space<vmem>>, vector<256x2048xbf16>
    tpu.vector_store %arg11[%swap3A_154, %swap3A_155], %select_n3A_153 {strides = array<i32>} : memref<256x2048xbf16, #tpu.memory_space<vmem>>, vector<256x2048xbf16>,
    %get3A_157 = arith.constant 0 : index
    %get3A_158 = arith.constant 0 : index
    %get3A_159 = vector.load %arg12[%get3A_157, %get3A_158] : memref<256x2048xbf16, #tpu.memory_space<vmem>>, vector<256x2048xbf16>
    %jit3A_160 = arith.constant 5.000000e+00 : bf16
    %broadcast_in_dim3A_161 = vector.broadcast %jit3A_160 : bf16 to vector<256x2048xbf16>
    %select_n3A_162 = arith.select %lt3A_152, %broadcast_in_dim3A_161, %get3A_159 : vector<256x2048xi1>, vector<256x2048xbf16>
    %swap3A_163 = arith.constant 0 : index
    %swap3A_164 = arith.constant 0 : index
    %swap3A_165 = vector.load %arg12[%swap3A_163, %swap3A_164] : memref<256x2048xbf16, #tpu.memory_space<vmem>>, vector<256x2048xbf16>
    tpu.vector_store %arg12[%swap3A_163, %swap3A_164], %select_n3A_162 {strides = array<i32>} : memref<256x2048xbf16, #tpu.memory_space<vmem>>, vector<256x2048xbf16>,
    %get3A_166 = arith.constant 1536 : index
    %get3A_167 = arith.constant 0 : index
    %get3A_168 = vector.load %arg10[%get3A_166, %get3A_167] : memref<8192x33xbf16, #tpu.memory_space<vmem>>, vector<256x33xbf16>
    %dot_general3A_169 = arith.constant dense<0.000000e+00> : vector<256x2048xf32>
    %dot_general3A_170 = tpu.matmul %get3A_168, %convert_element_type3A_39, %dot_general3A_169 {dimension_numbers = #tpu.dot_dimension_numbers<[1], [0], [0], [1], [0, 0, 1, 1], [], []>, transpose_lhs_hint = false} : vector<256x33xbf16>, vector<33x2048xbf16>, vector<256x2048xf32> -> vector<256x2048xf32>
    %convert_element_type3A_171 = arith.truncf %dot_general3A_170 : vector<256x2048xf32> to vector<256x2048xbf16>
    %get3A_172 = arith.constant 0 : index
    %get3A_173 = arith.constant 0 : index
    %get3A_174 = vector.load %arg11[%get3A_172, %get3A_173] : memref<256x2048xbf16, #tpu.memory_space<vmem>>, vector<256x2048xbf16>
    %lt3A_175 = arith.cmpf olt, %convert_element_type3A_171, %get3A_174 : vector<256x2048xbf16>
    %select_n3A_176 = arith.select %lt3A_175, %convert_element_type3A_171, %get3A_174 : vector<256x2048xi1>, vector<256x2048xbf16>
    %swap3A_177 = arith.constant 0 : index
    %swap3A_178 = arith.constant 0 : index
    %swap3A_179 = vector.load %arg11[%swap3A_177, %swap3A_178] : memref<256x2048xbf16, #tpu.memory_space<vmem>>, vector<256x2048xbf16>
    tpu.vector_store %arg11[%swap3A_177, %swap3A_178], %select_n3A_176 {strides = array<i32>} : memref<256x2048xbf16, #tpu.memory_space<vmem>>, vector<256x2048xbf16>,
    %get3A_180 = arith.constant 0 : index
    %get3A_181 = arith.constant 0 : index
    %get3A_182 = vector.load %arg12[%get3A_180, %get3A_181] : memref<256x2048xbf16, #tpu.memory_space<vmem>>, vector<256x2048xbf16>
    %jit3A_183 = arith.constant 6.000000e+00 : bf16
    %broadcast_in_dim3A_184 = vector.broadcast %jit3A_183 : bf16 to vector<256x2048xbf16>
    %select_n3A_185 = arith.select %lt3A_175, %broadcast_in_dim3A_184, %get3A_182 : vector<256x2048xi1>, vector<256x2048xbf16>
    %swap3A_186 = arith.constant 0 : index
    %swap3A_187 = arith.constant 0 : index
    %swap3A_188 = vector.load %arg12[%swap3A_186, %swap3A_187] : memref<256x2048xbf16, #tpu.memory_space<vmem>>, vector<256x2048xbf16>
    tpu.vector_store %arg12[%swap3A_186, %swap3A_187], %select_n3A_185 {strides = array<i32>} : memref<256x2048xbf16, #tpu.memory_space<vmem>>, vector<256x2048xbf16>,
    %get3A_189 = arith.constant 1792 : index
    %get3A_190 = arith.constant 0 : index
    %get3A_191 = vector.load %arg10[%get3A_189, %get3A_190] : memref<8192x33xbf16, #tpu.memory_space<vmem>>, vector<256x33xbf16>
    %dot_general3A_192 = arith.constant dense<0.000000e+00> : vector<256x2048xf32>
    %dot_general3A_193 = tpu.matmul %get3A_191, %convert_element_type3A_39, %dot_general3A_192 {dimension_numbers = #tpu.dot_dimension_numbers<[1], [0], [0], [1], [0, 0, 1, 1], [], []>, transpose_lhs_hint = false} : vector<256x33xbf16>, vector<33x2048xbf16>, vector<256x2048xf32> -> vector<256x2048xf32>
    %convert_element_type3A_194 = arith.truncf %dot_general3A_193 : vector<256x2048xf32> to vector<256x2048xbf16>
    %get3A_195 = arith.constant 0 : index
    %get3A_196 = arith.constant 0 : index
    %get3A_197 = vector.load %arg11[%get3A_195, %get3A_196] : memref<256x2048xbf16, #tpu.memory_space<vmem>>, vector<256x2048xbf16>
    %lt3A_198 = arith.cmpf olt, %convert_element_type3A_194, %get3A_197 : vector<256x2048xbf16>
    %select_n3A_199 = arith.select %lt3A_198, %convert_element_type3A_194, %get3A_197 : vector<256x2048xi1>, vector<256x2048xbf16>
    %swap3A_200 = arith.constant 0 : index
    %swap3A_201 = arith.constant 0 : index
    %swap3A_202 = vector.load %arg11[%swap3A_200, %swap3A_201] : memref<256x2048xbf16, #tpu.memory_space<vmem>>, vector<256x2048xbf16>
    tpu.vector_store %arg11[%swap3A_200, %swap3A_201], %select_n3A_199 {strides = array<i32>} : memref<256x2048xbf16, #tpu.memory_space<vmem>>, vector<256x2048xbf16>,
    %get3A_203 = arith.constant 0 : index
    %get3A_204 = arith.constant 0 : index
    %get3A_205 = vector.load %arg12[%get3A_203, %get3A_204] : memref<256x2048xbf16, #tpu.memory_space<vmem>>, vector<256x2048xbf16>
    %jit3A_206 = arith.constant 7.000000e+00 : bf16
    %broadcast_in_dim3A_207 = vector.broadcast %jit3A_206 : bf16 to vector<256x2048xbf16>
    %select_n3A_208 = arith.select %lt3A_198, %broadcast_in_dim3A_207, %get3A_205 : vector<256x2048xi1>, vector<256x2048xbf16>
    %swap3A_209 = arith.constant 0 : index
    %swap3A_210 = arith.constant 0 : index
    %swap3A_211 = vector.load %arg12[%swap3A_209, %swap3A_210] : memref<256x2048xbf16, #tpu.memory_space<vmem>>, vector<256x2048xbf16>
    tpu.vector_store %arg12[%swap3A_209, %swap3A_210], %select_n3A_208 {strides = array<i32>} : memref<256x2048xbf16, #tpu.memory_space<vmem>>, vector<256x2048xbf16>,
    %get3A_212 = arith.constant 2048 : index
    %get3A_213 = arith.constant 0 : index
    %get3A_214 = vector.load %arg10[%get3A_212, %get3A_213] : memref<8192x33xbf16, #tpu.memory_space<vmem>>, vector<256x33xbf16>
    %dot_general3A_215 = arith.constant dense<0.000000e+00> : vector<256x2048xf32>
    %dot_general3A_216 = tpu.matmul %get3A_214, %convert_element_type3A_39, %dot_general3A_215 {dimension_numbers = #tpu.dot_dimension_numbers<[1], [0], [0], [1], [0, 0, 1, 1], [], []>, transpose_lhs_hint = false} : vector<256x33xbf16>, vector<33x2048xbf16>, vector<256x2048xf32> -> vector<256x2048xf32>
    %convert_element_type3A_217 = arith.truncf %dot_general3A_216 : vector<256x2048xf32> to vector<256x2048xbf16>
    %get3A_218 = arith.constant 0 : index
    %get3A_219 = arith.constant 0 : index
    %get3A_220 = vector.load %arg11[%get3A_218, %get3A_219] : memref<256x2048xbf16, #tpu.memory_space<vmem>>, vector<256x2048xbf16>
    %lt3A_221 = arith.cmpf olt, %convert_element_type3A_217, %get3A_220 : vector<256x2048xbf16>
    %select_n3A_222 = arith.select %lt3A_221, %convert_element_type3A_217, %get3A_220 : vector<256x2048xi1>, vector<256x2048xbf16>
    %swap3A_223 = arith.constant 0 : index
    %swap3A_224 = arith.constant 0 : index
    %swap3A_225 = vector.load %arg11[%swap3A_223, %swap3A_224] : memref<256x2048xbf16, #tpu.memory_space<vmem>>, vector<256x2048xbf16>
    tpu.vector_store %arg11[%swap3A_223, %swap3A_224], %select_n3A_222 {strides = array<i32>} : memref<256x2048xbf16, #tpu.memory_space<vmem>>, vector<256x2048xbf16>,
    %get3A_226 = arith.constant 0 : index
    %get3A_227 = arith.constant 0 : index
    %get3A_228 = vector.load %arg12[%get3A_226, %get3A_227] : memref<256x2048xbf16, #tpu.memory_space<vmem>>, vector<256x2048xbf16>
    %jit3A_229 = arith.constant 8.000000e+00 : bf16
    %broadcast_in_dim3A_230 = vector.broadcast %jit3A_229 : bf16 to vector<256x2048xbf16>
    %select_n3A_231 = arith.select %lt3A_221, %broadcast_in_dim3A_230, %get3A_228 : vector<256x2048xi1>, vector<256x2048xbf16>
    %swap3A_232 = arith.constant 0 : index
    %swap3A_233 = arith.constant 0 : index
    %swap3A_234 = vector.load %arg12[%swap3A_232, %swap3A_233] : memref<256x2048xbf16, #tpu.memory_space<vmem>>, vector<256x2048xbf16>
    tpu.vector_store %arg12[%swap3A_232, %swap3A_233], %select_n3A_231 {strides = array<i32>} : memref<256x2048xbf16, #tpu.memory_space<vmem>>, vector<256x2048xbf16>,
    %get3A_235 = arith.constant 2304 : index
    %get3A_236 = arith.constant 0 : index
    %get3A_237 = vector.load %arg10[%get3A_235, %get3A_236] : memref<8192x33xbf16, #tpu.memory_space<vmem>>, vector<256x33xbf16>
    %dot_general3A_238 = arith.constant dense<0.000000e+00> : vector<256x2048xf32>
    %dot_general3A_239 = tpu.matmul %get3A_237, %convert_element_type3A_39, %dot_general3A_238 {dimension_numbers = #tpu.dot_dimension_numbers<[1], [0], [0], [1], [0, 0, 1, 1], [], []>, transpose_lhs_hint = false} : vector<256x33xbf16>, vector<33x2048xbf16>, vector<256x2048xf32> -> vector<256x2048xf32>
    %convert_element_type3A_240 = arith.truncf %dot_general3A_239 : vector<256x2048xf32> to vector<256x2048xbf16>
    %get3A_241 = arith.constant 0 : index
    %get3A_242 = arith.constant 0 : index
    %get3A_243 = vector.load %arg11[%get3A_241, %get3A_242] : memref<256x2048xbf16, #tpu.memory_space<vmem>>, vector<256x2048xbf16>
    %lt3A_244 = arith.cmpf olt, %convert_element_type3A_240, %get3A_243 : vector<256x2048xbf16>
    %select_n3A_245 = arith.select %lt3A_244, %convert_element_type3A_240, %get3A_243 : vector<256x2048xi1>, vector<256x2048xbf16>
    %swap3A_246 = arith.constant 0 : index
    %swap3A_247 = arith.constant 0 : index
    %swap3A_248 = vector.load %arg11[%swap3A_246, %swap3A_247] : memref<256x2048xbf16, #tpu.memory_space<vmem>>, vector<256x2048xbf16>
    tpu.vector_store %arg11[%swap3A_246, %swap3A_247], %select_n3A_245 {strides = array<i32>} : memref<256x2048xbf16, #tpu.memory_space<vmem>>, vector<256x2048xbf16>,
    %get3A_249 = arith.constant 0 : index
    %get3A_250 = arith.constant 0 : index
    %get3A_251 = vector.load %arg12[%get3A_249, %get3A_250] : memref<256x2048xbf16, #tpu.memory_space<vmem>>, vector<256x2048xbf16>
    %jit3A_252 = arith.constant 9.000000e+00 : bf16
    %broadcast_in_dim3A_253 = vector.broadcast %jit3A_252 : bf16 to vector<256x2048xbf16>
    %select_n3A_254 = arith.select %lt3A_244, %broadcast_in_dim3A_253, %get3A_251 : vector<256x2048xi1>, vector<256x2048xbf16>
    %swap3A_255 = arith.constant 0 : index
    %swap3A_256 = arith.constant 0 : index
    %swap3A_257 = vector.load %arg12[%swap3A_255, %swap3A_256] : memref<256x2048xbf16, #tpu.memory_space<vmem>>, vector<256x2048xbf16>
    tpu.vector_store %arg12[%swap3A_255, %swap3A_256], %select_n3A_254 {strides = array<i32>} : memref<256x2048xbf16, #tpu.memory_space<vmem>>, vector<256x2048xbf16>,
    %get3A_258 = arith.constant 2560 : index
    %get3A_259 = arith.constant 0 : index
    %get3A_260 = vector.load %arg10[%get3A_258, %get3A_259] : memref<8192x33xbf16, #tpu.memory_space<vmem>>, vector<256x33xbf16>
    %dot_general3A_261 = arith.constant dense<0.000000e+00> : vector<256x2048xf32>
    %dot_general3A_262 = tpu.matmul %get3A_260, %convert_element_type3A_39, %dot_general3A_261 {dimension_numbers = #tpu.dot_dimension_numbers<[1], [0], [0], [1], [0, 0, 1, 1], [], []>, transpose_lhs_hint = false} : vector<256x33xbf16>, vector<33x2048xbf16>, vector<256x2048xf32> -> vector<256x2048xf32>
    %convert_element_type3A_263 = arith.truncf %dot_general3A_262 : vector<256x2048xf32> to vector<256x2048xbf16>
    %get3A_264 = arith.constant 0 : index
    %get3A_265 = arith.constant 0 : index
    %get3A_266 = vector.load %arg11[%get3A_264, %get3A_265] : memref<256x2048xbf16, #tpu.memory_space<vmem>>, vector<256x2048xbf16>
    %lt3A_267 = arith.cmpf olt, %convert_element_type3A_263, %get3A_266 : vector<256x2048xbf16>
    %select_n3A_268 = arith.select %lt3A_267, %convert_element_type3A_263, %get3A_266 : vector<256x2048xi1>, vector<256x2048xbf16>
    %swap3A_269 = arith.constant 0 : index
    %swap3A_270 = arith.constant 0 : index
    %swap3A_271 = vector.load %arg11[%swap3A_269, %swap3A_270] : memref<256x2048xbf16, #tpu.memory_space<vmem>>, vector<256x2048xbf16>
    tpu.vector_store %arg11[%swap3A_269, %swap3A_270], %select_n3A_268 {strides = array<i32>} : memref<256x2048xbf16, #tpu.memory_space<vmem>>, vector<256x2048xbf16>,
    %get3A_272 = arith.constant 0 : index
    %get3A_273 = arith.constant 0 : index
    %get3A_274 = vector.load %arg12[%get3A_272, %get3A_273] : memref<256x2048xbf16, #tpu.memory_space<vmem>>, vector<256x2048xbf16>
    %jit3A_275 = arith.constant 1.000000e+01 : bf16
    %broadcast_in_dim3A_276 = vector.broadcast %jit3A_275 : bf16 to vector<256x2048xbf16>
    %select_n3A_277 = arith.select %lt3A_267, %broadcast_in_dim3A_276, %get3A_274 : vector<256x2048xi1>, vector<256x2048xbf16>
    %swap3A_278 = arith.constant 0 : index
    %swap3A_279 = arith.constant 0 : index
    %swap3A_280 = vector.load %arg12[%swap3A_278, %swap3A_279] : memref<256x2048xbf16, #tpu.memory_space<vmem>>, vector<256x2048xbf16>
    tpu.vector_store %arg12[%swap3A_278, %swap3A_279], %select_n3A_277 {strides = array<i32>} : memref<256x2048xbf16, #tpu.memory_space<vmem>>, vector<256x2048xbf16>,
    %get3A_281 = arith.constant 2816 : index
    %get3A_282 = arith.constant 0 : index
    %get3A_283 = vector.load %arg10[%get3A_281, %get3A_282] : memref<8192x33xbf16, #tpu.memory_space<vmem>>, vector<256x33xbf16>
    %dot_general3A_284 = arith.constant dense<0.000000e+00> : vector<256x2048xf32>
    %dot_general3A_285 = tpu.matmul %get3A_283, %convert_element_type3A_39, %dot_general3A_284 {dimension_numbers = #tpu.dot_dimension_numbers<[1], [0], [0], [1], [0, 0, 1, 1], [], []>, transpose_lhs_hint = false} : vector<256x33xbf16>, vector<33x2048xbf16>, vector<256x2048xf32> -> vector<256x2048xf32>
    %convert_element_type3A_286 = arith.truncf %dot_general3A_285 : vector<256x2048xf32> to vector<256x2048xbf16>
    %get3A_287 = arith.constant 0 : index
    %get3A_288 = arith.constant 0 : index
    %get3A_289 = vector.load %arg11[%get3A_287, %get3A_288] : memref<256x2048xbf16, #tpu.memory_space<vmem>>, vector<256x2048xbf16>
    %lt3A_290 = arith.cmpf olt, %convert_element_type3A_286, %get3A_289 : vector<256x2048xbf16>
    %select_n3A_291 = arith.select %lt3A_290, %convert_element_type3A_286, %get3A_289 : vector<256x2048xi1>, vector<256x2048xbf16>
    %swap3A_292 = arith.constant 0 : index
    %swap3A_293 = arith.constant 0 : index
    %swap3A_294 = vector.load %arg11[%swap3A_292, %swap3A_293] : memref<256x2048xbf16, #tpu.memory_space<vmem>>, vector<256x2048xbf16>
    tpu.vector_store %arg11[%swap3A_292, %swap3A_293], %select_n3A_291 {strides = array<i32>} : memref<256x2048xbf16, #tpu.memory_space<vmem>>, vector<256x2048xbf16>,
    %get3A_295 = arith.constant 0 : index
    %get3A_296 = arith.constant 0 : index
    %get3A_297 = vector.load %arg12[%get3A_295, %get3A_296] : memref<256x2048xbf16, #tpu.memory_space<vmem>>, vector<256x2048xbf16>
    %jit3A_298 = arith.constant 1.100000e+01 : bf16
    %broadcast_in_dim3A_299 = vector.broadcast %jit3A_298 : bf16 to vector<256x2048xbf16>
    %select_n3A_300 = arith.select %lt3A_290, %broadcast_in_dim3A_299, %get3A_297 : vector<256x2048xi1>, vector<256x2048xbf16>
    %swap3A_301 = arith.constant 0 : index
    %swap3A_302 = arith.constant 0 : index
    %swap3A_303 = vector.load %arg12[%swap3A_301, %swap3A_302] : memref<256x2048xbf16, #tpu.memory_space<vmem>>, vector<256x2048xbf16>
    tpu.vector_store %arg12[%swap3A_301, %swap3A_302], %select_n3A_300 {strides = array<i32>} : memref<256x2048xbf16, #tpu.memory_space<vmem>>, vector<256x2048xbf16>,
    %get3A_304 = arith.constant 3072 : index
    %get3A_305 = arith.constant 0 : index
    %get3A_306 = vector.load %arg10[%get3A_304, %get3A_305] : memref<8192x33xbf16, #tpu.memory_space<vmem>>, vector<256x33xbf16>
    %dot_general3A_307 = arith.constant dense<0.000000e+00> : vector<256x2048xf32>
    %dot_general3A_308 = tpu.matmul %get3A_306, %convert_element_type3A_39, %dot_general3A_307 {dimension_numbers = #tpu.dot_dimension_numbers<[1], [0], [0], [1], [0, 0, 1, 1], [], []>, transpose_lhs_hint = false} : vector<256x33xbf16>, vector<33x2048xbf16>, vector<256x2048xf32> -> vector<256x2048xf32>
    %convert_element_type3A_309 = arith.truncf %dot_general3A_308 : vector<256x2048xf32> to vector<256x2048xbf16>
    %get3A_310 = arith.constant 0 : index
    %get3A_311 = arith.constant 0 : index
    %get3A_312 = vector.load %arg11[%get3A_310, %get3A_311] : memref<256x2048xbf16, #tpu.memory_space<vmem>>, vector<256x2048xbf16>
    %lt3A_313 = arith.cmpf olt, %convert_element_type3A_309, %get3A_312 : vector<256x2048xbf16>
    %select_n3A_314 = arith.select %lt3A_313, %convert_element_type3A_309, %get3A_312 : vector<256x2048xi1>, vector<256x2048xbf16>
    %swap3A_315 = arith.constant 0 : index
    %swap3A_316 = arith.constant 0 : index
    %swap3A_317 = vector.load %arg11[%swap3A_315, %swap3A_316] : memref<256x2048xbf16, #tpu.memory_space<vmem>>, vector<256x2048xbf16>
    tpu.vector_store %arg11[%swap3A_315, %swap3A_316], %select_n3A_314 {strides = array<i32>} : memref<256x2048xbf16, #tpu.memory_space<vmem>>, vector<256x2048xbf16>,
    %get3A_318 = arith.constant 0 : index
    %get3A_319 = arith.constant 0 : index
    %get3A_320 = vector.load %arg12[%get3A_318, %get3A_319] : memref<256x2048xbf16, #tpu.memory_space<vmem>>, vector<256x2048xbf16>
    %jit3A_321 = arith.constant 1.200000e+01 : bf16
    %broadcast_in_dim3A_322 = vector.broadcast %jit3A_321 : bf16 to vector<256x2048xbf16>
    %select_n3A_323 = arith.select %lt3A_313, %broadcast_in_dim3A_322, %get3A_320 : vector<256x2048xi1>, vector<256x2048xbf16>
    %swap3A_324 = arith.constant 0 : index
    %swap3A_325 = arith.constant 0 : index
    %swap3A_326 = vector.load %arg12[%swap3A_324, %swap3A_325] : memref<256x2048xbf16, #tpu.memory_space<vmem>>, vector<256x2048xbf16>
    tpu.vector_store %arg12[%swap3A_324, %swap3A_325], %select_n3A_323 {strides = array<i32>} : memref<256x2048xbf16, #tpu.memory_space<vmem>>, vector<256x2048xbf16>,
    %get3A_327 = arith.constant 3328 : index
    %get3A_328 = arith.constant 0 : index
    %get3A_329 = vector.load %arg10[%get3A_327, %get3A_328] : memref<8192x33xbf16, #tpu.memory_space<vmem>>, vector<256x33xbf16>
    %dot_general3A_330 = arith.constant dense<0.000000e+00> : vector<256x2048xf32>
    %dot_general3A_331 = tpu.matmul %get3A_329, %convert_element_type3A_39, %dot_general3A_330 {dimension_numbers = #tpu.dot_dimension_numbers<[1], [0], [0], [1], [0, 0, 1, 1], [], []>, transpose_lhs_hint = false} : vector<256x33xbf16>, vector<33x2048xbf16>, vector<256x2048xf32> -> vector<256x2048xf32>
    %convert_element_type3A_332 = arith.truncf %dot_general3A_331 : vector<256x2048xf32> to vector<256x2048xbf16>
    %get3A_333 = arith.constant 0 : index
    %get3A_334 = arith.constant 0 : index
    %get3A_335 = vector.load %arg11[%get3A_333, %get3A_334] : memref<256x2048xbf16, #tpu.memory_space<vmem>>, vector<256x2048xbf16>
    %lt3A_336 = arith.cmpf olt, %convert_element_type3A_332, %get3A_335 : vector<256x2048xbf16>
    %select_n3A_337 = arith.select %lt3A_336, %convert_element_type3A_332, %get3A_335 : vector<256x2048xi1>, vector<256x2048xbf16>
    %swap3A_338 = arith.constant 0 : index
    %swap3A_339 = arith.constant 0 : index
    %swap3A_340 = vector.load %arg11[%swap3A_338, %swap3A_339] : memref<256x2048xbf16, #tpu.memory_space<vmem>>, vector<256x2048xbf16>
    tpu.vector_store %arg11[%swap3A_338, %swap3A_339], %select_n3A_337 {strides = array<i32>} : memref<256x2048xbf16, #tpu.memory_space<vmem>>, vector<256x2048xbf16>,
    %get3A_341 = arith.constant 0 : index
    %get3A_342 = arith.constant 0 : index
    %get3A_343 = vector.load %arg12[%get3A_341, %get3A_342] : memref<256x2048xbf16, #tpu.memory_space<vmem>>, vector<256x2048xbf16>
    %jit3A_344 = arith.constant 1.300000e+01 : bf16
    %broadcast_in_dim3A_345 = vector.broadcast %jit3A_344 : bf16 to vector<256x2048xbf16>
    %select_n3A_346 = arith.select %lt3A_336, %broadcast_in_dim3A_345, %get3A_343 : vector<256x2048xi1>, vector<256x2048xbf16>
    %swap3A_347 = arith.constant 0 : index
    %swap3A_348 = arith.constant 0 : index
    %swap3A_349 = vector.load %arg12[%swap3A_347, %swap3A_348] : memref<256x2048xbf16, #tpu.memory_space<vmem>>, vector<256x2048xbf16>
    tpu.vector_store %arg12[%swap3A_347, %swap3A_348], %select_n3A_346 {strides = array<i32>} : memref<256x2048xbf16, #tpu.memory_space<vmem>>, vector<256x2048xbf16>,
    %get3A_350 = arith.constant 3584 : index
    %get3A_351 = arith.constant 0 : index
    %get3A_352 = vector.load %arg10[%get3A_350, %get3A_351] : memref<8192x33xbf16, #tpu.memory_space<vmem>>, vector<256x33xbf16>
    %dot_general3A_353 = arith.constant dense<0.000000e+00> : vector<256x2048xf32>
    %dot_general3A_354 = tpu.matmul %get3A_352, %convert_element_type3A_39, %dot_general3A_353 {dimension_numbers = #tpu.dot_dimension_numbers<[1], [0], [0], [1], [0, 0, 1, 1], [], []>, transpose_lhs_hint = false} : vector<256x33xbf16>, vector<33x2048xbf16>, vector<256x2048xf32> -> vector<256x2048xf32>
    %convert_element_type3A_355 = arith.truncf %dot_general3A_354 : vector<256x2048xf32> to vector<256x2048xbf16>
    %get3A_356 = arith.constant 0 : index
    %get3A_357 = arith.constant 0 : index
    %get3A_358 = vector.load %arg11[%get3A_356, %get3A_357] : memref<256x2048xbf16, #tpu.memory_space<vmem>>, vector<256x2048xbf16>
    %lt3A_359 = arith.cmpf olt, %convert_element_type3A_355, %get3A_358 : vector<256x2048xbf16>
    %select_n3A_360 = arith.select %lt3A_359, %convert_element_type3A_355, %get3A_358 : vector<256x2048xi1>, vector<256x2048xbf16>
    %swap3A_361 = arith.constant 0 : index
    %swap3A_362 = arith.constant 0 : index
    %swap3A_363 = vector.load %arg11[%swap3A_361, %swap3A_362] : memref<256x2048xbf16, #tpu.memory_space<vmem>>, vector<256x2048xbf16>
    tpu.vector_store %arg11[%swap3A_361, %swap3A_362], %select_n3A_360 {strides = array<i32>} : memref<256x2048xbf16, #tpu.memory_space<vmem>>, vector<256x2048xbf16>,
    %get3A_364 = arith.constant 0 : index
    %get3A_365 = arith.constant 0 : index
    %get3A_366 = vector.load %arg12[%get3A_364, %get3A_365] : memref<256x2048xbf16, #tpu.memory_space<vmem>>, vector<256x2048xbf16>
    %jit3A_367 = arith.constant 1.400000e+01 : bf16
    %broadcast_in_dim3A_368 = vector.broadcast %jit3A_367 : bf16 to vector<256x2048xbf16>
    %select_n3A_369 = arith.select %lt3A_359, %broadcast_in_dim3A_368, %get3A_366 : vector<256x2048xi1>, vector<256x2048xbf16>
    %swap3A_370 = arith.constant 0 : index
    %swap3A_371 = arith.constant 0 : index
    %swap3A_372 = vector.load %arg12[%swap3A_370, %swap3A_371] : memref<256x2048xbf16, #tpu.memory_space<vmem>>, vector<256x2048xbf16>
    tpu.vector_store %arg12[%swap3A_370, %swap3A_371], %select_n3A_369 {strides = array<i32>} : memref<256x2048xbf16, #tpu.memory_space<vmem>>, vector<256x2048xbf16>,
    %get3A_373 = arith.constant 3840 : index
    %get3A_374 = arith.constant 0 : index
    %get3A_375 = vector.load %arg10[%get3A_373, %get3A_374] : memref<8192x33xbf16, #tpu.memory_space<vmem>>, vector<256x33xbf16>
    %dot_general3A_376 = arith.constant dense<0.000000e+00> : vector<256x2048xf32>
    %dot_general3A_377 = tpu.matmul %get3A_375, %convert_element_type3A_39, %dot_general3A_376 {dimension_numbers = #tpu.dot_dimension_numbers<[1], [0], [0], [1], [0, 0, 1, 1], [], []>, transpose_lhs_hint = false} : vector<256x33xbf16>, vector<33x2048xbf16>, vector<256x2048xf32> -> vector<256x2048xf32>
    %convert_element_type3A_378 = arith.truncf %dot_general3A_377 : vector<256x2048xf32> to vector<256x2048xbf16>
    %get3A_379 = arith.constant 0 : index
    %get3A_380 = arith.constant 0 : index
    %get3A_381 = vector.load %arg11[%get3A_379, %get3A_380] : memref<256x2048xbf16, #tpu.memory_space<vmem>>, vector<256x2048xbf16>
    %lt3A_382 = arith.cmpf olt, %convert_element_type3A_378, %get3A_381 : vector<256x2048xbf16>
    %select_n3A_383 = arith.select %lt3A_382, %convert_element_type3A_378, %get3A_381 : vector<256x2048xi1>, vector<256x2048xbf16>
    %swap3A_384 = arith.constant 0 : index
    %swap3A_385 = arith.constant 0 : index
    %swap3A_386 = vector.load %arg11[%swap3A_384, %swap3A_385] : memref<256x2048xbf16, #tpu.memory_space<vmem>>, vector<256x2048xbf16>
    tpu.vector_store %arg11[%swap3A_384, %swap3A_385], %select_n3A_383 {strides = array<i32>} : memref<256x2048xbf16, #tpu.memory_space<vmem>>, vector<256x2048xbf16>,
    %get3A_387 = arith.constant 0 : index
    %get3A_388 = arith.constant 0 : index
    %get3A_389 = vector.load %arg12[%get3A_387, %get3A_388] : memref<256x2048xbf16, #tpu.memory_space<vmem>>, vector<256x2048xbf16>
    %jit3A_390 = arith.constant 1.500000e+01 : bf16
    %broadcast_in_dim3A_391 = vector.broadcast %jit3A_390 : bf16 to vector<256x2048xbf16>
    %select_n3A_392 = arith.select %lt3A_382, %broadcast_in_dim3A_391, %get3A_389 : vector<256x2048xi1>, vector<256x2048xbf16>
    %swap3A_393 = arith.constant 0 : index
    %swap3A_394 = arith.constant 0 : index
    %swap3A_395 = vector.load %arg12[%swap3A_393, %swap3A_394] : memref<256x2048xbf16, #tpu.memory_space<vmem>>, vector<256x2048xbf16>
    tpu.vector_store %arg12[%swap3A_393, %swap3A_394], %select_n3A_392 {strides = array<i32>} : memref<256x2048xbf16, #tpu.memory_space<vmem>>, vector<256x2048xbf16>,
    %get3A_396 = arith.constant 4096 : index
    %get3A_397 = arith.constant 0 : index
    %get3A_398 = vector.load %arg10[%get3A_396, %get3A_397] : memref<8192x33xbf16, #tpu.memory_space<vmem>>, vector<256x33xbf16>
    %dot_general3A_399 = arith.constant dense<0.000000e+00> : vector<256x2048xf32>
    %dot_general3A_400 = tpu.matmul %get3A_398, %convert_element_type3A_39, %dot_general3A_399 {dimension_numbers = #tpu.dot_dimension_numbers<[1], [0], [0], [1], [0, 0, 1, 1], [], []>, transpose_lhs_hint = false} : vector<256x33xbf16>, vector<33x2048xbf16>, vector<256x2048xf32> -> vector<256x2048xf32>
    %convert_element_type3A_401 = arith.truncf %dot_general3A_400 : vector<256x2048xf32> to vector<256x2048xbf16>
    %get3A_402 = arith.constant 0 : index
    %get3A_403 = arith.constant 0 : index
    %get3A_404 = vector.load %arg11[%get3A_402, %get3A_403] : memref<256x2048xbf16, #tpu.memory_space<vmem>>, vector<256x2048xbf16>
    %lt3A_405 = arith.cmpf olt, %convert_element_type3A_401, %get3A_404 : vector<256x2048xbf16>
    %select_n3A_406 = arith.select %lt3A_405, %convert_element_type3A_401, %get3A_404 : vector<256x2048xi1>, vector<256x2048xbf16>
    %swap3A_407 = arith.constant 0 : index
    %swap3A_408 = arith.constant 0 : index
    %swap3A_409 = vector.load %arg11[%swap3A_407, %swap3A_408] : memref<256x2048xbf16, #tpu.memory_space<vmem>>, vector<256x2048xbf16>
    tpu.vector_store %arg11[%swap3A_407, %swap3A_408], %select_n3A_406 {strides = array<i32>} : memref<256x2048xbf16, #tpu.memory_space<vmem>>, vector<256x2048xbf16>,
    %get3A_410 = arith.constant 0 : index
    %get3A_411 = arith.constant 0 : index
    %get3A_412 = vector.load %arg12[%get3A_410, %get3A_411] : memref<256x2048xbf16, #tpu.memory_space<vmem>>, vector<256x2048xbf16>
    %jit3A_413 = arith.constant 1.600000e+01 : bf16
    %broadcast_in_dim3A_414 = vector.broadcast %jit3A_413 : bf16 to vector<256x2048xbf16>
    %select_n3A_415 = arith.select %lt3A_405, %broadcast_in_dim3A_414, %get3A_412 : vector<256x2048xi1>, vector<256x2048xbf16>
    %swap3A_416 = arith.constant 0 : index
    %swap3A_417 = arith.constant 0 : index
    %swap3A_418 = vector.load %arg12[%swap3A_416, %swap3A_417] : memref<256x2048xbf16, #tpu.memory_space<vmem>>, vector<256x2048xbf16>
    tpu.vector_store %arg12[%swap3A_416, %swap3A_417], %select_n3A_415 {strides = array<i32>} : memref<256x2048xbf16, #tpu.memory_space<vmem>>, vector<256x2048xbf16>,
    %get3A_419 = arith.constant 4352 : index
    %get3A_420 = arith.constant 0 : index
    %get3A_421 = vector.load %arg10[%get3A_419, %get3A_420] : memref<8192x33xbf16, #tpu.memory_space<vmem>>, vector<256x33xbf16>
    %dot_general3A_422 = arith.constant dense<0.000000e+00> : vector<256x2048xf32>
    %dot_general3A_423 = tpu.matmul %get3A_421, %convert_element_type3A_39, %dot_general3A_422 {dimension_numbers = #tpu.dot_dimension_numbers<[1], [0], [0], [1], [0, 0, 1, 1], [], []>, transpose_lhs_hint = false} : vector<256x33xbf16>, vector<33x2048xbf16>, vector<256x2048xf32> -> vector<256x2048xf32>
    %convert_element_type3A_424 = arith.truncf %dot_general3A_423 : vector<256x2048xf32> to vector<256x2048xbf16>
    %get3A_425 = arith.constant 0 : index
    %get3A_426 = arith.constant 0 : index
    %get3A_427 = vector.load %arg11[%get3A_425, %get3A_426] : memref<256x2048xbf16, #tpu.memory_space<vmem>>, vector<256x2048xbf16>
    %lt3A_428 = arith.cmpf olt, %convert_element_type3A_424, %get3A_427 : vector<256x2048xbf16>
    %select_n3A_429 = arith.select %lt3A_428, %convert_element_type3A_424, %get3A_427 : vector<256x2048xi1>, vector<256x2048xbf16>
    %swap3A_430 = arith.constant 0 : index
    %swap3A_431 = arith.constant 0 : index
    %swap3A_432 = vector.load %arg11[%swap3A_430, %swap3A_431] : memref<256x2048xbf16, #tpu.memory_space<vmem>>, vector<256x2048xbf16>
    tpu.vector_store %arg11[%swap3A_430, %swap3A_431], %select_n3A_429 {strides = array<i32>} : memref<256x2048xbf16, #tpu.memory_space<vmem>>, vector<256x2048xbf16>,
    %get3A_433 = arith.constant 0 : index
    %get3A_434 = arith.constant 0 : index
    %get3A_435 = vector.load %arg12[%get3A_433, %get3A_434] : memref<256x2048xbf16, #tpu.memory_space<vmem>>, vector<256x2048xbf16>
    %jit3A_436 = arith.constant 1.700000e+01 : bf16
    %broadcast_in_dim3A_437 = vector.broadcast %jit3A_436 : bf16 to vector<256x2048xbf16>
    %select_n3A_438 = arith.select %lt3A_428, %broadcast_in_dim3A_437, %get3A_435 : vector<256x2048xi1>, vector<256x2048xbf16>
    %swap3A_439 = arith.constant 0 : index
    %swap3A_440 = arith.constant 0 : index
    %swap3A_441 = vector.load %arg12[%swap3A_439, %swap3A_440] : memref<256x2048xbf16, #tpu.memory_space<vmem>>, vector<256x2048xbf16>
    tpu.vector_store %arg12[%swap3A_439, %swap3A_440], %select_n3A_438 {strides = array<i32>} : memref<256x2048xbf16, #tpu.memory_space<vmem>>, vector<256x2048xbf16>,
    %get3A_442 = arith.constant 4608 : index
    %get3A_443 = arith.constant 0 : index
    %get3A_444 = vector.load %arg10[%get3A_442, %get3A_443] : memref<8192x33xbf16, #tpu.memory_space<vmem>>, vector<256x33xbf16>
    %dot_general3A_445 = arith.constant dense<0.000000e+00> : vector<256x2048xf32>
    %dot_general3A_446 = tpu.matmul %get3A_444, %convert_element_type3A_39, %dot_general3A_445 {dimension_numbers = #tpu.dot_dimension_numbers<[1], [0], [0], [1], [0, 0, 1, 1], [], []>, transpose_lhs_hint = false} : vector<256x33xbf16>, vector<33x2048xbf16>, vector<256x2048xf32> -> vector<256x2048xf32>
    %convert_element_type3A_447 = arith.truncf %dot_general3A_446 : vector<256x2048xf32> to vector<256x2048xbf16>
    %get3A_448 = arith.constant 0 : index
    %get3A_449 = arith.constant 0 : index
    %get3A_450 = vector.load %arg11[%get3A_448, %get3A_449] : memref<256x2048xbf16, #tpu.memory_space<vmem>>, vector<256x2048xbf16>
    %lt3A_451 = arith.cmpf olt, %convert_element_type3A_447, %get3A_450 : vector<256x2048xbf16>
    %select_n3A_452 = arith.select %lt3A_451, %convert_element_type3A_447, %get3A_450 : vector<256x2048xi1>, vector<256x2048xbf16>
    %swap3A_453 = arith.constant 0 : index
    %swap3A_454 = arith.constant 0 : index
    %swap3A_455 = vector.load %arg11[%swap3A_453, %swap3A_454] : memref<256x2048xbf16, #tpu.memory_space<vmem>>, vector<256x2048xbf16>
    tpu.vector_store %arg11[%swap3A_453, %swap3A_454], %select_n3A_452 {strides = array<i32>} : memref<256x2048xbf16, #tpu.memory_space<vmem>>, vector<256x2048xbf16>,
    %get3A_456 = arith.constant 0 : index
    %get3A_457 = arith.constant 0 : index
    %get3A_458 = vector.load %arg12[%get3A_456, %get3A_457] : memref<256x2048xbf16, #tpu.memory_space<vmem>>, vector<256x2048xbf16>
    %jit3A_459 = arith.constant 1.800000e+01 : bf16
    %broadcast_in_dim3A_460 = vector.broadcast %jit3A_459 : bf16 to vector<256x2048xbf16>
    %select_n3A_461 = arith.select %lt3A_451, %broadcast_in_dim3A_460, %get3A_458 : vector<256x2048xi1>, vector<256x2048xbf16>
    %swap3A_462 = arith.constant 0 : index
    %swap3A_463 = arith.constant 0 : index
    %swap3A_464 = vector.load %arg12[%swap3A_462, %swap3A_463] : memref<256x2048xbf16, #tpu.memory_space<vmem>>, vector<256x2048xbf16>
    tpu.vector_store %arg12[%swap3A_462, %swap3A_463], %select_n3A_461 {strides = array<i32>} : memref<256x2048xbf16, #tpu.memory_space<vmem>>, vector<256x2048xbf16>,
    %get3A_465 = arith.constant 4864 : index
    %get3A_466 = arith.constant 0 : index
    %get3A_467 = vector.load %arg10[%get3A_465, %get3A_466] : memref<8192x33xbf16, #tpu.memory_space<vmem>>, vector<256x33xbf16>
    %dot_general3A_468 = arith.constant dense<0.000000e+00> : vector<256x2048xf32>
    %dot_general3A_469 = tpu.matmul %get3A_467, %convert_element_type3A_39, %dot_general3A_468 {dimension_numbers = #tpu.dot_dimension_numbers<[1], [0], [0], [1], [0, 0, 1, 1], [], []>, transpose_lhs_hint = false} : vector<256x33xbf16>, vector<33x2048xbf16>, vector<256x2048xf32> -> vector<256x2048xf32>
    %convert_element_type3A_470 = arith.truncf %dot_general3A_469 : vector<256x2048xf32> to vector<256x2048xbf16>
    %get3A_471 = arith.constant 0 : index
    %get3A_472 = arith.constant 0 : index
    %get3A_473 = vector.load %arg11[%get3A_471, %get3A_472] : memref<256x2048xbf16, #tpu.memory_space<vmem>>, vector<256x2048xbf16>
    %lt3A_474 = arith.cmpf olt, %convert_element_type3A_470, %get3A_473 : vector<256x2048xbf16>
    %select_n3A_475 = arith.select %lt3A_474, %convert_element_type3A_470, %get3A_473 : vector<256x2048xi1>, vector<256x2048xbf16>
    %swap3A_476 = arith.constant 0 : index
    %swap3A_477 = arith.constant 0 : index
    %swap3A_478 = vector.load %arg11[%swap3A_476, %swap3A_477] : memref<256x2048xbf16, #tpu.memory_space<vmem>>, vector<256x2048xbf16>
    tpu.vector_store %arg11[%swap3A_476, %swap3A_477], %select_n3A_475 {strides = array<i32>} : memref<256x2048xbf16, #tpu.memory_space<vmem>>, vector<256x2048xbf16>,
    %get3A_479 = arith.constant 0 : index
    %get3A_480 = arith.constant 0 : index
    %get3A_481 = vector.load %arg12[%get3A_479, %get3A_480] : memref<256x2048xbf16, #tpu.memory_space<vmem>>, vector<256x2048xbf16>
    %jit3A_482 = arith.constant 1.900000e+01 : bf16
    %broadcast_in_dim3A_483 = vector.broadcast %jit3A_482 : bf16 to vector<256x2048xbf16>
    %select_n3A_484 = arith.select %lt3A_474, %broadcast_in_dim3A_483, %get3A_481 : vector<256x2048xi1>, vector<256x2048xbf16>
    %swap3A_485 = arith.constant 0 : index
    %swap3A_486 = arith.constant 0 : index
    %swap3A_487 = vector.load %arg12[%swap3A_485, %swap3A_486] : memref<256x2048xbf16, #tpu.memory_space<vmem>>, vector<256x2048xbf16>
    tpu.vector_store %arg12[%swap3A_485, %swap3A_486], %select_n3A_484 {strides = array<i32>} : memref<256x2048xbf16, #tpu.memory_space<vmem>>, vector<256x2048xbf16>,
    %get3A_488 = arith.constant 5120 : index
    %get3A_489 = arith.constant 0 : index
    %get3A_490 = vector.load %arg10[%get3A_488, %get3A_489] : memref<8192x33xbf16, #tpu.memory_space<vmem>>, vector<256x33xbf16>
    %dot_general3A_491 = arith.constant dense<0.000000e+00> : vector<256x2048xf32>
    %dot_general3A_492 = tpu.matmul %get3A_490, %convert_element_type3A_39, %dot_general3A_491 {dimension_numbers = #tpu.dot_dimension_numbers<[1], [0], [0], [1], [0, 0, 1, 1], [], []>, transpose_lhs_hint = false} : vector<256x33xbf16>, vector<33x2048xbf16>, vector<256x2048xf32> -> vector<256x2048xf32>
    %convert_element_type3A_493 = arith.truncf %dot_general3A_492 : vector<256x2048xf32> to vector<256x2048xbf16>
    %get3A_494 = arith.constant 0 : index
    %get3A_495 = arith.constant 0 : index
    %get3A_496 = vector.load %arg11[%get3A_494, %get3A_495] : memref<256x2048xbf16, #tpu.memory_space<vmem>>, vector<256x2048xbf16>
    %lt3A_497 = arith.cmpf olt, %convert_element_type3A_493, %get3A_496 : vector<256x2048xbf16>
    %select_n3A_498 = arith.select %lt3A_497, %convert_element_type3A_493, %get3A_496 : vector<256x2048xi1>, vector<256x2048xbf16>
    %swap3A_499 = arith.constant 0 : index
    %swap3A_500 = arith.constant 0 : index
    %swap3A_501 = vector.load %arg11[%swap3A_499, %swap3A_500] : memref<256x2048xbf16, #tpu.memory_space<vmem>>, vector<256x2048xbf16>
    tpu.vector_store %arg11[%swap3A_499, %swap3A_500], %select_n3A_498 {strides = array<i32>} : memref<256x2048xbf16, #tpu.memory_space<vmem>>, vector<256x2048xbf16>,
    %get3A_502 = arith.constant 0 : index
    %get3A_503 = arith.constant 0 : index
    %get3A_504 = vector.load %arg12[%get3A_502, %get3A_503] : memref<256x2048xbf16, #tpu.memory_space<vmem>>, vector<256x2048xbf16>
    %jit3A_505 = arith.constant 2.000000e+01 : bf16
    %broadcast_in_dim3A_506 = vector.broadcast %jit3A_505 : bf16 to vector<256x2048xbf16>
    %select_n3A_507 = arith.select %lt3A_497, %broadcast_in_dim3A_506, %get3A_504 : vector<256x2048xi1>, vector<256x2048xbf16>
    %swap3A_508 = arith.constant 0 : index
    %swap3A_509 = arith.constant 0 : index
    %swap3A_510 = vector.load %arg12[%swap3A_508, %swap3A_509] : memref<256x2048xbf16, #tpu.memory_space<vmem>>, vector<256x2048xbf16>
    tpu.vector_store %arg12[%swap3A_508, %swap3A_509], %select_n3A_507 {strides = array<i32>} : memref<256x2048xbf16, #tpu.memory_space<vmem>>, vector<256x2048xbf16>,
    %get3A_511 = arith.constant 5376 : index
    %get3A_512 = arith.constant 0 : index
    %get3A_513 = vector.load %arg10[%get3A_511, %get3A_512] : memref<8192x33xbf16, #tpu.memory_space<vmem>>, vector<256x33xbf16>
    %dot_general3A_514 = arith.constant dense<0.000000e+00> : vector<256x2048xf32>
    %dot_general3A_515 = tpu.matmul %get3A_513, %convert_element_type3A_39, %dot_general3A_514 {dimension_numbers = #tpu.dot_dimension_numbers<[1], [0], [0], [1], [0, 0, 1, 1], [], []>, transpose_lhs_hint = false} : vector<256x33xbf16>, vector<33x2048xbf16>, vector<256x2048xf32> -> vector<256x2048xf32>
    %convert_element_type3A_516 = arith.truncf %dot_general3A_515 : vector<256x2048xf32> to vector<256x2048xbf16>
    %get3A_517 = arith.constant 0 : index
    %get3A_518 = arith.constant 0 : index
    %get3A_519 = vector.load %arg11[%get3A_517, %get3A_518] : memref<256x2048xbf16, #tpu.memory_space<vmem>>, vector<256x2048xbf16>
    %lt3A_520 = arith.cmpf olt, %convert_element_type3A_516, %get3A_519 : vector<256x2048xbf16>
    %select_n3A_521 = arith.select %lt3A_520, %convert_element_type3A_516, %get3A_519 : vector<256x2048xi1>, vector<256x2048xbf16>
    %swap3A_522 = arith.constant 0 : index
    %swap3A_523 = arith.constant 0 : index
    %swap3A_524 = vector.load %arg11[%swap3A_522, %swap3A_523] : memref<256x2048xbf16, #tpu.memory_space<vmem>>, vector<256x2048xbf16>
    tpu.vector_store %arg11[%swap3A_522, %swap3A_523], %select_n3A_521 {strides = array<i32>} : memref<256x2048xbf16, #tpu.memory_space<vmem>>, vector<256x2048xbf16>,
    %get3A_525 = arith.constant 0 : index
    %get3A_526 = arith.constant 0 : index
    %get3A_527 = vector.load %arg12[%get3A_525, %get3A_526] : memref<256x2048xbf16, #tpu.memory_space<vmem>>, vector<256x2048xbf16>
    %jit3A_528 = arith.constant 2.100000e+01 : bf16
    %broadcast_in_dim3A_529 = vector.broadcast %jit3A_528 : bf16 to vector<256x2048xbf16>
    %select_n3A_530 = arith.select %lt3A_520, %broadcast_in_dim3A_529, %get3A_527 : vector<256x2048xi1>, vector<256x2048xbf16>
    %swap3A_531 = arith.constant 0 : index
    %swap3A_532 = arith.constant 0 : index
    %swap3A_533 = vector.load %arg12[%swap3A_531, %swap3A_532] : memref<256x2048xbf16, #tpu.memory_space<vmem>>, vector<256x2048xbf16>
    tpu.vector_store %arg12[%swap3A_531, %swap3A_532], %select_n3A_530 {strides = array<i32>} : memref<256x2048xbf16, #tpu.memory_space<vmem>>, vector<256x2048xbf16>,
    %get3A_534 = arith.constant 5632 : index
    %get3A_535 = arith.constant 0 : index
    %get3A_536 = vector.load %arg10[%get3A_534, %get3A_535] : memref<8192x33xbf16, #tpu.memory_space<vmem>>, vector<256x33xbf16>
    %dot_general3A_537 = arith.constant dense<0.000000e+00> : vector<256x2048xf32>
    %dot_general3A_538 = tpu.matmul %get3A_536, %convert_element_type3A_39, %dot_general3A_537 {dimension_numbers = #tpu.dot_dimension_numbers<[1], [0], [0], [1], [0, 0, 1, 1], [], []>, transpose_lhs_hint = false} : vector<256x33xbf16>, vector<33x2048xbf16>, vector<256x2048xf32> -> vector<256x2048xf32>
    %convert_element_type3A_539 = arith.truncf %dot_general3A_538 : vector<256x2048xf32> to vector<256x2048xbf16>
    %get3A_540 = arith.constant 0 : index
    %get3A_541 = arith.constant 0 : index
    %get3A_542 = vector.load %arg11[%get3A_540, %get3A_541] : memref<256x2048xbf16, #tpu.memory_space<vmem>>, vector<256x2048xbf16>
    %lt3A_543 = arith.cmpf olt, %convert_element_type3A_539, %get3A_542 : vector<256x2048xbf16>
    %select_n3A_544 = arith.select %lt3A_543, %convert_element_type3A_539, %get3A_542 : vector<256x2048xi1>, vector<256x2048xbf16>
    %swap3A_545 = arith.constant 0 : index
    %swap3A_546 = arith.constant 0 : index
    %swap3A_547 = vector.load %arg11[%swap3A_545, %swap3A_546] : memref<256x2048xbf16, #tpu.memory_space<vmem>>, vector<256x2048xbf16>
    tpu.vector_store %arg11[%swap3A_545, %swap3A_546], %select_n3A_544 {strides = array<i32>} : memref<256x2048xbf16, #tpu.memory_space<vmem>>, vector<256x2048xbf16>,
    %get3A_548 = arith.constant 0 : index
    %get3A_549 = arith.constant 0 : index
    %get3A_550 = vector.load %arg12[%get3A_548, %get3A_549] : memref<256x2048xbf16, #tpu.memory_space<vmem>>, vector<256x2048xbf16>
    %jit3A_551 = arith.constant 2.200000e+01 : bf16
    %broadcast_in_dim3A_552 = vector.broadcast %jit3A_551 : bf16 to vector<256x2048xbf16>
    %select_n3A_553 = arith.select %lt3A_543, %broadcast_in_dim3A_552, %get3A_550 : vector<256x2048xi1>, vector<256x2048xbf16>
    %swap3A_554 = arith.constant 0 : index
    %swap3A_555 = arith.constant 0 : index
    %swap3A_556 = vector.load %arg12[%swap3A_554, %swap3A_555] : memref<256x2048xbf16, #tpu.memory_space<vmem>>, vector<256x2048xbf16>
    tpu.vector_store %arg12[%swap3A_554, %swap3A_555], %select_n3A_553 {strides = array<i32>} : memref<256x2048xbf16, #tpu.memory_space<vmem>>, vector<256x2048xbf16>,
    %get3A_557 = arith.constant 5888 : index
    %get3A_558 = arith.constant 0 : index
    %get3A_559 = vector.load %arg10[%get3A_557, %get3A_558] : memref<8192x33xbf16, #tpu.memory_space<vmem>>, vector<256x33xbf16>
    %dot_general3A_560 = arith.constant dense<0.000000e+00> : vector<256x2048xf32>
    %dot_general3A_561 = tpu.matmul %get3A_559, %convert_element_type3A_39, %dot_general3A_560 {dimension_numbers = #tpu.dot_dimension_numbers<[1], [0], [0], [1], [0, 0, 1, 1], [], []>, transpose_lhs_hint = false} : vector<256x33xbf16>, vector<33x2048xbf16>, vector<256x2048xf32> -> vector<256x2048xf32>
    %convert_element_type3A_562 = arith.truncf %dot_general3A_561 : vector<256x2048xf32> to vector<256x2048xbf16>
    %get3A_563 = arith.constant 0 : index
    %get3A_564 = arith.constant 0 : index
    %get3A_565 = vector.load %arg11[%get3A_563, %get3A_564] : memref<256x2048xbf16, #tpu.memory_space<vmem>>, vector<256x2048xbf16>
    %lt3A_566 = arith.cmpf olt, %convert_element_type3A_562, %get3A_565 : vector<256x2048xbf16>
    %select_n3A_567 = arith.select %lt3A_566, %convert_element_type3A_562, %get3A_565 : vector<256x2048xi1>, vector<256x2048xbf16>
    %swap3A_568 = arith.constant 0 : index
    %swap3A_569 = arith.constant 0 : index
    %swap3A_570 = vector.load %arg11[%swap3A_568, %swap3A_569] : memref<256x2048xbf16, #tpu.memory_space<vmem>>, vector<256x2048xbf16>
    tpu.vector_store %arg11[%swap3A_568, %swap3A_569], %select_n3A_567 {strides = array<i32>} : memref<256x2048xbf16, #tpu.memory_space<vmem>>, vector<256x2048xbf16>,
    %get3A_571 = arith.constant 0 : index
    %get3A_572 = arith.constant 0 : index
    %get3A_573 = vector.load %arg12[%get3A_571, %get3A_572] : memref<256x2048xbf16, #tpu.memory_space<vmem>>, vector<256x2048xbf16>
    %jit3A_574 = arith.constant 2.300000e+01 : bf16
    %broadcast_in_dim3A_575 = vector.broadcast %jit3A_574 : bf16 to vector<256x2048xbf16>
    %select_n3A_576 = arith.select %lt3A_566, %broadcast_in_dim3A_575, %get3A_573 : vector<256x2048xi1>, vector<256x2048xbf16>
    %swap3A_577 = arith.constant 0 : index
    %swap3A_578 = arith.constant 0 : index
    %swap3A_579 = vector.load %arg12[%swap3A_577, %swap3A_578] : memref<256x2048xbf16, #tpu.memory_space<vmem>>, vector<256x2048xbf16>
    tpu.vector_store %arg12[%swap3A_577, %swap3A_578], %select_n3A_576 {strides = array<i32>} : memref<256x2048xbf16, #tpu.memory_space<vmem>>, vector<256x2048xbf16>,
    %get3A_580 = arith.constant 6144 : index
    %get3A_581 = arith.constant 0 : index
    %get3A_582 = vector.load %arg10[%get3A_580, %get3A_581] : memref<8192x33xbf16, #tpu.memory_space<vmem>>, vector<256x33xbf16>
    %dot_general3A_583 = arith.constant dense<0.000000e+00> : vector<256x2048xf32>
    %dot_general3A_584 = tpu.matmul %get3A_582, %convert_element_type3A_39, %dot_general3A_583 {dimension_numbers = #tpu.dot_dimension_numbers<[1], [0], [0], [1], [0, 0, 1, 1], [], []>, transpose_lhs_hint = false} : vector<256x33xbf16>, vector<33x2048xbf16>, vector<256x2048xf32> -> vector<256x2048xf32>
    %convert_element_type3A_585 = arith.truncf %dot_general3A_584 : vector<256x2048xf32> to vector<256x2048xbf16>
    %get3A_586 = arith.constant 0 : index
    %get3A_587 = arith.constant 0 : index
    %get3A_588 = vector.load %arg11[%get3A_586, %get3A_587] : memref<256x2048xbf16, #tpu.memory_space<vmem>>, vector<256x2048xbf16>
    %lt3A_589 = arith.cmpf olt, %convert_element_type3A_585, %get3A_588 : vector<256x2048xbf16>
    %select_n3A_590 = arith.select %lt3A_589, %convert_element_type3A_585, %get3A_588 : vector<256x2048xi1>, vector<256x2048xbf16>
    %swap3A_591 = arith.constant 0 : index
    %swap3A_592 = arith.constant 0 : index
    %swap3A_593 = vector.load %arg11[%swap3A_591, %swap3A_592] : memref<256x2048xbf16, #tpu.memory_space<vmem>>, vector<256x2048xbf16>
    tpu.vector_store %arg11[%swap3A_591, %swap3A_592], %select_n3A_590 {strides = array<i32>} : memref<256x2048xbf16, #tpu.memory_space<vmem>>, vector<256x2048xbf16>,
    %get3A_594 = arith.constant 0 : index
    %get3A_595 = arith.constant 0 : index
    %get3A_596 = vector.load %arg12[%get3A_594, %get3A_595] : memref<256x2048xbf16, #tpu.memory_space<vmem>>, vector<256x2048xbf16>
    %jit3A_597 = arith.constant 2.400000e+01 : bf16
    %broadcast_in_dim3A_598 = vector.broadcast %jit3A_597 : bf16 to vector<256x2048xbf16>
    %select_n3A_599 = arith.select %lt3A_589, %broadcast_in_dim3A_598, %get3A_596 : vector<256x2048xi1>, vector<256x2048xbf16>
    %swap3A_600 = arith.constant 0 : index
    %swap3A_601 = arith.constant 0 : index
    %swap3A_602 = vector.load %arg12[%swap3A_600, %swap3A_601] : memref<256x2048xbf16, #tpu.memory_space<vmem>>, vector<256x2048xbf16>
    tpu.vector_store %arg12[%swap3A_600, %swap3A_601], %select_n3A_599 {strides = array<i32>} : memref<256x2048xbf16, #tpu.memory_space<vmem>>, vector<256x2048xbf16>,
    %get3A_603 = arith.constant 6400 : index
    %get3A_604 = arith.constant 0 : index
    %get3A_605 = vector.load %arg10[%get3A_603, %get3A_604] : memref<8192x33xbf16, #tpu.memory_space<vmem>>, vector<256x33xbf16>
    %dot_general3A_606 = arith.constant dense<0.000000e+00> : vector<256x2048xf32>
    %dot_general3A_607 = tpu.matmul %get3A_605, %convert_element_type3A_39, %dot_general3A_606 {dimension_numbers = #tpu.dot_dimension_numbers<[1], [0], [0], [1], [0, 0, 1, 1], [], []>, transpose_lhs_hint = false} : vector<256x33xbf16>, vector<33x2048xbf16>, vector<256x2048xf32> -> vector<256x2048xf32>
    %convert_element_type3A_608 = arith.truncf %dot_general3A_607 : vector<256x2048xf32> to vector<256x2048xbf16>
    %get3A_609 = arith.constant 0 : index
    %get3A_610 = arith.constant 0 : index
    %get3A_611 = vector.load %arg11[%get3A_609, %get3A_610] : memref<256x2048xbf16, #tpu.memory_space<vmem>>, vector<256x2048xbf16>
    %lt3A_612 = arith.cmpf olt, %convert_element_type3A_608, %get3A_611 : vector<256x2048xbf16>
    %select_n3A_613 = arith.select %lt3A_612, %convert_element_type3A_608, %get3A_611 : vector<256x2048xi1>, vector<256x2048xbf16>
    %swap3A_614 = arith.constant 0 : index
    %swap3A_615 = arith.constant 0 : index
    %swap3A_616 = vector.load %arg11[%swap3A_614, %swap3A_615] : memref<256x2048xbf16, #tpu.memory_space<vmem>>, vector<256x2048xbf16>
    tpu.vector_store %arg11[%swap3A_614, %swap3A_615], %select_n3A_613 {strides = array<i32>} : memref<256x2048xbf16, #tpu.memory_space<vmem>>, vector<256x2048xbf16>,
    %get3A_617 = arith.constant 0 : index
    %get3A_618 = arith.constant 0 : index
    %get3A_619 = vector.load %arg12[%get3A_617, %get3A_618] : memref<256x2048xbf16, #tpu.memory_space<vmem>>, vector<256x2048xbf16>
    %jit3A_620 = arith.constant 2.500000e+01 : bf16
    %broadcast_in_dim3A_621 = vector.broadcast %jit3A_620 : bf16 to vector<256x2048xbf16>
    %select_n3A_622 = arith.select %lt3A_612, %broadcast_in_dim3A_621, %get3A_619 : vector<256x2048xi1>, vector<256x2048xbf16>
    %swap3A_623 = arith.constant 0 : index
    %swap3A_624 = arith.constant 0 : index
    %swap3A_625 = vector.load %arg12[%swap3A_623, %swap3A_624] : memref<256x2048xbf16, #tpu.memory_space<vmem>>, vector<256x2048xbf16>
    tpu.vector_store %arg12[%swap3A_623, %swap3A_624], %select_n3A_622 {strides = array<i32>} : memref<256x2048xbf16, #tpu.memory_space<vmem>>, vector<256x2048xbf16>,
    %get3A_626 = arith.constant 6656 : index
    %get3A_627 = arith.constant 0 : index
    %get3A_628 = vector.load %arg10[%get3A_626, %get3A_627] : memref<8192x33xbf16, #tpu.memory_space<vmem>>, vector<256x33xbf16>
    %dot_general3A_629 = arith.constant dense<0.000000e+00> : vector<256x2048xf32>
    %dot_general3A_630 = tpu.matmul %get3A_628, %convert_element_type3A_39, %dot_general3A_629 {dimension_numbers = #tpu.dot_dimension_numbers<[1], [0], [0], [1], [0, 0, 1, 1], [], []>, transpose_lhs_hint = false} : vector<256x33xbf16>, vector<33x2048xbf16>, vector<256x2048xf32> -> vector<256x2048xf32>
    %convert_element_type3A_631 = arith.truncf %dot_general3A_630 : vector<256x2048xf32> to vector<256x2048xbf16>
    %get3A_632 = arith.constant 0 : index
    %get3A_633 = arith.constant 0 : index
    %get3A_634 = vector.load %arg11[%get3A_632, %get3A_633] : memref<256x2048xbf16, #tpu.memory_space<vmem>>, vector<256x2048xbf16>
    %lt3A_635 = arith.cmpf olt, %convert_element_type3A_631, %get3A_634 : vector<256x2048xbf16>
    %select_n3A_636 = arith.select %lt3A_635, %convert_element_type3A_631, %get3A_634 : vector<256x2048xi1>, vector<256x2048xbf16>
    %swap3A_637 = arith.constant 0 : index
    %swap3A_638 = arith.constant 0 : index
    %swap3A_639 = vector.load %arg11[%swap3A_637, %swap3A_638] : memref<256x2048xbf16, #tpu.memory_space<vmem>>, vector<256x2048xbf16>
    tpu.vector_store %arg11[%swap3A_637, %swap3A_638], %select_n3A_636 {strides = array<i32>} : memref<256x2048xbf16, #tpu.memory_space<vmem>>, vector<256x2048xbf16>,
    %get3A_640 = arith.constant 0 : index
    %get3A_641 = arith.constant 0 : index
    %get3A_642 = vector.load %arg12[%get3A_640, %get3A_641] : memref<256x2048xbf16, #tpu.memory_space<vmem>>, vector<256x2048xbf16>
    %jit3A_643 = arith.constant 2.600000e+01 : bf16
    %broadcast_in_dim3A_644 = vector.broadcast %jit3A_643 : bf16 to vector<256x2048xbf16>
    %select_n3A_645 = arith.select %lt3A_635, %broadcast_in_dim3A_644, %get3A_642 : vector<256x2048xi1>, vector<256x2048xbf16>
    %swap3A_646 = arith.constant 0 : index
    %swap3A_647 = arith.constant 0 : index
    %swap3A_648 = vector.load %arg12[%swap3A_646, %swap3A_647] : memref<256x2048xbf16, #tpu.memory_space<vmem>>, vector<256x2048xbf16>
    tpu.vector_store %arg12[%swap3A_646, %swap3A_647], %select_n3A_645 {strides = array<i32>} : memref<256x2048xbf16, #tpu.memory_space<vmem>>, vector<256x2048xbf16>,
    %get3A_649 = arith.constant 6912 : index
    %get3A_650 = arith.constant 0 : index
    %get3A_651 = vector.load %arg10[%get3A_649, %get3A_650] : memref<8192x33xbf16, #tpu.memory_space<vmem>>, vector<256x33xbf16>
    %dot_general3A_652 = arith.constant dense<0.000000e+00> : vector<256x2048xf32>
    %dot_general3A_653 = tpu.matmul %get3A_651, %convert_element_type3A_39, %dot_general3A_652 {dimension_numbers = #tpu.dot_dimension_numbers<[1], [0], [0], [1], [0, 0, 1, 1], [], []>, transpose_lhs_hint = false} : vector<256x33xbf16>, vector<33x2048xbf16>, vector<256x2048xf32> -> vector<256x2048xf32>
    %convert_element_type3A_654 = arith.truncf %dot_general3A_653 : vector<256x2048xf32> to vector<256x2048xbf16>
    %get3A_655 = arith.constant 0 : index
    %get3A_656 = arith.constant 0 : index
    %get3A_657 = vector.load %arg11[%get3A_655, %get3A_656] : memref<256x2048xbf16, #tpu.memory_space<vmem>>, vector<256x2048xbf16>
    %lt3A_658 = arith.cmpf olt, %convert_element_type3A_654, %get3A_657 : vector<256x2048xbf16>
    %select_n3A_659 = arith.select %lt3A_658, %convert_element_type3A_654, %get3A_657 : vector<256x2048xi1>, vector<256x2048xbf16>
    %swap3A_660 = arith.constant 0 : index
    %swap3A_661 = arith.constant 0 : index
    %swap3A_662 = vector.load %arg11[%swap3A_660, %swap3A_661] : memref<256x2048xbf16, #tpu.memory_space<vmem>>, vector<256x2048xbf16>
    tpu.vector_store %arg11[%swap3A_660, %swap3A_661], %select_n3A_659 {strides = array<i32>} : memref<256x2048xbf16, #tpu.memory_space<vmem>>, vector<256x2048xbf16>,
    %get3A_663 = arith.constant 0 : index
    %get3A_664 = arith.constant 0 : index
    %get3A_665 = vector.load %arg12[%get3A_663, %get3A_664] : memref<256x2048xbf16, #tpu.memory_space<vmem>>, vector<256x2048xbf16>
    %jit3A_666 = arith.constant 2.700000e+01 : bf16
    %broadcast_in_dim3A_667 = vector.broadcast %jit3A_666 : bf16 to vector<256x2048xbf16>
    %select_n3A_668 = arith.select %lt3A_658, %broadcast_in_dim3A_667, %get3A_665 : vector<256x2048xi1>, vector<256x2048xbf16>
    %swap3A_669 = arith.constant 0 : index
    %swap3A_670 = arith.constant 0 : index
    %swap3A_671 = vector.load %arg12[%swap3A_669, %swap3A_670] : memref<256x2048xbf16, #tpu.memory_space<vmem>>, vector<256x2048xbf16>
    tpu.vector_store %arg12[%swap3A_669, %swap3A_670], %select_n3A_668 {strides = array<i32>} : memref<256x2048xbf16, #tpu.memory_space<vmem>>, vector<256x2048xbf16>,
    %get3A_672 = arith.constant 7168 : index
    %get3A_673 = arith.constant 0 : index
    %get3A_674 = vector.load %arg10[%get3A_672, %get3A_673] : memref<8192x33xbf16, #tpu.memory_space<vmem>>, vector<256x33xbf16>
    %dot_general3A_675 = arith.constant dense<0.000000e+00> : vector<256x2048xf32>
    %dot_general3A_676 = tpu.matmul %get3A_674, %convert_element_type3A_39, %dot_general3A_675 {dimension_numbers = #tpu.dot_dimension_numbers<[1], [0], [0], [1], [0, 0, 1, 1], [], []>, transpose_lhs_hint = false} : vector<256x33xbf16>, vector<33x2048xbf16>, vector<256x2048xf32> -> vector<256x2048xf32>
    %convert_element_type3A_677 = arith.truncf %dot_general3A_676 : vector<256x2048xf32> to vector<256x2048xbf16>
    %get3A_678 = arith.constant 0 : index
    %get3A_679 = arith.constant 0 : index
    %get3A_680 = vector.load %arg11[%get3A_678, %get3A_679] : memref<256x2048xbf16, #tpu.memory_space<vmem>>, vector<256x2048xbf16>
    %lt3A_681 = arith.cmpf olt, %convert_element_type3A_677, %get3A_680 : vector<256x2048xbf16>
    %select_n3A_682 = arith.select %lt3A_681, %convert_element_type3A_677, %get3A_680 : vector<256x2048xi1>, vector<256x2048xbf16>
    %swap3A_683 = arith.constant 0 : index
    %swap3A_684 = arith.constant 0 : index
    %swap3A_685 = vector.load %arg11[%swap3A_683, %swap3A_684] : memref<256x2048xbf16, #tpu.memory_space<vmem>>, vector<256x2048xbf16>
    tpu.vector_store %arg11[%swap3A_683, %swap3A_684], %select_n3A_682 {strides = array<i32>} : memref<256x2048xbf16, #tpu.memory_space<vmem>>, vector<256x2048xbf16>,
    %get3A_686 = arith.constant 0 : index
    %get3A_687 = arith.constant 0 : index
    %get3A_688 = vector.load %arg12[%get3A_686, %get3A_687] : memref<256x2048xbf16, #tpu.memory_space<vmem>>, vector<256x2048xbf16>
    %jit3A_689 = arith.constant 2.800000e+01 : bf16
    %broadcast_in_dim3A_690 = vector.broadcast %jit3A_689 : bf16 to vector<256x2048xbf16>
    %select_n3A_691 = arith.select %lt3A_681, %broadcast_in_dim3A_690, %get3A_688 : vector<256x2048xi1>, vector<256x2048xbf16>
    %swap3A_692 = arith.constant 0 : index
    %swap3A_693 = arith.constant 0 : index
    %swap3A_694 = vector.load %arg12[%swap3A_692, %swap3A_693] : memref<256x2048xbf16, #tpu.memory_space<vmem>>, vector<256x2048xbf16>
    tpu.vector_store %arg12[%swap3A_692, %swap3A_693], %select_n3A_691 {strides = array<i32>} : memref<256x2048xbf16, #tpu.memory_space<vmem>>, vector<256x2048xbf16>,
    %get3A_695 = arith.constant 7424 : index
    %get3A_696 = arith.constant 0 : index
    %get3A_697 = vector.load %arg10[%get3A_695, %get3A_696] : memref<8192x33xbf16, #tpu.memory_space<vmem>>, vector<256x33xbf16>
    %dot_general3A_698 = arith.constant dense<0.000000e+00> : vector<256x2048xf32>
    %dot_general3A_699 = tpu.matmul %get3A_697, %convert_element_type3A_39, %dot_general3A_698 {dimension_numbers = #tpu.dot_dimension_numbers<[1], [0], [0], [1], [0, 0, 1, 1], [], []>, transpose_lhs_hint = false} : vector<256x33xbf16>, vector<33x2048xbf16>, vector<256x2048xf32> -> vector<256x2048xf32>
    %convert_element_type3A_700 = arith.truncf %dot_general3A_699 : vector<256x2048xf32> to vector<256x2048xbf16>
    %get3A_701 = arith.constant 0 : index
    %get3A_702 = arith.constant 0 : index
    %get3A_703 = vector.load %arg11[%get3A_701, %get3A_702] : memref<256x2048xbf16, #tpu.memory_space<vmem>>, vector<256x2048xbf16>
    %lt3A_704 = arith.cmpf olt, %convert_element_type3A_700, %get3A_703 : vector<256x2048xbf16>
    %select_n3A_705 = arith.select %lt3A_704, %convert_element_type3A_700, %get3A_703 : vector<256x2048xi1>, vector<256x2048xbf16>
    %swap3A_706 = arith.constant 0 : index
    %swap3A_707 = arith.constant 0 : index
    %swap3A_708 = vector.load %arg11[%swap3A_706, %swap3A_707] : memref<256x2048xbf16, #tpu.memory_space<vmem>>, vector<256x2048xbf16>
    tpu.vector_store %arg11[%swap3A_706, %swap3A_707], %select_n3A_705 {strides = array<i32>} : memref<256x2048xbf16, #tpu.memory_space<vmem>>, vector<256x2048xbf16>,
    %get3A_709 = arith.constant 0 : index
    %get3A_710 = arith.constant 0 : index
    %get3A_711 = vector.load %arg12[%get3A_709, %get3A_710] : memref<256x2048xbf16, #tpu.memory_space<vmem>>, vector<256x2048xbf16>
    %jit3A_712 = arith.constant 2.900000e+01 : bf16
    %broadcast_in_dim3A_713 = vector.broadcast %jit3A_712 : bf16 to vector<256x2048xbf16>
    %select_n3A_714 = arith.select %lt3A_704, %broadcast_in_dim3A_713, %get3A_711 : vector<256x2048xi1>, vector<256x2048xbf16>
    %swap3A_715 = arith.constant 0 : index
    %swap3A_716 = arith.constant 0 : index
    %swap3A_717 = vector.load %arg12[%swap3A_715, %swap3A_716] : memref<256x2048xbf16, #tpu.memory_space<vmem>>, vector<256x2048xbf16>
    tpu.vector_store %arg12[%swap3A_715, %swap3A_716], %select_n3A_714 {strides = array<i32>} : memref<256x2048xbf16, #tpu.memory_space<vmem>>, vector<256x2048xbf16>,
    %get3A_718 = arith.constant 7680 : index
    %get3A_719 = arith.constant 0 : index
    %get3A_720 = vector.load %arg10[%get3A_718, %get3A_719] : memref<8192x33xbf16, #tpu.memory_space<vmem>>, vector<256x33xbf16>
    %dot_general3A_721 = arith.constant dense<0.000000e+00> : vector<256x2048xf32>
    %dot_general3A_722 = tpu.matmul %get3A_720, %convert_element_type3A_39, %dot_general3A_721 {dimension_numbers = #tpu.dot_dimension_numbers<[1], [0], [0], [1], [0, 0, 1, 1], [], []>, transpose_lhs_hint = false} : vector<256x33xbf16>, vector<33x2048xbf16>, vector<256x2048xf32> -> vector<256x2048xf32>
    %convert_element_type3A_723 = arith.truncf %dot_general3A_722 : vector<256x2048xf32> to vector<256x2048xbf16>
    %get3A_724 = arith.constant 0 : index
    %get3A_725 = arith.constant 0 : index
    %get3A_726 = vector.load %arg11[%get3A_724, %get3A_725] : memref<256x2048xbf16, #tpu.memory_space<vmem>>, vector<256x2048xbf16>
    %lt3A_727 = arith.cmpf olt, %convert_element_type3A_723, %get3A_726 : vector<256x2048xbf16>
    %select_n3A_728 = arith.select %lt3A_727, %convert_element_type3A_723, %get3A_726 : vector<256x2048xi1>, vector<256x2048xbf16>
    %swap3A_729 = arith.constant 0 : index
    %swap3A_730 = arith.constant 0 : index
    %swap3A_731 = vector.load %arg11[%swap3A_729, %swap3A_730] : memref<256x2048xbf16, #tpu.memory_space<vmem>>, vector<256x2048xbf16>
    tpu.vector_store %arg11[%swap3A_729, %swap3A_730], %select_n3A_728 {strides = array<i32>} : memref<256x2048xbf16, #tpu.memory_space<vmem>>, vector<256x2048xbf16>,
    %get3A_732 = arith.constant 0 : index
    %get3A_733 = arith.constant 0 : index
    %get3A_734 = vector.load %arg12[%get3A_732, %get3A_733] : memref<256x2048xbf16, #tpu.memory_space<vmem>>, vector<256x2048xbf16>
    %jit3A_735 = arith.constant 3.000000e+01 : bf16
    %broadcast_in_dim3A_736 = vector.broadcast %jit3A_735 : bf16 to vector<256x2048xbf16>
    %select_n3A_737 = arith.select %lt3A_727, %broadcast_in_dim3A_736, %get3A_734 : vector<256x2048xi1>, vector<256x2048xbf16>
    %swap3A_738 = arith.constant 0 : index
    %swap3A_739 = arith.constant 0 : index
    %swap3A_740 = vector.load %arg12[%swap3A_738, %swap3A_739] : memref<256x2048xbf16, #tpu.memory_space<vmem>>, vector<256x2048xbf16>
    tpu.vector_store %arg12[%swap3A_738, %swap3A_739], %select_n3A_737 {strides = array<i32>} : memref<256x2048xbf16, #tpu.memory_space<vmem>>, vector<256x2048xbf16>,
    %get3A_741 = arith.constant 7936 : index
    %get3A_742 = arith.constant 0 : index
    %get3A_743 = vector.load %arg10[%get3A_741, %get3A_742] : memref<8192x33xbf16, #tpu.memory_space<vmem>>, vector<256x33xbf16>
    %dot_general3A_744 = arith.constant dense<0.000000e+00> : vector<256x2048xf32>
    %dot_general3A_745 = tpu.matmul %get3A_743, %convert_element_type3A_39, %dot_general3A_744 {dimension_numbers = #tpu.dot_dimension_numbers<[1], [0], [0], [1], [0, 0, 1, 1], [], []>, transpose_lhs_hint = false} : vector<256x33xbf16>, vector<33x2048xbf16>, vector<256x2048xf32> -> vector<256x2048xf32>
    %convert_element_type3A_746 = arith.truncf %dot_general3A_745 : vector<256x2048xf32> to vector<256x2048xbf16>
    %get3A_747 = arith.constant 0 : index
    %get3A_748 = arith.constant 0 : index
    %get3A_749 = vector.load %arg11[%get3A_747, %get3A_748] : memref<256x2048xbf16, #tpu.memory_space<vmem>>, vector<256x2048xbf16>
    %lt3A_750 = arith.cmpf olt, %convert_element_type3A_746, %get3A_749 : vector<256x2048xbf16>
    %select_n3A_751 = arith.select %lt3A_750, %convert_element_type3A_746, %get3A_749 : vector<256x2048xi1>, vector<256x2048xbf16>
    %swap3A_752 = arith.constant 0 : index
    %swap3A_753 = arith.constant 0 : index
    %swap3A_754 = vector.load %arg11[%swap3A_752, %swap3A_753] : memref<256x2048xbf16, #tpu.memory_space<vmem>>, vector<256x2048xbf16>
    tpu.vector_store %arg11[%swap3A_752, %swap3A_753], %select_n3A_751 {strides = array<i32>} : memref<256x2048xbf16, #tpu.memory_space<vmem>>, vector<256x2048xbf16>,
    %get3A_755 = arith.constant 0 : index
    %get3A_756 = arith.constant 0 : index
    %get3A_757 = vector.load %arg12[%get3A_755, %get3A_756] : memref<256x2048xbf16, #tpu.memory_space<vmem>>, vector<256x2048xbf16>
    %jit3A_758 = arith.constant 3.100000e+01 : bf16
    %broadcast_in_dim3A_759 = vector.broadcast %jit3A_758 : bf16 to vector<256x2048xbf16>
    %select_n3A_760 = arith.select %lt3A_750, %broadcast_in_dim3A_759, %get3A_757 : vector<256x2048xi1>, vector<256x2048xbf16>
    %swap3A_761 = arith.constant 0 : index
    %swap3A_762 = arith.constant 0 : index
    %swap3A_763 = vector.load %arg12[%swap3A_761, %swap3A_762] : memref<256x2048xbf16, #tpu.memory_space<vmem>>, vector<256x2048xbf16>
    tpu.vector_store %arg12[%swap3A_761, %swap3A_762], %select_n3A_760 {strides = array<i32>} : memref<256x2048xbf16, #tpu.memory_space<vmem>>, vector<256x2048xbf16>,
    %get3A_764 = arith.constant 0 : index
    %get3A_765 = arith.constant 0 : index
    %get3A_766 = vector.load %arg11[%get3A_764, %get3A_765] : memref<256x2048xbf16, #tpu.memory_space<vmem>>, vector<256x2048xbf16>
    %reduce_min3A = arith.constant dense<0x7F80> : vector<2048xbf16>
    %reduce_min3A_767 = vector.multi_reduction <minimumf>, %get3A_766, %reduce_min3A [0] : vector<256x2048xbf16> to vector<2048xbf16>
    %broadcast_in_dim3A_768 = vector.shape_cast %reduce_min3A_767 : vector<2048xbf16> to vector<1x2048xbf16>
    %iota3A = tpu.iota {dimensions = array<i32: 0>} : vector<256x2048xi32>
    %get3A_769 = arith.constant 0 : index
    %get3A_770 = arith.constant 0 : index
    %get3A_771 = vector.load %arg12[%get3A_769, %get3A_770] : memref<256x2048xbf16, #tpu.memory_space<vmem>>, vector<256x2048xbf16>
    %convert_element_type3A_772 = arith.fptosi %get3A_771 : vector<256x2048xbf16> to vector<256x2048xi32>
    %mul3A_773 = arith.constant 256 : i32
    %mul3A_774 = vector.broadcast %mul3A_773 : i32 to vector<256x2048xi32>
    %mul3A_775 = arith.muli %convert_element_type3A_772, %mul3A_774 : vector<256x2048xi32>
    %add3A_776 = arith.addi %mul3A_775, %iota3A : vector<256x2048xi32>
    %eq3A_777 = vector.broadcast %broadcast_in_dim3A_768 : vector<1x2048xbf16> to vector<256x2048xbf16>
    %eq3A_778 = arith.cmpf oeq, %get3A_766, %eq3A_777 : vector<256x2048xbf16>
    %jit3A_779 = arith.constant 8192 : i32
    %broadcast_in_dim3A_780 = vector.broadcast %jit3A_779 : i32 to vector<256x2048xi32>
    %select_n3A_781 = arith.select %eq3A_778, %add3A_776, %broadcast_in_dim3A_780 : vector<256x2048xi1>, vector<256x2048xi32>
    %reduce_min3A_782 = arith.constant dense<2147483647> : vector<2048xi32>
    %reduce_min3A_783 = vector.multi_reduction <minsi>, %select_n3A_781, %reduce_min3A_782 [0] : vector<256x2048xi32> to vector<2048xi32>
    %broadcast_in_dim3A_784 = vector.shape_cast %reduce_min3A_783 : vector<2048xi32> to vector<1x2048xi32>
    %swap3A_785 = arith.constant 0 : index
    %swap3A_786 = arith.constant 0 : index
    %swap3A_787 = vector.load %arg8[%swap3A_785, %swap3A_786] : memref<1x2048xi32, #tpu.memory_space<vmem>>, vector<1x2048xi32>
    tpu.vector_store %arg8[%swap3A_785, %swap3A_786], %broadcast_in_dim3A_784 {strides = array<i32>} : memref<1x2048xi32, #tpu.memory_space<vmem>>, vector<1x2048xi32>,
    return
  }
  func.func @transform_0(%arg0: i32) -> (i32, i32) {
    %add3A = arith.constant 0 : i32
    %add3A_0 = arith.addi %arg0, %add3A : i32
    %c0_i32 = arith.constant 0 : i32
    %c0_i32_1 = arith.constant 0 : i32
    return %c0_i32, %add3A_0 : i32, i32
  }
  func.func @transform_1(%arg0: i32) -> (i32, i32) {
    %c0_i32 = arith.constant 0 : i32
    %c0_i32_0 = arith.constant 0 : i32
    %c0_i32_1 = arith.constant 0 : i32
    return %c0_i32, %c0_i32_0 : i32, i32
  }
  func.func @transform_2(%arg0: i32) -> (i32, i32) {
    %c0_i32 = arith.constant 0 : i32
    %c0_i32_0 = arith.constant 0 : i32
    %c0_i32_1 = arith.constant 0 : i32
    return %c0_i32, %c0_i32_0 : i32, i32
  }
  func.func @transform_3(%arg0: i32) -> (i32, i32) {
    %c0_i32 = arith.constant 0 : i32
    %c0_i32_0 = arith.constant 0 : i32
    %c0_i32_1 = arith.constant 0 : i32
    return %c0_i32, %c0_i32_0 : i32, i32
  }
  func.func @transform_4(%arg0: i32) -> (i32, i32) {
    %c0_i32 = arith.constant 0 : i32
    %c0_i32_0 = arith.constant 0 : i32
    %c0_i32_1 = arith.constant 0 : i32
    return %c0_i32, %c0_i32_0 : i32, i32
  }
  func.func @transform_5(%arg0: i32) -> (i32, i32) {
    %c0_i32 = arith.constant 0 : i32
    %c0_i32_0 = arith.constant 0 : i32
    %c0_i32_1 = arith.constant 0 : i32
    return %c0_i32, %c0_i32_0 : i32, i32
  }
  func.func @transform_6(%arg0: i32) -> (i32, i32) {
    %c0_i32 = arith.constant 0 : i32
    %c0_i32_0 = arith.constant 0 : i32
    return %c0_i32, %arg0 : i32, i32
  }
  func.func @transform_7(%arg0: i32) -> (i32, i32) {
    %c0_i32 = arith.constant 0 : i32
    %c0_i32_0 = arith.constant 0 : i32
    return %c0_i32, %arg0 : i32, i32
  }
  func.func @transform_8(%arg0: i32) -> (i32, i32) {
    %c0_i32 = arith.constant 0 : i32
    %c0_i32_0 = arith.constant 0 : i32
    return %arg0, %c0_i32 : i32, i32
  }
}

module attributes {stable_mosaic.version = 14 : i64} {
  func.func @_enc_body_nopad(%arg0: i32, %arg1: memref<784x2048xf32, #tpu.memory_space<vmem>>, %arg2: memref<400x784xbf16, #tpu.memory_space<vmem>>, %arg3: memref<400x1xf32, #tpu.memory_space<vmem>>, %arg4: memref<32x400xbf16, #tpu.memory_space<vmem>>, %arg5: memref<32x1xf32, #tpu.memory_space<vmem>>, %arg6: memref<8192x32xf32, #tpu.memory_space<vmem>>, %arg7: memref<32x2048xf32, #tpu.memory_space<vmem>>, %arg8: memref<1x2048xi32, #tpu.memory_space<vmem>>, %arg9: memref<8192x33xbf16, #tpu.memory_space<vmem>>, %arg10: memref<256x2048xbf16, #tpu.memory_space<vmem>>, %arg11: memref<256x2048xbf16, #tpu.memory_space<vmem>>) attributes {dimension_semantics = [#tpu.dimension_semantics<arbitrary>], iteration_bounds = array<i64: 4>, scalar_prefetch = 0 : i64, scratch_operands = 3 : i64, tpu.core_type = #tpu.core_type<tc>, window_params = [{transform_indices = @transform_0, window_bounds = array<i64: 784, 2048>}, {pipeline_mode = #tpu.pipeline_mode<synchronous>, transform_indices = @transform_1, window_bounds = array<i64: 400, 784>}, {pipeline_mode = #tpu.pipeline_mode<synchronous>, transform_indices = @transform_2, window_bounds = array<i64: 400, 1>}, {pipeline_mode = #tpu.pipeline_mode<synchronous>, transform_indices = @transform_3, window_bounds = array<i64: 32, 400>}, {pipeline_mode = #tpu.pipeline_mode<synchronous>, transform_indices = @transform_4, window_bounds = array<i64: 32, 1>}, {pipeline_mode = #tpu.pipeline_mode<synchronous>, transform_indices = @transform_5, window_bounds = array<i64: 8192, 32>}, {transform_indices = @transform_6, window_bounds = array<i64: 32, 2048>}, {transform_indices = @transform_7, window_bounds = array<i64: 1, 2048>}]} {
    %eq3A = arith.constant 0 : i32
    %eq3A_0 = arith.cmpi eq, %arg0, %eq3A : i32
    %convert_element_type3A = arith.extui %eq3A_0 : i1 to i32
    %cond3A = arith.constant 0 : i32
    %cond3A_1 = arith.cmpi ne, %convert_element_type3A, %cond3A : i32
    scf.if %cond3A_1 {
      %get3A_780 = arith.constant 0 : index
      %get3A_781 = arith.constant 0 : index
      %get3A_782 = vector.load %arg6[%get3A_780, %get3A_781] : memref<8192x32xf32, #tpu.memory_space<vmem>>, vector<8192x32xf32>
      %convert_element_type3A_783 = arith.truncf %get3A_782 : vector<8192x32xf32> to vector<8192x32xbf16>
      %swap3A_784 = arith.constant 0 : index
      %swap3A_785 = arith.constant 0 : index
      %swap3A_786 = vector.load %arg9[%swap3A_784, %swap3A_785] : memref<8192x33xbf16, #tpu.memory_space<vmem>>, vector<8192x32xbf16>
      tpu.vector_store %arg9[%swap3A_784, %swap3A_785], %convert_element_type3A_783 {strides = array<i32>} : memref<8192x33xbf16, #tpu.memory_space<vmem>>, vector<8192x32xbf16>,
      %mul3A_787 = arith.mulf %get3A_782, %get3A_782 : vector<8192x32xf32>
      %reduce_sum3A = arith.constant dense<0.000000e+00> : vector<8192xf32>
      %reduce_sum3A_788 = vector.multi_reduction <add>, %mul3A_787, %reduce_sum3A [1] : vector<8192x32xf32> to vector<8192xf32>
      %broadcast_in_dim3A_789 = vector.shape_cast %reduce_sum3A_788 : vector<8192xf32> to vector<8192x1xf32>
      %convert_element_type3A_790 = arith.truncf %broadcast_in_dim3A_789 : vector<8192x1xf32> to vector<8192x1xbf16>
      %swap3A_791 = arith.constant 0 : index
      %swap3A_792 = arith.constant 32 : index
      %swap3A_793 = vector.load %arg9[%swap3A_791, %swap3A_792] : memref<8192x33xbf16, #tpu.memory_space<vmem>>, vector<8192x1xbf16>
      tpu.vector_store %arg9[%swap3A_791, %swap3A_792], %convert_element_type3A_790 {strides = array<i32>} : memref<8192x33xbf16, #tpu.memory_space<vmem>>, vector<8192x1xbf16>,
    } else {
    }
    %get3A = arith.constant 0 : index
    %get3A_2 = arith.constant 0 : index
    %get3A_3 = vector.load %arg1[%get3A, %get3A_2] : memref<784x2048xf32, #tpu.memory_space<vmem>>, vector<784x2048xf32>
    %convert_element_type3A_4 = arith.truncf %get3A_3 : vector<784x2048xf32> to vector<784x2048xbf16>
    %get3A_5 = arith.constant 0 : index
    %get3A_6 = arith.constant 0 : index
    %get3A_7 = vector.load %arg2[%get3A_5, %get3A_6] : memref<400x784xbf16, #tpu.memory_space<vmem>>, vector<400x784xbf16>
    %dot_general3A = arith.constant dense<0.000000e+00> : vector<400x2048xf32>
    %dot_general3A_8 = tpu.matmul %get3A_7, %convert_element_type3A_4, %dot_general3A {dimension_numbers = #tpu.dot_dimension_numbers<[1], [0], [0], [1], [0, 0, 1, 1], [], []>, transpose_lhs_hint = false} : vector<400x784xbf16>, vector<784x2048xbf16>, vector<400x2048xf32> -> vector<400x2048xf32>
    %get3A_9 = arith.constant 0 : index
    %get3A_10 = arith.constant 0 : index
    %get3A_11 = vector.load %arg3[%get3A_9, %get3A_10] : memref<400x1xf32, #tpu.memory_space<vmem>>, vector<400x1xf32>
    %add3A = vector.broadcast %get3A_11 : vector<400x1xf32> to vector<400x2048xf32>
    %add3A_12 = arith.addf %dot_general3A_8, %add3A : vector<400x2048xf32>
    %max3A = arith.constant 0.000000e+00 : f32
    %max3A_13 = vector.broadcast %max3A : f32 to vector<400x2048xf32>
    %max3A_14 = arith.maximumf %add3A_12, %max3A_13 : vector<400x2048xf32>
    %get3A_15 = arith.constant 0 : index
    %get3A_16 = arith.constant 0 : index
    %get3A_17 = vector.load %arg4[%get3A_15, %get3A_16] : memref<32x400xbf16, #tpu.memory_space<vmem>>, vector<32x400xbf16>
    %convert_element_type3A_18 = arith.truncf %max3A_14 : vector<400x2048xf32> to vector<400x2048xbf16>
    %dot_general3A_19 = arith.constant dense<0.000000e+00> : vector<32x2048xf32>
    %dot_general3A_20 = tpu.matmul %get3A_17, %convert_element_type3A_18, %dot_general3A_19 {dimension_numbers = #tpu.dot_dimension_numbers<[1], [0], [0], [1], [0, 0, 1, 1], [], []>, transpose_lhs_hint = false} : vector<32x400xbf16>, vector<400x2048xbf16>, vector<32x2048xf32> -> vector<32x2048xf32>
    %get3A_21 = arith.constant 0 : index
    %get3A_22 = arith.constant 0 : index
    %get3A_23 = vector.load %arg5[%get3A_21, %get3A_22] : memref<32x1xf32, #tpu.memory_space<vmem>>, vector<32x1xf32>
    %add3A_24 = vector.broadcast %get3A_23 : vector<32x1xf32> to vector<32x2048xf32>
    %add3A_25 = arith.addf %dot_general3A_20, %add3A_24 : vector<32x2048xf32>
    %swap3A = arith.constant 0 : index
    %swap3A_26 = arith.constant 0 : index
    %swap3A_27 = vector.load %arg7[%swap3A, %swap3A_26] : memref<32x2048xf32, #tpu.memory_space<vmem>>, vector<32x2048xf32>
    tpu.vector_store %arg7[%swap3A, %swap3A_26], %add3A_25 {strides = array<i32>} : memref<32x2048xf32, #tpu.memory_space<vmem>>, vector<32x2048xf32>,
    %mul3A = arith.constant -2.000000e+00 : f32
    %mul3A_28 = vector.broadcast %mul3A : f32 to vector<32x2048xf32>
    %mul3A_29 = arith.mulf %mul3A_28, %add3A_25 : vector<32x2048xf32>
    %broadcast_in_dim3A = arith.constant 1.000000e+00 : f32
    %broadcast_in_dim3A_30 = vector.broadcast %broadcast_in_dim3A : f32 to vector<1x2048xf32>
    %concatenate3A = tpu.concatenate %mul3A_29, %broadcast_in_dim3A_30 in 0 : vector<32x2048xf32>, vector<1x2048xf32> -> vector<33x2048xf32>
    %convert_element_type3A_31 = arith.truncf %concatenate3A : vector<33x2048xf32> to vector<33x2048xbf16>
    %get3A_32 = arith.constant 0 : index
    %get3A_33 = arith.constant 0 : index
    %get3A_34 = vector.load %arg9[%get3A_32, %get3A_33] : memref<8192x33xbf16, #tpu.memory_space<vmem>>, vector<256x33xbf16>
    %dot_general3A_35 = arith.constant dense<0.000000e+00> : vector<256x2048xf32>
    %dot_general3A_36 = tpu.matmul %get3A_34, %convert_element_type3A_31, %dot_general3A_35 {dimension_numbers = #tpu.dot_dimension_numbers<[1], [0], [0], [1], [0, 0, 1, 1], [], []>, transpose_lhs_hint = false} : vector<256x33xbf16>, vector<33x2048xbf16>, vector<256x2048xf32> -> vector<256x2048xf32>
    %convert_element_type3A_37 = arith.truncf %dot_general3A_36 : vector<256x2048xf32> to vector<256x2048xbf16>
    %swap3A_38 = arith.constant 0 : index
    %swap3A_39 = arith.constant 0 : index
    %swap3A_40 = vector.load %arg10[%swap3A_38, %swap3A_39] : memref<256x2048xbf16, #tpu.memory_space<vmem>>, vector<256x2048xbf16>
    tpu.vector_store %arg10[%swap3A_38, %swap3A_39], %convert_element_type3A_37 {strides = array<i32>} : memref<256x2048xbf16, #tpu.memory_space<vmem>>, vector<256x2048xbf16>,
    %broadcast_in_dim3A_41 = arith.constant 0.000000e+00 : bf16
    %broadcast_in_dim3A_42 = vector.broadcast %broadcast_in_dim3A_41 : bf16 to vector<256x2048xbf16>
    %swap3A_43 = arith.constant 0 : index
    %swap3A_44 = arith.constant 0 : index
    %swap3A_45 = vector.load %arg11[%swap3A_43, %swap3A_44] : memref<256x2048xbf16, #tpu.memory_space<vmem>>, vector<256x2048xbf16>
    tpu.vector_store %arg11[%swap3A_43, %swap3A_44], %broadcast_in_dim3A_42 {strides = array<i32>} : memref<256x2048xbf16, #tpu.memory_space<vmem>>, vector<256x2048xbf16>,
    %get3A_46 = arith.constant 256 : index
    %get3A_47 = arith.constant 0 : index
    %get3A_48 = vector.load %arg9[%get3A_46, %get3A_47] : memref<8192x33xbf16, #tpu.memory_space<vmem>>, vector<256x33xbf16>
    %dot_general3A_49 = arith.constant dense<0.000000e+00> : vector<256x2048xf32>
    %dot_general3A_50 = tpu.matmul %get3A_48, %convert_element_type3A_31, %dot_general3A_49 {dimension_numbers = #tpu.dot_dimension_numbers<[1], [0], [0], [1], [0, 0, 1, 1], [], []>, transpose_lhs_hint = false} : vector<256x33xbf16>, vector<33x2048xbf16>, vector<256x2048xf32> -> vector<256x2048xf32>
    %convert_element_type3A_51 = arith.truncf %dot_general3A_50 : vector<256x2048xf32> to vector<256x2048xbf16>
    %get3A_52 = arith.constant 0 : index
    %get3A_53 = arith.constant 0 : index
    %get3A_54 = vector.load %arg10[%get3A_52, %get3A_53] : memref<256x2048xbf16, #tpu.memory_space<vmem>>, vector<256x2048xbf16>
    %lt3A = arith.cmpf olt, %convert_element_type3A_51, %get3A_54 : vector<256x2048xbf16>
    %select_n3A = arith.select %lt3A, %convert_element_type3A_51, %get3A_54 : vector<256x2048xi1>, vector<256x2048xbf16>
    %swap3A_55 = arith.constant 0 : index
    %swap3A_56 = arith.constant 0 : index
    %swap3A_57 = vector.load %arg10[%swap3A_55, %swap3A_56] : memref<256x2048xbf16, #tpu.memory_space<vmem>>, vector<256x2048xbf16>
    tpu.vector_store %arg10[%swap3A_55, %swap3A_56], %select_n3A {strides = array<i32>} : memref<256x2048xbf16, #tpu.memory_space<vmem>>, vector<256x2048xbf16>,
    %get3A_58 = arith.constant 0 : index
    %get3A_59 = arith.constant 0 : index
    %get3A_60 = vector.load %arg11[%get3A_58, %get3A_59] : memref<256x2048xbf16, #tpu.memory_space<vmem>>, vector<256x2048xbf16>
    %jit3A = arith.constant 1.000000e+00 : bf16
    %broadcast_in_dim3A_61 = vector.broadcast %jit3A : bf16 to vector<256x2048xbf16>
    %select_n3A_62 = arith.select %lt3A, %broadcast_in_dim3A_61, %get3A_60 : vector<256x2048xi1>, vector<256x2048xbf16>
    %swap3A_63 = arith.constant 0 : index
    %swap3A_64 = arith.constant 0 : index
    %swap3A_65 = vector.load %arg11[%swap3A_63, %swap3A_64] : memref<256x2048xbf16, #tpu.memory_space<vmem>>, vector<256x2048xbf16>
    tpu.vector_store %arg11[%swap3A_63, %swap3A_64], %select_n3A_62 {strides = array<i32>} : memref<256x2048xbf16, #tpu.memory_space<vmem>>, vector<256x2048xbf16>,
    %get3A_66 = arith.constant 512 : index
    %get3A_67 = arith.constant 0 : index
    %get3A_68 = vector.load %arg9[%get3A_66, %get3A_67] : memref<8192x33xbf16, #tpu.memory_space<vmem>>, vector<256x33xbf16>
    %dot_general3A_69 = arith.constant dense<0.000000e+00> : vector<256x2048xf32>
    %dot_general3A_70 = tpu.matmul %get3A_68, %convert_element_type3A_31, %dot_general3A_69 {dimension_numbers = #tpu.dot_dimension_numbers<[1], [0], [0], [1], [0, 0, 1, 1], [], []>, transpose_lhs_hint = false} : vector<256x33xbf16>, vector<33x2048xbf16>, vector<256x2048xf32> -> vector<256x2048xf32>
    %convert_element_type3A_71 = arith.truncf %dot_general3A_70 : vector<256x2048xf32> to vector<256x2048xbf16>
    %get3A_72 = arith.constant 0 : index
    %get3A_73 = arith.constant 0 : index
    %get3A_74 = vector.load %arg10[%get3A_72, %get3A_73] : memref<256x2048xbf16, #tpu.memory_space<vmem>>, vector<256x2048xbf16>
    %lt3A_75 = arith.cmpf olt, %convert_element_type3A_71, %get3A_74 : vector<256x2048xbf16>
    %select_n3A_76 = arith.select %lt3A_75, %convert_element_type3A_71, %get3A_74 : vector<256x2048xi1>, vector<256x2048xbf16>
    %swap3A_77 = arith.constant 0 : index
    %swap3A_78 = arith.constant 0 : index
    %swap3A_79 = vector.load %arg10[%swap3A_77, %swap3A_78] : memref<256x2048xbf16, #tpu.memory_space<vmem>>, vector<256x2048xbf16>
    tpu.vector_store %arg10[%swap3A_77, %swap3A_78], %select_n3A_76 {strides = array<i32>} : memref<256x2048xbf16, #tpu.memory_space<vmem>>, vector<256x2048xbf16>,
    %get3A_80 = arith.constant 0 : index
    %get3A_81 = arith.constant 0 : index
    %get3A_82 = vector.load %arg11[%get3A_80, %get3A_81] : memref<256x2048xbf16, #tpu.memory_space<vmem>>, vector<256x2048xbf16>
    %jit3A_83 = arith.constant 2.000000e+00 : bf16
    %broadcast_in_dim3A_84 = vector.broadcast %jit3A_83 : bf16 to vector<256x2048xbf16>
    %select_n3A_85 = arith.select %lt3A_75, %broadcast_in_dim3A_84, %get3A_82 : vector<256x2048xi1>, vector<256x2048xbf16>
    %swap3A_86 = arith.constant 0 : index
    %swap3A_87 = arith.constant 0 : index
    %swap3A_88 = vector.load %arg11[%swap3A_86, %swap3A_87] : memref<256x2048xbf16, #tpu.memory_space<vmem>>, vector<256x2048xbf16>
    tpu.vector_store %arg11[%swap3A_86, %swap3A_87], %select_n3A_85 {strides = array<i32>} : memref<256x2048xbf16, #tpu.memory_space<vmem>>, vector<256x2048xbf16>,
    %get3A_89 = arith.constant 768 : index
    %get3A_90 = arith.constant 0 : index
    %get3A_91 = vector.load %arg9[%get3A_89, %get3A_90] : memref<8192x33xbf16, #tpu.memory_space<vmem>>, vector<256x33xbf16>
    %dot_general3A_92 = arith.constant dense<0.000000e+00> : vector<256x2048xf32>
    %dot_general3A_93 = tpu.matmul %get3A_91, %convert_element_type3A_31, %dot_general3A_92 {dimension_numbers = #tpu.dot_dimension_numbers<[1], [0], [0], [1], [0, 0, 1, 1], [], []>, transpose_lhs_hint = false} : vector<256x33xbf16>, vector<33x2048xbf16>, vector<256x2048xf32> -> vector<256x2048xf32>
    %convert_element_type3A_94 = arith.truncf %dot_general3A_93 : vector<256x2048xf32> to vector<256x2048xbf16>
    %get3A_95 = arith.constant 0 : index
    %get3A_96 = arith.constant 0 : index
    %get3A_97 = vector.load %arg10[%get3A_95, %get3A_96] : memref<256x2048xbf16, #tpu.memory_space<vmem>>, vector<256x2048xbf16>
    %lt3A_98 = arith.cmpf olt, %convert_element_type3A_94, %get3A_97 : vector<256x2048xbf16>
    %select_n3A_99 = arith.select %lt3A_98, %convert_element_type3A_94, %get3A_97 : vector<256x2048xi1>, vector<256x2048xbf16>
    %swap3A_100 = arith.constant 0 : index
    %swap3A_101 = arith.constant 0 : index
    %swap3A_102 = vector.load %arg10[%swap3A_100, %swap3A_101] : memref<256x2048xbf16, #tpu.memory_space<vmem>>, vector<256x2048xbf16>
    tpu.vector_store %arg10[%swap3A_100, %swap3A_101], %select_n3A_99 {strides = array<i32>} : memref<256x2048xbf16, #tpu.memory_space<vmem>>, vector<256x2048xbf16>,
    %get3A_103 = arith.constant 0 : index
    %get3A_104 = arith.constant 0 : index
    %get3A_105 = vector.load %arg11[%get3A_103, %get3A_104] : memref<256x2048xbf16, #tpu.memory_space<vmem>>, vector<256x2048xbf16>
    %jit3A_106 = arith.constant 3.000000e+00 : bf16
    %broadcast_in_dim3A_107 = vector.broadcast %jit3A_106 : bf16 to vector<256x2048xbf16>
    %select_n3A_108 = arith.select %lt3A_98, %broadcast_in_dim3A_107, %get3A_105 : vector<256x2048xi1>, vector<256x2048xbf16>
    %swap3A_109 = arith.constant 0 : index
    %swap3A_110 = arith.constant 0 : index
    %swap3A_111 = vector.load %arg11[%swap3A_109, %swap3A_110] : memref<256x2048xbf16, #tpu.memory_space<vmem>>, vector<256x2048xbf16>
    tpu.vector_store %arg11[%swap3A_109, %swap3A_110], %select_n3A_108 {strides = array<i32>} : memref<256x2048xbf16, #tpu.memory_space<vmem>>, vector<256x2048xbf16>,
    %get3A_112 = arith.constant 1024 : index
    %get3A_113 = arith.constant 0 : index
    %get3A_114 = vector.load %arg9[%get3A_112, %get3A_113] : memref<8192x33xbf16, #tpu.memory_space<vmem>>, vector<256x33xbf16>
    %dot_general3A_115 = arith.constant dense<0.000000e+00> : vector<256x2048xf32>
    %dot_general3A_116 = tpu.matmul %get3A_114, %convert_element_type3A_31, %dot_general3A_115 {dimension_numbers = #tpu.dot_dimension_numbers<[1], [0], [0], [1], [0, 0, 1, 1], [], []>, transpose_lhs_hint = false} : vector<256x33xbf16>, vector<33x2048xbf16>, vector<256x2048xf32> -> vector<256x2048xf32>
    %convert_element_type3A_117 = arith.truncf %dot_general3A_116 : vector<256x2048xf32> to vector<256x2048xbf16>
    %get3A_118 = arith.constant 0 : index
    %get3A_119 = arith.constant 0 : index
    %get3A_120 = vector.load %arg10[%get3A_118, %get3A_119] : memref<256x2048xbf16, #tpu.memory_space<vmem>>, vector<256x2048xbf16>
    %lt3A_121 = arith.cmpf olt, %convert_element_type3A_117, %get3A_120 : vector<256x2048xbf16>
    %select_n3A_122 = arith.select %lt3A_121, %convert_element_type3A_117, %get3A_120 : vector<256x2048xi1>, vector<256x2048xbf16>
    %swap3A_123 = arith.constant 0 : index
    %swap3A_124 = arith.constant 0 : index
    %swap3A_125 = vector.load %arg10[%swap3A_123, %swap3A_124] : memref<256x2048xbf16, #tpu.memory_space<vmem>>, vector<256x2048xbf16>
    tpu.vector_store %arg10[%swap3A_123, %swap3A_124], %select_n3A_122 {strides = array<i32>} : memref<256x2048xbf16, #tpu.memory_space<vmem>>, vector<256x2048xbf16>,
    %get3A_126 = arith.constant 0 : index
    %get3A_127 = arith.constant 0 : index
    %get3A_128 = vector.load %arg11[%get3A_126, %get3A_127] : memref<256x2048xbf16, #tpu.memory_space<vmem>>, vector<256x2048xbf16>
    %jit3A_129 = arith.constant 4.000000e+00 : bf16
    %broadcast_in_dim3A_130 = vector.broadcast %jit3A_129 : bf16 to vector<256x2048xbf16>
    %select_n3A_131 = arith.select %lt3A_121, %broadcast_in_dim3A_130, %get3A_128 : vector<256x2048xi1>, vector<256x2048xbf16>
    %swap3A_132 = arith.constant 0 : index
    %swap3A_133 = arith.constant 0 : index
    %swap3A_134 = vector.load %arg11[%swap3A_132, %swap3A_133] : memref<256x2048xbf16, #tpu.memory_space<vmem>>, vector<256x2048xbf16>
    tpu.vector_store %arg11[%swap3A_132, %swap3A_133], %select_n3A_131 {strides = array<i32>} : memref<256x2048xbf16, #tpu.memory_space<vmem>>, vector<256x2048xbf16>,
    %get3A_135 = arith.constant 1280 : index
    %get3A_136 = arith.constant 0 : index
    %get3A_137 = vector.load %arg9[%get3A_135, %get3A_136] : memref<8192x33xbf16, #tpu.memory_space<vmem>>, vector<256x33xbf16>
    %dot_general3A_138 = arith.constant dense<0.000000e+00> : vector<256x2048xf32>
    %dot_general3A_139 = tpu.matmul %get3A_137, %convert_element_type3A_31, %dot_general3A_138 {dimension_numbers = #tpu.dot_dimension_numbers<[1], [0], [0], [1], [0, 0, 1, 1], [], []>, transpose_lhs_hint = false} : vector<256x33xbf16>, vector<33x2048xbf16>, vector<256x2048xf32> -> vector<256x2048xf32>
    %convert_element_type3A_140 = arith.truncf %dot_general3A_139 : vector<256x2048xf32> to vector<256x2048xbf16>
    %get3A_141 = arith.constant 0 : index
    %get3A_142 = arith.constant 0 : index
    %get3A_143 = vector.load %arg10[%get3A_141, %get3A_142] : memref<256x2048xbf16, #tpu.memory_space<vmem>>, vector<256x2048xbf16>
    %lt3A_144 = arith.cmpf olt, %convert_element_type3A_140, %get3A_143 : vector<256x2048xbf16>
    %select_n3A_145 = arith.select %lt3A_144, %convert_element_type3A_140, %get3A_143 : vector<256x2048xi1>, vector<256x2048xbf16>
    %swap3A_146 = arith.constant 0 : index
    %swap3A_147 = arith.constant 0 : index
    %swap3A_148 = vector.load %arg10[%swap3A_146, %swap3A_147] : memref<256x2048xbf16, #tpu.memory_space<vmem>>, vector<256x2048xbf16>
    tpu.vector_store %arg10[%swap3A_146, %swap3A_147], %select_n3A_145 {strides = array<i32>} : memref<256x2048xbf16, #tpu.memory_space<vmem>>, vector<256x2048xbf16>,
    %get3A_149 = arith.constant 0 : index
    %get3A_150 = arith.constant 0 : index
    %get3A_151 = vector.load %arg11[%get3A_149, %get3A_150] : memref<256x2048xbf16, #tpu.memory_space<vmem>>, vector<256x2048xbf16>
    %jit3A_152 = arith.constant 5.000000e+00 : bf16
    %broadcast_in_dim3A_153 = vector.broadcast %jit3A_152 : bf16 to vector<256x2048xbf16>
    %select_n3A_154 = arith.select %lt3A_144, %broadcast_in_dim3A_153, %get3A_151 : vector<256x2048xi1>, vector<256x2048xbf16>
    %swap3A_155 = arith.constant 0 : index
    %swap3A_156 = arith.constant 0 : index
    %swap3A_157 = vector.load %arg11[%swap3A_155, %swap3A_156] : memref<256x2048xbf16, #tpu.memory_space<vmem>>, vector<256x2048xbf16>
    tpu.vector_store %arg11[%swap3A_155, %swap3A_156], %select_n3A_154 {strides = array<i32>} : memref<256x2048xbf16, #tpu.memory_space<vmem>>, vector<256x2048xbf16>,
    %get3A_158 = arith.constant 1536 : index
    %get3A_159 = arith.constant 0 : index
    %get3A_160 = vector.load %arg9[%get3A_158, %get3A_159] : memref<8192x33xbf16, #tpu.memory_space<vmem>>, vector<256x33xbf16>
    %dot_general3A_161 = arith.constant dense<0.000000e+00> : vector<256x2048xf32>
    %dot_general3A_162 = tpu.matmul %get3A_160, %convert_element_type3A_31, %dot_general3A_161 {dimension_numbers = #tpu.dot_dimension_numbers<[1], [0], [0], [1], [0, 0, 1, 1], [], []>, transpose_lhs_hint = false} : vector<256x33xbf16>, vector<33x2048xbf16>, vector<256x2048xf32> -> vector<256x2048xf32>
    %convert_element_type3A_163 = arith.truncf %dot_general3A_162 : vector<256x2048xf32> to vector<256x2048xbf16>
    %get3A_164 = arith.constant 0 : index
    %get3A_165 = arith.constant 0 : index
    %get3A_166 = vector.load %arg10[%get3A_164, %get3A_165] : memref<256x2048xbf16, #tpu.memory_space<vmem>>, vector<256x2048xbf16>
    %lt3A_167 = arith.cmpf olt, %convert_element_type3A_163, %get3A_166 : vector<256x2048xbf16>
    %select_n3A_168 = arith.select %lt3A_167, %convert_element_type3A_163, %get3A_166 : vector<256x2048xi1>, vector<256x2048xbf16>
    %swap3A_169 = arith.constant 0 : index
    %swap3A_170 = arith.constant 0 : index
    %swap3A_171 = vector.load %arg10[%swap3A_169, %swap3A_170] : memref<256x2048xbf16, #tpu.memory_space<vmem>>, vector<256x2048xbf16>
    tpu.vector_store %arg10[%swap3A_169, %swap3A_170], %select_n3A_168 {strides = array<i32>} : memref<256x2048xbf16, #tpu.memory_space<vmem>>, vector<256x2048xbf16>,
    %get3A_172 = arith.constant 0 : index
    %get3A_173 = arith.constant 0 : index
    %get3A_174 = vector.load %arg11[%get3A_172, %get3A_173] : memref<256x2048xbf16, #tpu.memory_space<vmem>>, vector<256x2048xbf16>
    %jit3A_175 = arith.constant 6.000000e+00 : bf16
    %broadcast_in_dim3A_176 = vector.broadcast %jit3A_175 : bf16 to vector<256x2048xbf16>
    %select_n3A_177 = arith.select %lt3A_167, %broadcast_in_dim3A_176, %get3A_174 : vector<256x2048xi1>, vector<256x2048xbf16>
    %swap3A_178 = arith.constant 0 : index
    %swap3A_179 = arith.constant 0 : index
    %swap3A_180 = vector.load %arg11[%swap3A_178, %swap3A_179] : memref<256x2048xbf16, #tpu.memory_space<vmem>>, vector<256x2048xbf16>
    tpu.vector_store %arg11[%swap3A_178, %swap3A_179], %select_n3A_177 {strides = array<i32>} : memref<256x2048xbf16, #tpu.memory_space<vmem>>, vector<256x2048xbf16>,
    %get3A_181 = arith.constant 1792 : index
    %get3A_182 = arith.constant 0 : index
    %get3A_183 = vector.load %arg9[%get3A_181, %get3A_182] : memref<8192x33xbf16, #tpu.memory_space<vmem>>, vector<256x33xbf16>
    %dot_general3A_184 = arith.constant dense<0.000000e+00> : vector<256x2048xf32>
    %dot_general3A_185 = tpu.matmul %get3A_183, %convert_element_type3A_31, %dot_general3A_184 {dimension_numbers = #tpu.dot_dimension_numbers<[1], [0], [0], [1], [0, 0, 1, 1], [], []>, transpose_lhs_hint = false} : vector<256x33xbf16>, vector<33x2048xbf16>, vector<256x2048xf32> -> vector<256x2048xf32>
    %convert_element_type3A_186 = arith.truncf %dot_general3A_185 : vector<256x2048xf32> to vector<256x2048xbf16>
    %get3A_187 = arith.constant 0 : index
    %get3A_188 = arith.constant 0 : index
    %get3A_189 = vector.load %arg10[%get3A_187, %get3A_188] : memref<256x2048xbf16, #tpu.memory_space<vmem>>, vector<256x2048xbf16>
    %lt3A_190 = arith.cmpf olt, %convert_element_type3A_186, %get3A_189 : vector<256x2048xbf16>
    %select_n3A_191 = arith.select %lt3A_190, %convert_element_type3A_186, %get3A_189 : vector<256x2048xi1>, vector<256x2048xbf16>
    %swap3A_192 = arith.constant 0 : index
    %swap3A_193 = arith.constant 0 : index
    %swap3A_194 = vector.load %arg10[%swap3A_192, %swap3A_193] : memref<256x2048xbf16, #tpu.memory_space<vmem>>, vector<256x2048xbf16>
    tpu.vector_store %arg10[%swap3A_192, %swap3A_193], %select_n3A_191 {strides = array<i32>} : memref<256x2048xbf16, #tpu.memory_space<vmem>>, vector<256x2048xbf16>,
    %get3A_195 = arith.constant 0 : index
    %get3A_196 = arith.constant 0 : index
    %get3A_197 = vector.load %arg11[%get3A_195, %get3A_196] : memref<256x2048xbf16, #tpu.memory_space<vmem>>, vector<256x2048xbf16>
    %jit3A_198 = arith.constant 7.000000e+00 : bf16
    %broadcast_in_dim3A_199 = vector.broadcast %jit3A_198 : bf16 to vector<256x2048xbf16>
    %select_n3A_200 = arith.select %lt3A_190, %broadcast_in_dim3A_199, %get3A_197 : vector<256x2048xi1>, vector<256x2048xbf16>
    %swap3A_201 = arith.constant 0 : index
    %swap3A_202 = arith.constant 0 : index
    %swap3A_203 = vector.load %arg11[%swap3A_201, %swap3A_202] : memref<256x2048xbf16, #tpu.memory_space<vmem>>, vector<256x2048xbf16>
    tpu.vector_store %arg11[%swap3A_201, %swap3A_202], %select_n3A_200 {strides = array<i32>} : memref<256x2048xbf16, #tpu.memory_space<vmem>>, vector<256x2048xbf16>,
    %get3A_204 = arith.constant 2048 : index
    %get3A_205 = arith.constant 0 : index
    %get3A_206 = vector.load %arg9[%get3A_204, %get3A_205] : memref<8192x33xbf16, #tpu.memory_space<vmem>>, vector<256x33xbf16>
    %dot_general3A_207 = arith.constant dense<0.000000e+00> : vector<256x2048xf32>
    %dot_general3A_208 = tpu.matmul %get3A_206, %convert_element_type3A_31, %dot_general3A_207 {dimension_numbers = #tpu.dot_dimension_numbers<[1], [0], [0], [1], [0, 0, 1, 1], [], []>, transpose_lhs_hint = false} : vector<256x33xbf16>, vector<33x2048xbf16>, vector<256x2048xf32> -> vector<256x2048xf32>
    %convert_element_type3A_209 = arith.truncf %dot_general3A_208 : vector<256x2048xf32> to vector<256x2048xbf16>
    %get3A_210 = arith.constant 0 : index
    %get3A_211 = arith.constant 0 : index
    %get3A_212 = vector.load %arg10[%get3A_210, %get3A_211] : memref<256x2048xbf16, #tpu.memory_space<vmem>>, vector<256x2048xbf16>
    %lt3A_213 = arith.cmpf olt, %convert_element_type3A_209, %get3A_212 : vector<256x2048xbf16>
    %select_n3A_214 = arith.select %lt3A_213, %convert_element_type3A_209, %get3A_212 : vector<256x2048xi1>, vector<256x2048xbf16>
    %swap3A_215 = arith.constant 0 : index
    %swap3A_216 = arith.constant 0 : index
    %swap3A_217 = vector.load %arg10[%swap3A_215, %swap3A_216] : memref<256x2048xbf16, #tpu.memory_space<vmem>>, vector<256x2048xbf16>
    tpu.vector_store %arg10[%swap3A_215, %swap3A_216], %select_n3A_214 {strides = array<i32>} : memref<256x2048xbf16, #tpu.memory_space<vmem>>, vector<256x2048xbf16>,
    %get3A_218 = arith.constant 0 : index
    %get3A_219 = arith.constant 0 : index
    %get3A_220 = vector.load %arg11[%get3A_218, %get3A_219] : memref<256x2048xbf16, #tpu.memory_space<vmem>>, vector<256x2048xbf16>
    %jit3A_221 = arith.constant 8.000000e+00 : bf16
    %broadcast_in_dim3A_222 = vector.broadcast %jit3A_221 : bf16 to vector<256x2048xbf16>
    %select_n3A_223 = arith.select %lt3A_213, %broadcast_in_dim3A_222, %get3A_220 : vector<256x2048xi1>, vector<256x2048xbf16>
    %swap3A_224 = arith.constant 0 : index
    %swap3A_225 = arith.constant 0 : index
    %swap3A_226 = vector.load %arg11[%swap3A_224, %swap3A_225] : memref<256x2048xbf16, #tpu.memory_space<vmem>>, vector<256x2048xbf16>
    tpu.vector_store %arg11[%swap3A_224, %swap3A_225], %select_n3A_223 {strides = array<i32>} : memref<256x2048xbf16, #tpu.memory_space<vmem>>, vector<256x2048xbf16>,
    %get3A_227 = arith.constant 2304 : index
    %get3A_228 = arith.constant 0 : index
    %get3A_229 = vector.load %arg9[%get3A_227, %get3A_228] : memref<8192x33xbf16, #tpu.memory_space<vmem>>, vector<256x33xbf16>
    %dot_general3A_230 = arith.constant dense<0.000000e+00> : vector<256x2048xf32>
    %dot_general3A_231 = tpu.matmul %get3A_229, %convert_element_type3A_31, %dot_general3A_230 {dimension_numbers = #tpu.dot_dimension_numbers<[1], [0], [0], [1], [0, 0, 1, 1], [], []>, transpose_lhs_hint = false} : vector<256x33xbf16>, vector<33x2048xbf16>, vector<256x2048xf32> -> vector<256x2048xf32>
    %convert_element_type3A_232 = arith.truncf %dot_general3A_231 : vector<256x2048xf32> to vector<256x2048xbf16>
    %get3A_233 = arith.constant 0 : index
    %get3A_234 = arith.constant 0 : index
    %get3A_235 = vector.load %arg10[%get3A_233, %get3A_234] : memref<256x2048xbf16, #tpu.memory_space<vmem>>, vector<256x2048xbf16>
    %lt3A_236 = arith.cmpf olt, %convert_element_type3A_232, %get3A_235 : vector<256x2048xbf16>
    %select_n3A_237 = arith.select %lt3A_236, %convert_element_type3A_232, %get3A_235 : vector<256x2048xi1>, vector<256x2048xbf16>
    %swap3A_238 = arith.constant 0 : index
    %swap3A_239 = arith.constant 0 : index
    %swap3A_240 = vector.load %arg10[%swap3A_238, %swap3A_239] : memref<256x2048xbf16, #tpu.memory_space<vmem>>, vector<256x2048xbf16>
    tpu.vector_store %arg10[%swap3A_238, %swap3A_239], %select_n3A_237 {strides = array<i32>} : memref<256x2048xbf16, #tpu.memory_space<vmem>>, vector<256x2048xbf16>,
    %get3A_241 = arith.constant 0 : index
    %get3A_242 = arith.constant 0 : index
    %get3A_243 = vector.load %arg11[%get3A_241, %get3A_242] : memref<256x2048xbf16, #tpu.memory_space<vmem>>, vector<256x2048xbf16>
    %jit3A_244 = arith.constant 9.000000e+00 : bf16
    %broadcast_in_dim3A_245 = vector.broadcast %jit3A_244 : bf16 to vector<256x2048xbf16>
    %select_n3A_246 = arith.select %lt3A_236, %broadcast_in_dim3A_245, %get3A_243 : vector<256x2048xi1>, vector<256x2048xbf16>
    %swap3A_247 = arith.constant 0 : index
    %swap3A_248 = arith.constant 0 : index
    %swap3A_249 = vector.load %arg11[%swap3A_247, %swap3A_248] : memref<256x2048xbf16, #tpu.memory_space<vmem>>, vector<256x2048xbf16>
    tpu.vector_store %arg11[%swap3A_247, %swap3A_248], %select_n3A_246 {strides = array<i32>} : memref<256x2048xbf16, #tpu.memory_space<vmem>>, vector<256x2048xbf16>,
    %get3A_250 = arith.constant 2560 : index
    %get3A_251 = arith.constant 0 : index
    %get3A_252 = vector.load %arg9[%get3A_250, %get3A_251] : memref<8192x33xbf16, #tpu.memory_space<vmem>>, vector<256x33xbf16>
    %dot_general3A_253 = arith.constant dense<0.000000e+00> : vector<256x2048xf32>
    %dot_general3A_254 = tpu.matmul %get3A_252, %convert_element_type3A_31, %dot_general3A_253 {dimension_numbers = #tpu.dot_dimension_numbers<[1], [0], [0], [1], [0, 0, 1, 1], [], []>, transpose_lhs_hint = false} : vector<256x33xbf16>, vector<33x2048xbf16>, vector<256x2048xf32> -> vector<256x2048xf32>
    %convert_element_type3A_255 = arith.truncf %dot_general3A_254 : vector<256x2048xf32> to vector<256x2048xbf16>
    %get3A_256 = arith.constant 0 : index
    %get3A_257 = arith.constant 0 : index
    %get3A_258 = vector.load %arg10[%get3A_256, %get3A_257] : memref<256x2048xbf16, #tpu.memory_space<vmem>>, vector<256x2048xbf16>
    %lt3A_259 = arith.cmpf olt, %convert_element_type3A_255, %get3A_258 : vector<256x2048xbf16>
    %select_n3A_260 = arith.select %lt3A_259, %convert_element_type3A_255, %get3A_258 : vector<256x2048xi1>, vector<256x2048xbf16>
    %swap3A_261 = arith.constant 0 : index
    %swap3A_262 = arith.constant 0 : index
    %swap3A_263 = vector.load %arg10[%swap3A_261, %swap3A_262] : memref<256x2048xbf16, #tpu.memory_space<vmem>>, vector<256x2048xbf16>
    tpu.vector_store %arg10[%swap3A_261, %swap3A_262], %select_n3A_260 {strides = array<i32>} : memref<256x2048xbf16, #tpu.memory_space<vmem>>, vector<256x2048xbf16>,
    %get3A_264 = arith.constant 0 : index
    %get3A_265 = arith.constant 0 : index
    %get3A_266 = vector.load %arg11[%get3A_264, %get3A_265] : memref<256x2048xbf16, #tpu.memory_space<vmem>>, vector<256x2048xbf16>
    %jit3A_267 = arith.constant 1.000000e+01 : bf16
    %broadcast_in_dim3A_268 = vector.broadcast %jit3A_267 : bf16 to vector<256x2048xbf16>
    %select_n3A_269 = arith.select %lt3A_259, %broadcast_in_dim3A_268, %get3A_266 : vector<256x2048xi1>, vector<256x2048xbf16>
    %swap3A_270 = arith.constant 0 : index
    %swap3A_271 = arith.constant 0 : index
    %swap3A_272 = vector.load %arg11[%swap3A_270, %swap3A_271] : memref<256x2048xbf16, #tpu.memory_space<vmem>>, vector<256x2048xbf16>
    tpu.vector_store %arg11[%swap3A_270, %swap3A_271], %select_n3A_269 {strides = array<i32>} : memref<256x2048xbf16, #tpu.memory_space<vmem>>, vector<256x2048xbf16>,
    %get3A_273 = arith.constant 2816 : index
    %get3A_274 = arith.constant 0 : index
    %get3A_275 = vector.load %arg9[%get3A_273, %get3A_274] : memref<8192x33xbf16, #tpu.memory_space<vmem>>, vector<256x33xbf16>
    %dot_general3A_276 = arith.constant dense<0.000000e+00> : vector<256x2048xf32>
    %dot_general3A_277 = tpu.matmul %get3A_275, %convert_element_type3A_31, %dot_general3A_276 {dimension_numbers = #tpu.dot_dimension_numbers<[1], [0], [0], [1], [0, 0, 1, 1], [], []>, transpose_lhs_hint = false} : vector<256x33xbf16>, vector<33x2048xbf16>, vector<256x2048xf32> -> vector<256x2048xf32>
    %convert_element_type3A_278 = arith.truncf %dot_general3A_277 : vector<256x2048xf32> to vector<256x2048xbf16>
    %get3A_279 = arith.constant 0 : index
    %get3A_280 = arith.constant 0 : index
    %get3A_281 = vector.load %arg10[%get3A_279, %get3A_280] : memref<256x2048xbf16, #tpu.memory_space<vmem>>, vector<256x2048xbf16>
    %lt3A_282 = arith.cmpf olt, %convert_element_type3A_278, %get3A_281 : vector<256x2048xbf16>
    %select_n3A_283 = arith.select %lt3A_282, %convert_element_type3A_278, %get3A_281 : vector<256x2048xi1>, vector<256x2048xbf16>
    %swap3A_284 = arith.constant 0 : index
    %swap3A_285 = arith.constant 0 : index
    %swap3A_286 = vector.load %arg10[%swap3A_284, %swap3A_285] : memref<256x2048xbf16, #tpu.memory_space<vmem>>, vector<256x2048xbf16>
    tpu.vector_store %arg10[%swap3A_284, %swap3A_285], %select_n3A_283 {strides = array<i32>} : memref<256x2048xbf16, #tpu.memory_space<vmem>>, vector<256x2048xbf16>,
    %get3A_287 = arith.constant 0 : index
    %get3A_288 = arith.constant 0 : index
    %get3A_289 = vector.load %arg11[%get3A_287, %get3A_288] : memref<256x2048xbf16, #tpu.memory_space<vmem>>, vector<256x2048xbf16>
    %jit3A_290 = arith.constant 1.100000e+01 : bf16
    %broadcast_in_dim3A_291 = vector.broadcast %jit3A_290 : bf16 to vector<256x2048xbf16>
    %select_n3A_292 = arith.select %lt3A_282, %broadcast_in_dim3A_291, %get3A_289 : vector<256x2048xi1>, vector<256x2048xbf16>
    %swap3A_293 = arith.constant 0 : index
    %swap3A_294 = arith.constant 0 : index
    %swap3A_295 = vector.load %arg11[%swap3A_293, %swap3A_294] : memref<256x2048xbf16, #tpu.memory_space<vmem>>, vector<256x2048xbf16>
    tpu.vector_store %arg11[%swap3A_293, %swap3A_294], %select_n3A_292 {strides = array<i32>} : memref<256x2048xbf16, #tpu.memory_space<vmem>>, vector<256x2048xbf16>,
    %get3A_296 = arith.constant 3072 : index
    %get3A_297 = arith.constant 0 : index
    %get3A_298 = vector.load %arg9[%get3A_296, %get3A_297] : memref<8192x33xbf16, #tpu.memory_space<vmem>>, vector<256x33xbf16>
    %dot_general3A_299 = arith.constant dense<0.000000e+00> : vector<256x2048xf32>
    %dot_general3A_300 = tpu.matmul %get3A_298, %convert_element_type3A_31, %dot_general3A_299 {dimension_numbers = #tpu.dot_dimension_numbers<[1], [0], [0], [1], [0, 0, 1, 1], [], []>, transpose_lhs_hint = false} : vector<256x33xbf16>, vector<33x2048xbf16>, vector<256x2048xf32> -> vector<256x2048xf32>
    %convert_element_type3A_301 = arith.truncf %dot_general3A_300 : vector<256x2048xf32> to vector<256x2048xbf16>
    %get3A_302 = arith.constant 0 : index
    %get3A_303 = arith.constant 0 : index
    %get3A_304 = vector.load %arg10[%get3A_302, %get3A_303] : memref<256x2048xbf16, #tpu.memory_space<vmem>>, vector<256x2048xbf16>
    %lt3A_305 = arith.cmpf olt, %convert_element_type3A_301, %get3A_304 : vector<256x2048xbf16>
    %select_n3A_306 = arith.select %lt3A_305, %convert_element_type3A_301, %get3A_304 : vector<256x2048xi1>, vector<256x2048xbf16>
    %swap3A_307 = arith.constant 0 : index
    %swap3A_308 = arith.constant 0 : index
    %swap3A_309 = vector.load %arg10[%swap3A_307, %swap3A_308] : memref<256x2048xbf16, #tpu.memory_space<vmem>>, vector<256x2048xbf16>
    tpu.vector_store %arg10[%swap3A_307, %swap3A_308], %select_n3A_306 {strides = array<i32>} : memref<256x2048xbf16, #tpu.memory_space<vmem>>, vector<256x2048xbf16>,
    %get3A_310 = arith.constant 0 : index
    %get3A_311 = arith.constant 0 : index
    %get3A_312 = vector.load %arg11[%get3A_310, %get3A_311] : memref<256x2048xbf16, #tpu.memory_space<vmem>>, vector<256x2048xbf16>
    %jit3A_313 = arith.constant 1.200000e+01 : bf16
    %broadcast_in_dim3A_314 = vector.broadcast %jit3A_313 : bf16 to vector<256x2048xbf16>
    %select_n3A_315 = arith.select %lt3A_305, %broadcast_in_dim3A_314, %get3A_312 : vector<256x2048xi1>, vector<256x2048xbf16>
    %swap3A_316 = arith.constant 0 : index
    %swap3A_317 = arith.constant 0 : index
    %swap3A_318 = vector.load %arg11[%swap3A_316, %swap3A_317] : memref<256x2048xbf16, #tpu.memory_space<vmem>>, vector<256x2048xbf16>
    tpu.vector_store %arg11[%swap3A_316, %swap3A_317], %select_n3A_315 {strides = array<i32>} : memref<256x2048xbf16, #tpu.memory_space<vmem>>, vector<256x2048xbf16>,
    %get3A_319 = arith.constant 3328 : index
    %get3A_320 = arith.constant 0 : index
    %get3A_321 = vector.load %arg9[%get3A_319, %get3A_320] : memref<8192x33xbf16, #tpu.memory_space<vmem>>, vector<256x33xbf16>
    %dot_general3A_322 = arith.constant dense<0.000000e+00> : vector<256x2048xf32>
    %dot_general3A_323 = tpu.matmul %get3A_321, %convert_element_type3A_31, %dot_general3A_322 {dimension_numbers = #tpu.dot_dimension_numbers<[1], [0], [0], [1], [0, 0, 1, 1], [], []>, transpose_lhs_hint = false} : vector<256x33xbf16>, vector<33x2048xbf16>, vector<256x2048xf32> -> vector<256x2048xf32>
    %convert_element_type3A_324 = arith.truncf %dot_general3A_323 : vector<256x2048xf32> to vector<256x2048xbf16>
    %get3A_325 = arith.constant 0 : index
    %get3A_326 = arith.constant 0 : index
    %get3A_327 = vector.load %arg10[%get3A_325, %get3A_326] : memref<256x2048xbf16, #tpu.memory_space<vmem>>, vector<256x2048xbf16>
    %lt3A_328 = arith.cmpf olt, %convert_element_type3A_324, %get3A_327 : vector<256x2048xbf16>
    %select_n3A_329 = arith.select %lt3A_328, %convert_element_type3A_324, %get3A_327 : vector<256x2048xi1>, vector<256x2048xbf16>
    %swap3A_330 = arith.constant 0 : index
    %swap3A_331 = arith.constant 0 : index
    %swap3A_332 = vector.load %arg10[%swap3A_330, %swap3A_331] : memref<256x2048xbf16, #tpu.memory_space<vmem>>, vector<256x2048xbf16>
    tpu.vector_store %arg10[%swap3A_330, %swap3A_331], %select_n3A_329 {strides = array<i32>} : memref<256x2048xbf16, #tpu.memory_space<vmem>>, vector<256x2048xbf16>,
    %get3A_333 = arith.constant 0 : index
    %get3A_334 = arith.constant 0 : index
    %get3A_335 = vector.load %arg11[%get3A_333, %get3A_334] : memref<256x2048xbf16, #tpu.memory_space<vmem>>, vector<256x2048xbf16>
    %jit3A_336 = arith.constant 1.300000e+01 : bf16
    %broadcast_in_dim3A_337 = vector.broadcast %jit3A_336 : bf16 to vector<256x2048xbf16>
    %select_n3A_338 = arith.select %lt3A_328, %broadcast_in_dim3A_337, %get3A_335 : vector<256x2048xi1>, vector<256x2048xbf16>
    %swap3A_339 = arith.constant 0 : index
    %swap3A_340 = arith.constant 0 : index
    %swap3A_341 = vector.load %arg11[%swap3A_339, %swap3A_340] : memref<256x2048xbf16, #tpu.memory_space<vmem>>, vector<256x2048xbf16>
    tpu.vector_store %arg11[%swap3A_339, %swap3A_340], %select_n3A_338 {strides = array<i32>} : memref<256x2048xbf16, #tpu.memory_space<vmem>>, vector<256x2048xbf16>,
    %get3A_342 = arith.constant 3584 : index
    %get3A_343 = arith.constant 0 : index
    %get3A_344 = vector.load %arg9[%get3A_342, %get3A_343] : memref<8192x33xbf16, #tpu.memory_space<vmem>>, vector<256x33xbf16>
    %dot_general3A_345 = arith.constant dense<0.000000e+00> : vector<256x2048xf32>
    %dot_general3A_346 = tpu.matmul %get3A_344, %convert_element_type3A_31, %dot_general3A_345 {dimension_numbers = #tpu.dot_dimension_numbers<[1], [0], [0], [1], [0, 0, 1, 1], [], []>, transpose_lhs_hint = false} : vector<256x33xbf16>, vector<33x2048xbf16>, vector<256x2048xf32> -> vector<256x2048xf32>
    %convert_element_type3A_347 = arith.truncf %dot_general3A_346 : vector<256x2048xf32> to vector<256x2048xbf16>
    %get3A_348 = arith.constant 0 : index
    %get3A_349 = arith.constant 0 : index
    %get3A_350 = vector.load %arg10[%get3A_348, %get3A_349] : memref<256x2048xbf16, #tpu.memory_space<vmem>>, vector<256x2048xbf16>
    %lt3A_351 = arith.cmpf olt, %convert_element_type3A_347, %get3A_350 : vector<256x2048xbf16>
    %select_n3A_352 = arith.select %lt3A_351, %convert_element_type3A_347, %get3A_350 : vector<256x2048xi1>, vector<256x2048xbf16>
    %swap3A_353 = arith.constant 0 : index
    %swap3A_354 = arith.constant 0 : index
    %swap3A_355 = vector.load %arg10[%swap3A_353, %swap3A_354] : memref<256x2048xbf16, #tpu.memory_space<vmem>>, vector<256x2048xbf16>
    tpu.vector_store %arg10[%swap3A_353, %swap3A_354], %select_n3A_352 {strides = array<i32>} : memref<256x2048xbf16, #tpu.memory_space<vmem>>, vector<256x2048xbf16>,
    %get3A_356 = arith.constant 0 : index
    %get3A_357 = arith.constant 0 : index
    %get3A_358 = vector.load %arg11[%get3A_356, %get3A_357] : memref<256x2048xbf16, #tpu.memory_space<vmem>>, vector<256x2048xbf16>
    %jit3A_359 = arith.constant 1.400000e+01 : bf16
    %broadcast_in_dim3A_360 = vector.broadcast %jit3A_359 : bf16 to vector<256x2048xbf16>
    %select_n3A_361 = arith.select %lt3A_351, %broadcast_in_dim3A_360, %get3A_358 : vector<256x2048xi1>, vector<256x2048xbf16>
    %swap3A_362 = arith.constant 0 : index
    %swap3A_363 = arith.constant 0 : index
    %swap3A_364 = vector.load %arg11[%swap3A_362, %swap3A_363] : memref<256x2048xbf16, #tpu.memory_space<vmem>>, vector<256x2048xbf16>
    tpu.vector_store %arg11[%swap3A_362, %swap3A_363], %select_n3A_361 {strides = array<i32>} : memref<256x2048xbf16, #tpu.memory_space<vmem>>, vector<256x2048xbf16>,
    %get3A_365 = arith.constant 3840 : index
    %get3A_366 = arith.constant 0 : index
    %get3A_367 = vector.load %arg9[%get3A_365, %get3A_366] : memref<8192x33xbf16, #tpu.memory_space<vmem>>, vector<256x33xbf16>
    %dot_general3A_368 = arith.constant dense<0.000000e+00> : vector<256x2048xf32>
    %dot_general3A_369 = tpu.matmul %get3A_367, %convert_element_type3A_31, %dot_general3A_368 {dimension_numbers = #tpu.dot_dimension_numbers<[1], [0], [0], [1], [0, 0, 1, 1], [], []>, transpose_lhs_hint = false} : vector<256x33xbf16>, vector<33x2048xbf16>, vector<256x2048xf32> -> vector<256x2048xf32>
    %convert_element_type3A_370 = arith.truncf %dot_general3A_369 : vector<256x2048xf32> to vector<256x2048xbf16>
    %get3A_371 = arith.constant 0 : index
    %get3A_372 = arith.constant 0 : index
    %get3A_373 = vector.load %arg10[%get3A_371, %get3A_372] : memref<256x2048xbf16, #tpu.memory_space<vmem>>, vector<256x2048xbf16>
    %lt3A_374 = arith.cmpf olt, %convert_element_type3A_370, %get3A_373 : vector<256x2048xbf16>
    %select_n3A_375 = arith.select %lt3A_374, %convert_element_type3A_370, %get3A_373 : vector<256x2048xi1>, vector<256x2048xbf16>
    %swap3A_376 = arith.constant 0 : index
    %swap3A_377 = arith.constant 0 : index
    %swap3A_378 = vector.load %arg10[%swap3A_376, %swap3A_377] : memref<256x2048xbf16, #tpu.memory_space<vmem>>, vector<256x2048xbf16>
    tpu.vector_store %arg10[%swap3A_376, %swap3A_377], %select_n3A_375 {strides = array<i32>} : memref<256x2048xbf16, #tpu.memory_space<vmem>>, vector<256x2048xbf16>,
    %get3A_379 = arith.constant 0 : index
    %get3A_380 = arith.constant 0 : index
    %get3A_381 = vector.load %arg11[%get3A_379, %get3A_380] : memref<256x2048xbf16, #tpu.memory_space<vmem>>, vector<256x2048xbf16>
    %jit3A_382 = arith.constant 1.500000e+01 : bf16
    %broadcast_in_dim3A_383 = vector.broadcast %jit3A_382 : bf16 to vector<256x2048xbf16>
    %select_n3A_384 = arith.select %lt3A_374, %broadcast_in_dim3A_383, %get3A_381 : vector<256x2048xi1>, vector<256x2048xbf16>
    %swap3A_385 = arith.constant 0 : index
    %swap3A_386 = arith.constant 0 : index
    %swap3A_387 = vector.load %arg11[%swap3A_385, %swap3A_386] : memref<256x2048xbf16, #tpu.memory_space<vmem>>, vector<256x2048xbf16>
    tpu.vector_store %arg11[%swap3A_385, %swap3A_386], %select_n3A_384 {strides = array<i32>} : memref<256x2048xbf16, #tpu.memory_space<vmem>>, vector<256x2048xbf16>,
    %get3A_388 = arith.constant 4096 : index
    %get3A_389 = arith.constant 0 : index
    %get3A_390 = vector.load %arg9[%get3A_388, %get3A_389] : memref<8192x33xbf16, #tpu.memory_space<vmem>>, vector<256x33xbf16>
    %dot_general3A_391 = arith.constant dense<0.000000e+00> : vector<256x2048xf32>
    %dot_general3A_392 = tpu.matmul %get3A_390, %convert_element_type3A_31, %dot_general3A_391 {dimension_numbers = #tpu.dot_dimension_numbers<[1], [0], [0], [1], [0, 0, 1, 1], [], []>, transpose_lhs_hint = false} : vector<256x33xbf16>, vector<33x2048xbf16>, vector<256x2048xf32> -> vector<256x2048xf32>
    %convert_element_type3A_393 = arith.truncf %dot_general3A_392 : vector<256x2048xf32> to vector<256x2048xbf16>
    %get3A_394 = arith.constant 0 : index
    %get3A_395 = arith.constant 0 : index
    %get3A_396 = vector.load %arg10[%get3A_394, %get3A_395] : memref<256x2048xbf16, #tpu.memory_space<vmem>>, vector<256x2048xbf16>
    %lt3A_397 = arith.cmpf olt, %convert_element_type3A_393, %get3A_396 : vector<256x2048xbf16>
    %select_n3A_398 = arith.select %lt3A_397, %convert_element_type3A_393, %get3A_396 : vector<256x2048xi1>, vector<256x2048xbf16>
    %swap3A_399 = arith.constant 0 : index
    %swap3A_400 = arith.constant 0 : index
    %swap3A_401 = vector.load %arg10[%swap3A_399, %swap3A_400] : memref<256x2048xbf16, #tpu.memory_space<vmem>>, vector<256x2048xbf16>
    tpu.vector_store %arg10[%swap3A_399, %swap3A_400], %select_n3A_398 {strides = array<i32>} : memref<256x2048xbf16, #tpu.memory_space<vmem>>, vector<256x2048xbf16>,
    %get3A_402 = arith.constant 0 : index
    %get3A_403 = arith.constant 0 : index
    %get3A_404 = vector.load %arg11[%get3A_402, %get3A_403] : memref<256x2048xbf16, #tpu.memory_space<vmem>>, vector<256x2048xbf16>
    %jit3A_405 = arith.constant 1.600000e+01 : bf16
    %broadcast_in_dim3A_406 = vector.broadcast %jit3A_405 : bf16 to vector<256x2048xbf16>
    %select_n3A_407 = arith.select %lt3A_397, %broadcast_in_dim3A_406, %get3A_404 : vector<256x2048xi1>, vector<256x2048xbf16>
    %swap3A_408 = arith.constant 0 : index
    %swap3A_409 = arith.constant 0 : index
    %swap3A_410 = vector.load %arg11[%swap3A_408, %swap3A_409] : memref<256x2048xbf16, #tpu.memory_space<vmem>>, vector<256x2048xbf16>
    tpu.vector_store %arg11[%swap3A_408, %swap3A_409], %select_n3A_407 {strides = array<i32>} : memref<256x2048xbf16, #tpu.memory_space<vmem>>, vector<256x2048xbf16>,
    %get3A_411 = arith.constant 4352 : index
    %get3A_412 = arith.constant 0 : index
    %get3A_413 = vector.load %arg9[%get3A_411, %get3A_412] : memref<8192x33xbf16, #tpu.memory_space<vmem>>, vector<256x33xbf16>
    %dot_general3A_414 = arith.constant dense<0.000000e+00> : vector<256x2048xf32>
    %dot_general3A_415 = tpu.matmul %get3A_413, %convert_element_type3A_31, %dot_general3A_414 {dimension_numbers = #tpu.dot_dimension_numbers<[1], [0], [0], [1], [0, 0, 1, 1], [], []>, transpose_lhs_hint = false} : vector<256x33xbf16>, vector<33x2048xbf16>, vector<256x2048xf32> -> vector<256x2048xf32>
    %convert_element_type3A_416 = arith.truncf %dot_general3A_415 : vector<256x2048xf32> to vector<256x2048xbf16>
    %get3A_417 = arith.constant 0 : index
    %get3A_418 = arith.constant 0 : index
    %get3A_419 = vector.load %arg10[%get3A_417, %get3A_418] : memref<256x2048xbf16, #tpu.memory_space<vmem>>, vector<256x2048xbf16>
    %lt3A_420 = arith.cmpf olt, %convert_element_type3A_416, %get3A_419 : vector<256x2048xbf16>
    %select_n3A_421 = arith.select %lt3A_420, %convert_element_type3A_416, %get3A_419 : vector<256x2048xi1>, vector<256x2048xbf16>
    %swap3A_422 = arith.constant 0 : index
    %swap3A_423 = arith.constant 0 : index
    %swap3A_424 = vector.load %arg10[%swap3A_422, %swap3A_423] : memref<256x2048xbf16, #tpu.memory_space<vmem>>, vector<256x2048xbf16>
    tpu.vector_store %arg10[%swap3A_422, %swap3A_423], %select_n3A_421 {strides = array<i32>} : memref<256x2048xbf16, #tpu.memory_space<vmem>>, vector<256x2048xbf16>,
    %get3A_425 = arith.constant 0 : index
    %get3A_426 = arith.constant 0 : index
    %get3A_427 = vector.load %arg11[%get3A_425, %get3A_426] : memref<256x2048xbf16, #tpu.memory_space<vmem>>, vector<256x2048xbf16>
    %jit3A_428 = arith.constant 1.700000e+01 : bf16
    %broadcast_in_dim3A_429 = vector.broadcast %jit3A_428 : bf16 to vector<256x2048xbf16>
    %select_n3A_430 = arith.select %lt3A_420, %broadcast_in_dim3A_429, %get3A_427 : vector<256x2048xi1>, vector<256x2048xbf16>
    %swap3A_431 = arith.constant 0 : index
    %swap3A_432 = arith.constant 0 : index
    %swap3A_433 = vector.load %arg11[%swap3A_431, %swap3A_432] : memref<256x2048xbf16, #tpu.memory_space<vmem>>, vector<256x2048xbf16>
    tpu.vector_store %arg11[%swap3A_431, %swap3A_432], %select_n3A_430 {strides = array<i32>} : memref<256x2048xbf16, #tpu.memory_space<vmem>>, vector<256x2048xbf16>,
    %get3A_434 = arith.constant 4608 : index
    %get3A_435 = arith.constant 0 : index
    %get3A_436 = vector.load %arg9[%get3A_434, %get3A_435] : memref<8192x33xbf16, #tpu.memory_space<vmem>>, vector<256x33xbf16>
    %dot_general3A_437 = arith.constant dense<0.000000e+00> : vector<256x2048xf32>
    %dot_general3A_438 = tpu.matmul %get3A_436, %convert_element_type3A_31, %dot_general3A_437 {dimension_numbers = #tpu.dot_dimension_numbers<[1], [0], [0], [1], [0, 0, 1, 1], [], []>, transpose_lhs_hint = false} : vector<256x33xbf16>, vector<33x2048xbf16>, vector<256x2048xf32> -> vector<256x2048xf32>
    %convert_element_type3A_439 = arith.truncf %dot_general3A_438 : vector<256x2048xf32> to vector<256x2048xbf16>
    %get3A_440 = arith.constant 0 : index
    %get3A_441 = arith.constant 0 : index
    %get3A_442 = vector.load %arg10[%get3A_440, %get3A_441] : memref<256x2048xbf16, #tpu.memory_space<vmem>>, vector<256x2048xbf16>
    %lt3A_443 = arith.cmpf olt, %convert_element_type3A_439, %get3A_442 : vector<256x2048xbf16>
    %select_n3A_444 = arith.select %lt3A_443, %convert_element_type3A_439, %get3A_442 : vector<256x2048xi1>, vector<256x2048xbf16>
    %swap3A_445 = arith.constant 0 : index
    %swap3A_446 = arith.constant 0 : index
    %swap3A_447 = vector.load %arg10[%swap3A_445, %swap3A_446] : memref<256x2048xbf16, #tpu.memory_space<vmem>>, vector<256x2048xbf16>
    tpu.vector_store %arg10[%swap3A_445, %swap3A_446], %select_n3A_444 {strides = array<i32>} : memref<256x2048xbf16, #tpu.memory_space<vmem>>, vector<256x2048xbf16>,
    %get3A_448 = arith.constant 0 : index
    %get3A_449 = arith.constant 0 : index
    %get3A_450 = vector.load %arg11[%get3A_448, %get3A_449] : memref<256x2048xbf16, #tpu.memory_space<vmem>>, vector<256x2048xbf16>
    %jit3A_451 = arith.constant 1.800000e+01 : bf16
    %broadcast_in_dim3A_452 = vector.broadcast %jit3A_451 : bf16 to vector<256x2048xbf16>
    %select_n3A_453 = arith.select %lt3A_443, %broadcast_in_dim3A_452, %get3A_450 : vector<256x2048xi1>, vector<256x2048xbf16>
    %swap3A_454 = arith.constant 0 : index
    %swap3A_455 = arith.constant 0 : index
    %swap3A_456 = vector.load %arg11[%swap3A_454, %swap3A_455] : memref<256x2048xbf16, #tpu.memory_space<vmem>>, vector<256x2048xbf16>
    tpu.vector_store %arg11[%swap3A_454, %swap3A_455], %select_n3A_453 {strides = array<i32>} : memref<256x2048xbf16, #tpu.memory_space<vmem>>, vector<256x2048xbf16>,
    %get3A_457 = arith.constant 4864 : index
    %get3A_458 = arith.constant 0 : index
    %get3A_459 = vector.load %arg9[%get3A_457, %get3A_458] : memref<8192x33xbf16, #tpu.memory_space<vmem>>, vector<256x33xbf16>
    %dot_general3A_460 = arith.constant dense<0.000000e+00> : vector<256x2048xf32>
    %dot_general3A_461 = tpu.matmul %get3A_459, %convert_element_type3A_31, %dot_general3A_460 {dimension_numbers = #tpu.dot_dimension_numbers<[1], [0], [0], [1], [0, 0, 1, 1], [], []>, transpose_lhs_hint = false} : vector<256x33xbf16>, vector<33x2048xbf16>, vector<256x2048xf32> -> vector<256x2048xf32>
    %convert_element_type3A_462 = arith.truncf %dot_general3A_461 : vector<256x2048xf32> to vector<256x2048xbf16>
    %get3A_463 = arith.constant 0 : index
    %get3A_464 = arith.constant 0 : index
    %get3A_465 = vector.load %arg10[%get3A_463, %get3A_464] : memref<256x2048xbf16, #tpu.memory_space<vmem>>, vector<256x2048xbf16>
    %lt3A_466 = arith.cmpf olt, %convert_element_type3A_462, %get3A_465 : vector<256x2048xbf16>
    %select_n3A_467 = arith.select %lt3A_466, %convert_element_type3A_462, %get3A_465 : vector<256x2048xi1>, vector<256x2048xbf16>
    %swap3A_468 = arith.constant 0 : index
    %swap3A_469 = arith.constant 0 : index
    %swap3A_470 = vector.load %arg10[%swap3A_468, %swap3A_469] : memref<256x2048xbf16, #tpu.memory_space<vmem>>, vector<256x2048xbf16>
    tpu.vector_store %arg10[%swap3A_468, %swap3A_469], %select_n3A_467 {strides = array<i32>} : memref<256x2048xbf16, #tpu.memory_space<vmem>>, vector<256x2048xbf16>,
    %get3A_471 = arith.constant 0 : index
    %get3A_472 = arith.constant 0 : index
    %get3A_473 = vector.load %arg11[%get3A_471, %get3A_472] : memref<256x2048xbf16, #tpu.memory_space<vmem>>, vector<256x2048xbf16>
    %jit3A_474 = arith.constant 1.900000e+01 : bf16
    %broadcast_in_dim3A_475 = vector.broadcast %jit3A_474 : bf16 to vector<256x2048xbf16>
    %select_n3A_476 = arith.select %lt3A_466, %broadcast_in_dim3A_475, %get3A_473 : vector<256x2048xi1>, vector<256x2048xbf16>
    %swap3A_477 = arith.constant 0 : index
    %swap3A_478 = arith.constant 0 : index
    %swap3A_479 = vector.load %arg11[%swap3A_477, %swap3A_478] : memref<256x2048xbf16, #tpu.memory_space<vmem>>, vector<256x2048xbf16>
    tpu.vector_store %arg11[%swap3A_477, %swap3A_478], %select_n3A_476 {strides = array<i32>} : memref<256x2048xbf16, #tpu.memory_space<vmem>>, vector<256x2048xbf16>,
    %get3A_480 = arith.constant 5120 : index
    %get3A_481 = arith.constant 0 : index
    %get3A_482 = vector.load %arg9[%get3A_480, %get3A_481] : memref<8192x33xbf16, #tpu.memory_space<vmem>>, vector<256x33xbf16>
    %dot_general3A_483 = arith.constant dense<0.000000e+00> : vector<256x2048xf32>
    %dot_general3A_484 = tpu.matmul %get3A_482, %convert_element_type3A_31, %dot_general3A_483 {dimension_numbers = #tpu.dot_dimension_numbers<[1], [0], [0], [1], [0, 0, 1, 1], [], []>, transpose_lhs_hint = false} : vector<256x33xbf16>, vector<33x2048xbf16>, vector<256x2048xf32> -> vector<256x2048xf32>
    %convert_element_type3A_485 = arith.truncf %dot_general3A_484 : vector<256x2048xf32> to vector<256x2048xbf16>
    %get3A_486 = arith.constant 0 : index
    %get3A_487 = arith.constant 0 : index
    %get3A_488 = vector.load %arg10[%get3A_486, %get3A_487] : memref<256x2048xbf16, #tpu.memory_space<vmem>>, vector<256x2048xbf16>
    %lt3A_489 = arith.cmpf olt, %convert_element_type3A_485, %get3A_488 : vector<256x2048xbf16>
    %select_n3A_490 = arith.select %lt3A_489, %convert_element_type3A_485, %get3A_488 : vector<256x2048xi1>, vector<256x2048xbf16>
    %swap3A_491 = arith.constant 0 : index
    %swap3A_492 = arith.constant 0 : index
    %swap3A_493 = vector.load %arg10[%swap3A_491, %swap3A_492] : memref<256x2048xbf16, #tpu.memory_space<vmem>>, vector<256x2048xbf16>
    tpu.vector_store %arg10[%swap3A_491, %swap3A_492], %select_n3A_490 {strides = array<i32>} : memref<256x2048xbf16, #tpu.memory_space<vmem>>, vector<256x2048xbf16>,
    %get3A_494 = arith.constant 0 : index
    %get3A_495 = arith.constant 0 : index
    %get3A_496 = vector.load %arg11[%get3A_494, %get3A_495] : memref<256x2048xbf16, #tpu.memory_space<vmem>>, vector<256x2048xbf16>
    %jit3A_497 = arith.constant 2.000000e+01 : bf16
    %broadcast_in_dim3A_498 = vector.broadcast %jit3A_497 : bf16 to vector<256x2048xbf16>
    %select_n3A_499 = arith.select %lt3A_489, %broadcast_in_dim3A_498, %get3A_496 : vector<256x2048xi1>, vector<256x2048xbf16>
    %swap3A_500 = arith.constant 0 : index
    %swap3A_501 = arith.constant 0 : index
    %swap3A_502 = vector.load %arg11[%swap3A_500, %swap3A_501] : memref<256x2048xbf16, #tpu.memory_space<vmem>>, vector<256x2048xbf16>
    tpu.vector_store %arg11[%swap3A_500, %swap3A_501], %select_n3A_499 {strides = array<i32>} : memref<256x2048xbf16, #tpu.memory_space<vmem>>, vector<256x2048xbf16>,
    %get3A_503 = arith.constant 5376 : index
    %get3A_504 = arith.constant 0 : index
    %get3A_505 = vector.load %arg9[%get3A_503, %get3A_504] : memref<8192x33xbf16, #tpu.memory_space<vmem>>, vector<256x33xbf16>
    %dot_general3A_506 = arith.constant dense<0.000000e+00> : vector<256x2048xf32>
    %dot_general3A_507 = tpu.matmul %get3A_505, %convert_element_type3A_31, %dot_general3A_506 {dimension_numbers = #tpu.dot_dimension_numbers<[1], [0], [0], [1], [0, 0, 1, 1], [], []>, transpose_lhs_hint = false} : vector<256x33xbf16>, vector<33x2048xbf16>, vector<256x2048xf32> -> vector<256x2048xf32>
    %convert_element_type3A_508 = arith.truncf %dot_general3A_507 : vector<256x2048xf32> to vector<256x2048xbf16>
    %get3A_509 = arith.constant 0 : index
    %get3A_510 = arith.constant 0 : index
    %get3A_511 = vector.load %arg10[%get3A_509, %get3A_510] : memref<256x2048xbf16, #tpu.memory_space<vmem>>, vector<256x2048xbf16>
    %lt3A_512 = arith.cmpf olt, %convert_element_type3A_508, %get3A_511 : vector<256x2048xbf16>
    %select_n3A_513 = arith.select %lt3A_512, %convert_element_type3A_508, %get3A_511 : vector<256x2048xi1>, vector<256x2048xbf16>
    %swap3A_514 = arith.constant 0 : index
    %swap3A_515 = arith.constant 0 : index
    %swap3A_516 = vector.load %arg10[%swap3A_514, %swap3A_515] : memref<256x2048xbf16, #tpu.memory_space<vmem>>, vector<256x2048xbf16>
    tpu.vector_store %arg10[%swap3A_514, %swap3A_515], %select_n3A_513 {strides = array<i32>} : memref<256x2048xbf16, #tpu.memory_space<vmem>>, vector<256x2048xbf16>,
    %get3A_517 = arith.constant 0 : index
    %get3A_518 = arith.constant 0 : index
    %get3A_519 = vector.load %arg11[%get3A_517, %get3A_518] : memref<256x2048xbf16, #tpu.memory_space<vmem>>, vector<256x2048xbf16>
    %jit3A_520 = arith.constant 2.100000e+01 : bf16
    %broadcast_in_dim3A_521 = vector.broadcast %jit3A_520 : bf16 to vector<256x2048xbf16>
    %select_n3A_522 = arith.select %lt3A_512, %broadcast_in_dim3A_521, %get3A_519 : vector<256x2048xi1>, vector<256x2048xbf16>
    %swap3A_523 = arith.constant 0 : index
    %swap3A_524 = arith.constant 0 : index
    %swap3A_525 = vector.load %arg11[%swap3A_523, %swap3A_524] : memref<256x2048xbf16, #tpu.memory_space<vmem>>, vector<256x2048xbf16>
    tpu.vector_store %arg11[%swap3A_523, %swap3A_524], %select_n3A_522 {strides = array<i32>} : memref<256x2048xbf16, #tpu.memory_space<vmem>>, vector<256x2048xbf16>,
    %get3A_526 = arith.constant 5632 : index
    %get3A_527 = arith.constant 0 : index
    %get3A_528 = vector.load %arg9[%get3A_526, %get3A_527] : memref<8192x33xbf16, #tpu.memory_space<vmem>>, vector<256x33xbf16>
    %dot_general3A_529 = arith.constant dense<0.000000e+00> : vector<256x2048xf32>
    %dot_general3A_530 = tpu.matmul %get3A_528, %convert_element_type3A_31, %dot_general3A_529 {dimension_numbers = #tpu.dot_dimension_numbers<[1], [0], [0], [1], [0, 0, 1, 1], [], []>, transpose_lhs_hint = false} : vector<256x33xbf16>, vector<33x2048xbf16>, vector<256x2048xf32> -> vector<256x2048xf32>
    %convert_element_type3A_531 = arith.truncf %dot_general3A_530 : vector<256x2048xf32> to vector<256x2048xbf16>
    %get3A_532 = arith.constant 0 : index
    %get3A_533 = arith.constant 0 : index
    %get3A_534 = vector.load %arg10[%get3A_532, %get3A_533] : memref<256x2048xbf16, #tpu.memory_space<vmem>>, vector<256x2048xbf16>
    %lt3A_535 = arith.cmpf olt, %convert_element_type3A_531, %get3A_534 : vector<256x2048xbf16>
    %select_n3A_536 = arith.select %lt3A_535, %convert_element_type3A_531, %get3A_534 : vector<256x2048xi1>, vector<256x2048xbf16>
    %swap3A_537 = arith.constant 0 : index
    %swap3A_538 = arith.constant 0 : index
    %swap3A_539 = vector.load %arg10[%swap3A_537, %swap3A_538] : memref<256x2048xbf16, #tpu.memory_space<vmem>>, vector<256x2048xbf16>
    tpu.vector_store %arg10[%swap3A_537, %swap3A_538], %select_n3A_536 {strides = array<i32>} : memref<256x2048xbf16, #tpu.memory_space<vmem>>, vector<256x2048xbf16>,
    %get3A_540 = arith.constant 0 : index
    %get3A_541 = arith.constant 0 : index
    %get3A_542 = vector.load %arg11[%get3A_540, %get3A_541] : memref<256x2048xbf16, #tpu.memory_space<vmem>>, vector<256x2048xbf16>
    %jit3A_543 = arith.constant 2.200000e+01 : bf16
    %broadcast_in_dim3A_544 = vector.broadcast %jit3A_543 : bf16 to vector<256x2048xbf16>
    %select_n3A_545 = arith.select %lt3A_535, %broadcast_in_dim3A_544, %get3A_542 : vector<256x2048xi1>, vector<256x2048xbf16>
    %swap3A_546 = arith.constant 0 : index
    %swap3A_547 = arith.constant 0 : index
    %swap3A_548 = vector.load %arg11[%swap3A_546, %swap3A_547] : memref<256x2048xbf16, #tpu.memory_space<vmem>>, vector<256x2048xbf16>
    tpu.vector_store %arg11[%swap3A_546, %swap3A_547], %select_n3A_545 {strides = array<i32>} : memref<256x2048xbf16, #tpu.memory_space<vmem>>, vector<256x2048xbf16>,
    %get3A_549 = arith.constant 5888 : index
    %get3A_550 = arith.constant 0 : index
    %get3A_551 = vector.load %arg9[%get3A_549, %get3A_550] : memref<8192x33xbf16, #tpu.memory_space<vmem>>, vector<256x33xbf16>
    %dot_general3A_552 = arith.constant dense<0.000000e+00> : vector<256x2048xf32>
    %dot_general3A_553 = tpu.matmul %get3A_551, %convert_element_type3A_31, %dot_general3A_552 {dimension_numbers = #tpu.dot_dimension_numbers<[1], [0], [0], [1], [0, 0, 1, 1], [], []>, transpose_lhs_hint = false} : vector<256x33xbf16>, vector<33x2048xbf16>, vector<256x2048xf32> -> vector<256x2048xf32>
    %convert_element_type3A_554 = arith.truncf %dot_general3A_553 : vector<256x2048xf32> to vector<256x2048xbf16>
    %get3A_555 = arith.constant 0 : index
    %get3A_556 = arith.constant 0 : index
    %get3A_557 = vector.load %arg10[%get3A_555, %get3A_556] : memref<256x2048xbf16, #tpu.memory_space<vmem>>, vector<256x2048xbf16>
    %lt3A_558 = arith.cmpf olt, %convert_element_type3A_554, %get3A_557 : vector<256x2048xbf16>
    %select_n3A_559 = arith.select %lt3A_558, %convert_element_type3A_554, %get3A_557 : vector<256x2048xi1>, vector<256x2048xbf16>
    %swap3A_560 = arith.constant 0 : index
    %swap3A_561 = arith.constant 0 : index
    %swap3A_562 = vector.load %arg10[%swap3A_560, %swap3A_561] : memref<256x2048xbf16, #tpu.memory_space<vmem>>, vector<256x2048xbf16>
    tpu.vector_store %arg10[%swap3A_560, %swap3A_561], %select_n3A_559 {strides = array<i32>} : memref<256x2048xbf16, #tpu.memory_space<vmem>>, vector<256x2048xbf16>,
    %get3A_563 = arith.constant 0 : index
    %get3A_564 = arith.constant 0 : index
    %get3A_565 = vector.load %arg11[%get3A_563, %get3A_564] : memref<256x2048xbf16, #tpu.memory_space<vmem>>, vector<256x2048xbf16>
    %jit3A_566 = arith.constant 2.300000e+01 : bf16
    %broadcast_in_dim3A_567 = vector.broadcast %jit3A_566 : bf16 to vector<256x2048xbf16>
    %select_n3A_568 = arith.select %lt3A_558, %broadcast_in_dim3A_567, %get3A_565 : vector<256x2048xi1>, vector<256x2048xbf16>
    %swap3A_569 = arith.constant 0 : index
    %swap3A_570 = arith.constant 0 : index
    %swap3A_571 = vector.load %arg11[%swap3A_569, %swap3A_570] : memref<256x2048xbf16, #tpu.memory_space<vmem>>, vector<256x2048xbf16>
    tpu.vector_store %arg11[%swap3A_569, %swap3A_570], %select_n3A_568 {strides = array<i32>} : memref<256x2048xbf16, #tpu.memory_space<vmem>>, vector<256x2048xbf16>,
    %get3A_572 = arith.constant 6144 : index
    %get3A_573 = arith.constant 0 : index
    %get3A_574 = vector.load %arg9[%get3A_572, %get3A_573] : memref<8192x33xbf16, #tpu.memory_space<vmem>>, vector<256x33xbf16>
    %dot_general3A_575 = arith.constant dense<0.000000e+00> : vector<256x2048xf32>
    %dot_general3A_576 = tpu.matmul %get3A_574, %convert_element_type3A_31, %dot_general3A_575 {dimension_numbers = #tpu.dot_dimension_numbers<[1], [0], [0], [1], [0, 0, 1, 1], [], []>, transpose_lhs_hint = false} : vector<256x33xbf16>, vector<33x2048xbf16>, vector<256x2048xf32> -> vector<256x2048xf32>
    %convert_element_type3A_577 = arith.truncf %dot_general3A_576 : vector<256x2048xf32> to vector<256x2048xbf16>
    %get3A_578 = arith.constant 0 : index
    %get3A_579 = arith.constant 0 : index
    %get3A_580 = vector.load %arg10[%get3A_578, %get3A_579] : memref<256x2048xbf16, #tpu.memory_space<vmem>>, vector<256x2048xbf16>
    %lt3A_581 = arith.cmpf olt, %convert_element_type3A_577, %get3A_580 : vector<256x2048xbf16>
    %select_n3A_582 = arith.select %lt3A_581, %convert_element_type3A_577, %get3A_580 : vector<256x2048xi1>, vector<256x2048xbf16>
    %swap3A_583 = arith.constant 0 : index
    %swap3A_584 = arith.constant 0 : index
    %swap3A_585 = vector.load %arg10[%swap3A_583, %swap3A_584] : memref<256x2048xbf16, #tpu.memory_space<vmem>>, vector<256x2048xbf16>
    tpu.vector_store %arg10[%swap3A_583, %swap3A_584], %select_n3A_582 {strides = array<i32>} : memref<256x2048xbf16, #tpu.memory_space<vmem>>, vector<256x2048xbf16>,
    %get3A_586 = arith.constant 0 : index
    %get3A_587 = arith.constant 0 : index
    %get3A_588 = vector.load %arg11[%get3A_586, %get3A_587] : memref<256x2048xbf16, #tpu.memory_space<vmem>>, vector<256x2048xbf16>
    %jit3A_589 = arith.constant 2.400000e+01 : bf16
    %broadcast_in_dim3A_590 = vector.broadcast %jit3A_589 : bf16 to vector<256x2048xbf16>
    %select_n3A_591 = arith.select %lt3A_581, %broadcast_in_dim3A_590, %get3A_588 : vector<256x2048xi1>, vector<256x2048xbf16>
    %swap3A_592 = arith.constant 0 : index
    %swap3A_593 = arith.constant 0 : index
    %swap3A_594 = vector.load %arg11[%swap3A_592, %swap3A_593] : memref<256x2048xbf16, #tpu.memory_space<vmem>>, vector<256x2048xbf16>
    tpu.vector_store %arg11[%swap3A_592, %swap3A_593], %select_n3A_591 {strides = array<i32>} : memref<256x2048xbf16, #tpu.memory_space<vmem>>, vector<256x2048xbf16>,
    %get3A_595 = arith.constant 6400 : index
    %get3A_596 = arith.constant 0 : index
    %get3A_597 = vector.load %arg9[%get3A_595, %get3A_596] : memref<8192x33xbf16, #tpu.memory_space<vmem>>, vector<256x33xbf16>
    %dot_general3A_598 = arith.constant dense<0.000000e+00> : vector<256x2048xf32>
    %dot_general3A_599 = tpu.matmul %get3A_597, %convert_element_type3A_31, %dot_general3A_598 {dimension_numbers = #tpu.dot_dimension_numbers<[1], [0], [0], [1], [0, 0, 1, 1], [], []>, transpose_lhs_hint = false} : vector<256x33xbf16>, vector<33x2048xbf16>, vector<256x2048xf32> -> vector<256x2048xf32>
    %convert_element_type3A_600 = arith.truncf %dot_general3A_599 : vector<256x2048xf32> to vector<256x2048xbf16>
    %get3A_601 = arith.constant 0 : index
    %get3A_602 = arith.constant 0 : index
    %get3A_603 = vector.load %arg10[%get3A_601, %get3A_602] : memref<256x2048xbf16, #tpu.memory_space<vmem>>, vector<256x2048xbf16>
    %lt3A_604 = arith.cmpf olt, %convert_element_type3A_600, %get3A_603 : vector<256x2048xbf16>
    %select_n3A_605 = arith.select %lt3A_604, %convert_element_type3A_600, %get3A_603 : vector<256x2048xi1>, vector<256x2048xbf16>
    %swap3A_606 = arith.constant 0 : index
    %swap3A_607 = arith.constant 0 : index
    %swap3A_608 = vector.load %arg10[%swap3A_606, %swap3A_607] : memref<256x2048xbf16, #tpu.memory_space<vmem>>, vector<256x2048xbf16>
    tpu.vector_store %arg10[%swap3A_606, %swap3A_607], %select_n3A_605 {strides = array<i32>} : memref<256x2048xbf16, #tpu.memory_space<vmem>>, vector<256x2048xbf16>,
    %get3A_609 = arith.constant 0 : index
    %get3A_610 = arith.constant 0 : index
    %get3A_611 = vector.load %arg11[%get3A_609, %get3A_610] : memref<256x2048xbf16, #tpu.memory_space<vmem>>, vector<256x2048xbf16>
    %jit3A_612 = arith.constant 2.500000e+01 : bf16
    %broadcast_in_dim3A_613 = vector.broadcast %jit3A_612 : bf16 to vector<256x2048xbf16>
    %select_n3A_614 = arith.select %lt3A_604, %broadcast_in_dim3A_613, %get3A_611 : vector<256x2048xi1>, vector<256x2048xbf16>
    %swap3A_615 = arith.constant 0 : index
    %swap3A_616 = arith.constant 0 : index
    %swap3A_617 = vector.load %arg11[%swap3A_615, %swap3A_616] : memref<256x2048xbf16, #tpu.memory_space<vmem>>, vector<256x2048xbf16>
    tpu.vector_store %arg11[%swap3A_615, %swap3A_616], %select_n3A_614 {strides = array<i32>} : memref<256x2048xbf16, #tpu.memory_space<vmem>>, vector<256x2048xbf16>,
    %get3A_618 = arith.constant 6656 : index
    %get3A_619 = arith.constant 0 : index
    %get3A_620 = vector.load %arg9[%get3A_618, %get3A_619] : memref<8192x33xbf16, #tpu.memory_space<vmem>>, vector<256x33xbf16>
    %dot_general3A_621 = arith.constant dense<0.000000e+00> : vector<256x2048xf32>
    %dot_general3A_622 = tpu.matmul %get3A_620, %convert_element_type3A_31, %dot_general3A_621 {dimension_numbers = #tpu.dot_dimension_numbers<[1], [0], [0], [1], [0, 0, 1, 1], [], []>, transpose_lhs_hint = false} : vector<256x33xbf16>, vector<33x2048xbf16>, vector<256x2048xf32> -> vector<256x2048xf32>
    %convert_element_type3A_623 = arith.truncf %dot_general3A_622 : vector<256x2048xf32> to vector<256x2048xbf16>
    %get3A_624 = arith.constant 0 : index
    %get3A_625 = arith.constant 0 : index
    %get3A_626 = vector.load %arg10[%get3A_624, %get3A_625] : memref<256x2048xbf16, #tpu.memory_space<vmem>>, vector<256x2048xbf16>
    %lt3A_627 = arith.cmpf olt, %convert_element_type3A_623, %get3A_626 : vector<256x2048xbf16>
    %select_n3A_628 = arith.select %lt3A_627, %convert_element_type3A_623, %get3A_626 : vector<256x2048xi1>, vector<256x2048xbf16>
    %swap3A_629 = arith.constant 0 : index
    %swap3A_630 = arith.constant 0 : index
    %swap3A_631 = vector.load %arg10[%swap3A_629, %swap3A_630] : memref<256x2048xbf16, #tpu.memory_space<vmem>>, vector<256x2048xbf16>
    tpu.vector_store %arg10[%swap3A_629, %swap3A_630], %select_n3A_628 {strides = array<i32>} : memref<256x2048xbf16, #tpu.memory_space<vmem>>, vector<256x2048xbf16>,
    %get3A_632 = arith.constant 0 : index
    %get3A_633 = arith.constant 0 : index
    %get3A_634 = vector.load %arg11[%get3A_632, %get3A_633] : memref<256x2048xbf16, #tpu.memory_space<vmem>>, vector<256x2048xbf16>
    %jit3A_635 = arith.constant 2.600000e+01 : bf16
    %broadcast_in_dim3A_636 = vector.broadcast %jit3A_635 : bf16 to vector<256x2048xbf16>
    %select_n3A_637 = arith.select %lt3A_627, %broadcast_in_dim3A_636, %get3A_634 : vector<256x2048xi1>, vector<256x2048xbf16>
    %swap3A_638 = arith.constant 0 : index
    %swap3A_639 = arith.constant 0 : index
    %swap3A_640 = vector.load %arg11[%swap3A_638, %swap3A_639] : memref<256x2048xbf16, #tpu.memory_space<vmem>>, vector<256x2048xbf16>
    tpu.vector_store %arg11[%swap3A_638, %swap3A_639], %select_n3A_637 {strides = array<i32>} : memref<256x2048xbf16, #tpu.memory_space<vmem>>, vector<256x2048xbf16>,
    %get3A_641 = arith.constant 6912 : index
    %get3A_642 = arith.constant 0 : index
    %get3A_643 = vector.load %arg9[%get3A_641, %get3A_642] : memref<8192x33xbf16, #tpu.memory_space<vmem>>, vector<256x33xbf16>
    %dot_general3A_644 = arith.constant dense<0.000000e+00> : vector<256x2048xf32>
    %dot_general3A_645 = tpu.matmul %get3A_643, %convert_element_type3A_31, %dot_general3A_644 {dimension_numbers = #tpu.dot_dimension_numbers<[1], [0], [0], [1], [0, 0, 1, 1], [], []>, transpose_lhs_hint = false} : vector<256x33xbf16>, vector<33x2048xbf16>, vector<256x2048xf32> -> vector<256x2048xf32>
    %convert_element_type3A_646 = arith.truncf %dot_general3A_645 : vector<256x2048xf32> to vector<256x2048xbf16>
    %get3A_647 = arith.constant 0 : index
    %get3A_648 = arith.constant 0 : index
    %get3A_649 = vector.load %arg10[%get3A_647, %get3A_648] : memref<256x2048xbf16, #tpu.memory_space<vmem>>, vector<256x2048xbf16>
    %lt3A_650 = arith.cmpf olt, %convert_element_type3A_646, %get3A_649 : vector<256x2048xbf16>
    %select_n3A_651 = arith.select %lt3A_650, %convert_element_type3A_646, %get3A_649 : vector<256x2048xi1>, vector<256x2048xbf16>
    %swap3A_652 = arith.constant 0 : index
    %swap3A_653 = arith.constant 0 : index
    %swap3A_654 = vector.load %arg10[%swap3A_652, %swap3A_653] : memref<256x2048xbf16, #tpu.memory_space<vmem>>, vector<256x2048xbf16>
    tpu.vector_store %arg10[%swap3A_652, %swap3A_653], %select_n3A_651 {strides = array<i32>} : memref<256x2048xbf16, #tpu.memory_space<vmem>>, vector<256x2048xbf16>,
    %get3A_655 = arith.constant 0 : index
    %get3A_656 = arith.constant 0 : index
    %get3A_657 = vector.load %arg11[%get3A_655, %get3A_656] : memref<256x2048xbf16, #tpu.memory_space<vmem>>, vector<256x2048xbf16>
    %jit3A_658 = arith.constant 2.700000e+01 : bf16
    %broadcast_in_dim3A_659 = vector.broadcast %jit3A_658 : bf16 to vector<256x2048xbf16>
    %select_n3A_660 = arith.select %lt3A_650, %broadcast_in_dim3A_659, %get3A_657 : vector<256x2048xi1>, vector<256x2048xbf16>
    %swap3A_661 = arith.constant 0 : index
    %swap3A_662 = arith.constant 0 : index
    %swap3A_663 = vector.load %arg11[%swap3A_661, %swap3A_662] : memref<256x2048xbf16, #tpu.memory_space<vmem>>, vector<256x2048xbf16>
    tpu.vector_store %arg11[%swap3A_661, %swap3A_662], %select_n3A_660 {strides = array<i32>} : memref<256x2048xbf16, #tpu.memory_space<vmem>>, vector<256x2048xbf16>,
    %get3A_664 = arith.constant 7168 : index
    %get3A_665 = arith.constant 0 : index
    %get3A_666 = vector.load %arg9[%get3A_664, %get3A_665] : memref<8192x33xbf16, #tpu.memory_space<vmem>>, vector<256x33xbf16>
    %dot_general3A_667 = arith.constant dense<0.000000e+00> : vector<256x2048xf32>
    %dot_general3A_668 = tpu.matmul %get3A_666, %convert_element_type3A_31, %dot_general3A_667 {dimension_numbers = #tpu.dot_dimension_numbers<[1], [0], [0], [1], [0, 0, 1, 1], [], []>, transpose_lhs_hint = false} : vector<256x33xbf16>, vector<33x2048xbf16>, vector<256x2048xf32> -> vector<256x2048xf32>
    %convert_element_type3A_669 = arith.truncf %dot_general3A_668 : vector<256x2048xf32> to vector<256x2048xbf16>
    %get3A_670 = arith.constant 0 : index
    %get3A_671 = arith.constant 0 : index
    %get3A_672 = vector.load %arg10[%get3A_670, %get3A_671] : memref<256x2048xbf16, #tpu.memory_space<vmem>>, vector<256x2048xbf16>
    %lt3A_673 = arith.cmpf olt, %convert_element_type3A_669, %get3A_672 : vector<256x2048xbf16>
    %select_n3A_674 = arith.select %lt3A_673, %convert_element_type3A_669, %get3A_672 : vector<256x2048xi1>, vector<256x2048xbf16>
    %swap3A_675 = arith.constant 0 : index
    %swap3A_676 = arith.constant 0 : index
    %swap3A_677 = vector.load %arg10[%swap3A_675, %swap3A_676] : memref<256x2048xbf16, #tpu.memory_space<vmem>>, vector<256x2048xbf16>
    tpu.vector_store %arg10[%swap3A_675, %swap3A_676], %select_n3A_674 {strides = array<i32>} : memref<256x2048xbf16, #tpu.memory_space<vmem>>, vector<256x2048xbf16>,
    %get3A_678 = arith.constant 0 : index
    %get3A_679 = arith.constant 0 : index
    %get3A_680 = vector.load %arg11[%get3A_678, %get3A_679] : memref<256x2048xbf16, #tpu.memory_space<vmem>>, vector<256x2048xbf16>
    %jit3A_681 = arith.constant 2.800000e+01 : bf16
    %broadcast_in_dim3A_682 = vector.broadcast %jit3A_681 : bf16 to vector<256x2048xbf16>
    %select_n3A_683 = arith.select %lt3A_673, %broadcast_in_dim3A_682, %get3A_680 : vector<256x2048xi1>, vector<256x2048xbf16>
    %swap3A_684 = arith.constant 0 : index
    %swap3A_685 = arith.constant 0 : index
    %swap3A_686 = vector.load %arg11[%swap3A_684, %swap3A_685] : memref<256x2048xbf16, #tpu.memory_space<vmem>>, vector<256x2048xbf16>
    tpu.vector_store %arg11[%swap3A_684, %swap3A_685], %select_n3A_683 {strides = array<i32>} : memref<256x2048xbf16, #tpu.memory_space<vmem>>, vector<256x2048xbf16>,
    %get3A_687 = arith.constant 7424 : index
    %get3A_688 = arith.constant 0 : index
    %get3A_689 = vector.load %arg9[%get3A_687, %get3A_688] : memref<8192x33xbf16, #tpu.memory_space<vmem>>, vector<256x33xbf16>
    %dot_general3A_690 = arith.constant dense<0.000000e+00> : vector<256x2048xf32>
    %dot_general3A_691 = tpu.matmul %get3A_689, %convert_element_type3A_31, %dot_general3A_690 {dimension_numbers = #tpu.dot_dimension_numbers<[1], [0], [0], [1], [0, 0, 1, 1], [], []>, transpose_lhs_hint = false} : vector<256x33xbf16>, vector<33x2048xbf16>, vector<256x2048xf32> -> vector<256x2048xf32>
    %convert_element_type3A_692 = arith.truncf %dot_general3A_691 : vector<256x2048xf32> to vector<256x2048xbf16>
    %get3A_693 = arith.constant 0 : index
    %get3A_694 = arith.constant 0 : index
    %get3A_695 = vector.load %arg10[%get3A_693, %get3A_694] : memref<256x2048xbf16, #tpu.memory_space<vmem>>, vector<256x2048xbf16>
    %lt3A_696 = arith.cmpf olt, %convert_element_type3A_692, %get3A_695 : vector<256x2048xbf16>
    %select_n3A_697 = arith.select %lt3A_696, %convert_element_type3A_692, %get3A_695 : vector<256x2048xi1>, vector<256x2048xbf16>
    %swap3A_698 = arith.constant 0 : index
    %swap3A_699 = arith.constant 0 : index
    %swap3A_700 = vector.load %arg10[%swap3A_698, %swap3A_699] : memref<256x2048xbf16, #tpu.memory_space<vmem>>, vector<256x2048xbf16>
    tpu.vector_store %arg10[%swap3A_698, %swap3A_699], %select_n3A_697 {strides = array<i32>} : memref<256x2048xbf16, #tpu.memory_space<vmem>>, vector<256x2048xbf16>,
    %get3A_701 = arith.constant 0 : index
    %get3A_702 = arith.constant 0 : index
    %get3A_703 = vector.load %arg11[%get3A_701, %get3A_702] : memref<256x2048xbf16, #tpu.memory_space<vmem>>, vector<256x2048xbf16>
    %jit3A_704 = arith.constant 2.900000e+01 : bf16
    %broadcast_in_dim3A_705 = vector.broadcast %jit3A_704 : bf16 to vector<256x2048xbf16>
    %select_n3A_706 = arith.select %lt3A_696, %broadcast_in_dim3A_705, %get3A_703 : vector<256x2048xi1>, vector<256x2048xbf16>
    %swap3A_707 = arith.constant 0 : index
    %swap3A_708 = arith.constant 0 : index
    %swap3A_709 = vector.load %arg11[%swap3A_707, %swap3A_708] : memref<256x2048xbf16, #tpu.memory_space<vmem>>, vector<256x2048xbf16>
    tpu.vector_store %arg11[%swap3A_707, %swap3A_708], %select_n3A_706 {strides = array<i32>} : memref<256x2048xbf16, #tpu.memory_space<vmem>>, vector<256x2048xbf16>,
    %get3A_710 = arith.constant 7680 : index
    %get3A_711 = arith.constant 0 : index
    %get3A_712 = vector.load %arg9[%get3A_710, %get3A_711] : memref<8192x33xbf16, #tpu.memory_space<vmem>>, vector<256x33xbf16>
    %dot_general3A_713 = arith.constant dense<0.000000e+00> : vector<256x2048xf32>
    %dot_general3A_714 = tpu.matmul %get3A_712, %convert_element_type3A_31, %dot_general3A_713 {dimension_numbers = #tpu.dot_dimension_numbers<[1], [0], [0], [1], [0, 0, 1, 1], [], []>, transpose_lhs_hint = false} : vector<256x33xbf16>, vector<33x2048xbf16>, vector<256x2048xf32> -> vector<256x2048xf32>
    %convert_element_type3A_715 = arith.truncf %dot_general3A_714 : vector<256x2048xf32> to vector<256x2048xbf16>
    %get3A_716 = arith.constant 0 : index
    %get3A_717 = arith.constant 0 : index
    %get3A_718 = vector.load %arg10[%get3A_716, %get3A_717] : memref<256x2048xbf16, #tpu.memory_space<vmem>>, vector<256x2048xbf16>
    %lt3A_719 = arith.cmpf olt, %convert_element_type3A_715, %get3A_718 : vector<256x2048xbf16>
    %select_n3A_720 = arith.select %lt3A_719, %convert_element_type3A_715, %get3A_718 : vector<256x2048xi1>, vector<256x2048xbf16>
    %swap3A_721 = arith.constant 0 : index
    %swap3A_722 = arith.constant 0 : index
    %swap3A_723 = vector.load %arg10[%swap3A_721, %swap3A_722] : memref<256x2048xbf16, #tpu.memory_space<vmem>>, vector<256x2048xbf16>
    tpu.vector_store %arg10[%swap3A_721, %swap3A_722], %select_n3A_720 {strides = array<i32>} : memref<256x2048xbf16, #tpu.memory_space<vmem>>, vector<256x2048xbf16>,
    %get3A_724 = arith.constant 0 : index
    %get3A_725 = arith.constant 0 : index
    %get3A_726 = vector.load %arg11[%get3A_724, %get3A_725] : memref<256x2048xbf16, #tpu.memory_space<vmem>>, vector<256x2048xbf16>
    %jit3A_727 = arith.constant 3.000000e+01 : bf16
    %broadcast_in_dim3A_728 = vector.broadcast %jit3A_727 : bf16 to vector<256x2048xbf16>
    %select_n3A_729 = arith.select %lt3A_719, %broadcast_in_dim3A_728, %get3A_726 : vector<256x2048xi1>, vector<256x2048xbf16>
    %swap3A_730 = arith.constant 0 : index
    %swap3A_731 = arith.constant 0 : index
    %swap3A_732 = vector.load %arg11[%swap3A_730, %swap3A_731] : memref<256x2048xbf16, #tpu.memory_space<vmem>>, vector<256x2048xbf16>
    tpu.vector_store %arg11[%swap3A_730, %swap3A_731], %select_n3A_729 {strides = array<i32>} : memref<256x2048xbf16, #tpu.memory_space<vmem>>, vector<256x2048xbf16>,
    %get3A_733 = arith.constant 7936 : index
    %get3A_734 = arith.constant 0 : index
    %get3A_735 = vector.load %arg9[%get3A_733, %get3A_734] : memref<8192x33xbf16, #tpu.memory_space<vmem>>, vector<256x33xbf16>
    %dot_general3A_736 = arith.constant dense<0.000000e+00> : vector<256x2048xf32>
    %dot_general3A_737 = tpu.matmul %get3A_735, %convert_element_type3A_31, %dot_general3A_736 {dimension_numbers = #tpu.dot_dimension_numbers<[1], [0], [0], [1], [0, 0, 1, 1], [], []>, transpose_lhs_hint = false} : vector<256x33xbf16>, vector<33x2048xbf16>, vector<256x2048xf32> -> vector<256x2048xf32>
    %convert_element_type3A_738 = arith.truncf %dot_general3A_737 : vector<256x2048xf32> to vector<256x2048xbf16>
    %get3A_739 = arith.constant 0 : index
    %get3A_740 = arith.constant 0 : index
    %get3A_741 = vector.load %arg10[%get3A_739, %get3A_740] : memref<256x2048xbf16, #tpu.memory_space<vmem>>, vector<256x2048xbf16>
    %lt3A_742 = arith.cmpf olt, %convert_element_type3A_738, %get3A_741 : vector<256x2048xbf16>
    %select_n3A_743 = arith.select %lt3A_742, %convert_element_type3A_738, %get3A_741 : vector<256x2048xi1>, vector<256x2048xbf16>
    %swap3A_744 = arith.constant 0 : index
    %swap3A_745 = arith.constant 0 : index
    %swap3A_746 = vector.load %arg10[%swap3A_744, %swap3A_745] : memref<256x2048xbf16, #tpu.memory_space<vmem>>, vector<256x2048xbf16>
    tpu.vector_store %arg10[%swap3A_744, %swap3A_745], %select_n3A_743 {strides = array<i32>} : memref<256x2048xbf16, #tpu.memory_space<vmem>>, vector<256x2048xbf16>,
    %get3A_747 = arith.constant 0 : index
    %get3A_748 = arith.constant 0 : index
    %get3A_749 = vector.load %arg11[%get3A_747, %get3A_748] : memref<256x2048xbf16, #tpu.memory_space<vmem>>, vector<256x2048xbf16>
    %jit3A_750 = arith.constant 3.100000e+01 : bf16
    %broadcast_in_dim3A_751 = vector.broadcast %jit3A_750 : bf16 to vector<256x2048xbf16>
    %select_n3A_752 = arith.select %lt3A_742, %broadcast_in_dim3A_751, %get3A_749 : vector<256x2048xi1>, vector<256x2048xbf16>
    %swap3A_753 = arith.constant 0 : index
    %swap3A_754 = arith.constant 0 : index
    %swap3A_755 = vector.load %arg11[%swap3A_753, %swap3A_754] : memref<256x2048xbf16, #tpu.memory_space<vmem>>, vector<256x2048xbf16>
    tpu.vector_store %arg11[%swap3A_753, %swap3A_754], %select_n3A_752 {strides = array<i32>} : memref<256x2048xbf16, #tpu.memory_space<vmem>>, vector<256x2048xbf16>,
    %get3A_756 = arith.constant 0 : index
    %get3A_757 = arith.constant 0 : index
    %get3A_758 = vector.load %arg10[%get3A_756, %get3A_757] : memref<256x2048xbf16, #tpu.memory_space<vmem>>, vector<256x2048xbf16>
    %reduce_min3A = arith.constant dense<0x7F80> : vector<2048xbf16>
    %reduce_min3A_759 = vector.multi_reduction <minimumf>, %get3A_758, %reduce_min3A [0] : vector<256x2048xbf16> to vector<2048xbf16>
    %broadcast_in_dim3A_760 = vector.shape_cast %reduce_min3A_759 : vector<2048xbf16> to vector<1x2048xbf16>
    %iota3A = tpu.iota {dimensions = array<i32: 0>} : vector<256x2048xi32>
    %get3A_761 = arith.constant 0 : index
    %get3A_762 = arith.constant 0 : index
    %get3A_763 = vector.load %arg11[%get3A_761, %get3A_762] : memref<256x2048xbf16, #tpu.memory_space<vmem>>, vector<256x2048xbf16>
    %convert_element_type3A_764 = arith.fptosi %get3A_763 : vector<256x2048xbf16> to vector<256x2048xi32>
    %mul3A_765 = arith.constant 256 : i32
    %mul3A_766 = vector.broadcast %mul3A_765 : i32 to vector<256x2048xi32>
    %mul3A_767 = arith.muli %convert_element_type3A_764, %mul3A_766 : vector<256x2048xi32>
    %add3A_768 = arith.addi %mul3A_767, %iota3A : vector<256x2048xi32>
    %eq3A_769 = vector.broadcast %broadcast_in_dim3A_760 : vector<1x2048xbf16> to vector<256x2048xbf16>
    %eq3A_770 = arith.cmpf oeq, %get3A_758, %eq3A_769 : vector<256x2048xbf16>
    %jit3A_771 = arith.constant 8192 : i32
    %broadcast_in_dim3A_772 = vector.broadcast %jit3A_771 : i32 to vector<256x2048xi32>
    %select_n3A_773 = arith.select %eq3A_770, %add3A_768, %broadcast_in_dim3A_772 : vector<256x2048xi1>, vector<256x2048xi32>
    %reduce_min3A_774 = arith.constant dense<2147483647> : vector<2048xi32>
    %reduce_min3A_775 = vector.multi_reduction <minsi>, %select_n3A_773, %reduce_min3A_774 [0] : vector<256x2048xi32> to vector<2048xi32>
    %broadcast_in_dim3A_776 = vector.shape_cast %reduce_min3A_775 : vector<2048xi32> to vector<1x2048xi32>
    %swap3A_777 = arith.constant 0 : index
    %swap3A_778 = arith.constant 0 : index
    %swap3A_779 = vector.load %arg8[%swap3A_777, %swap3A_778] : memref<1x2048xi32, #tpu.memory_space<vmem>>, vector<1x2048xi32>
    tpu.vector_store %arg8[%swap3A_777, %swap3A_778], %broadcast_in_dim3A_776 {strides = array<i32>} : memref<1x2048xi32, #tpu.memory_space<vmem>>, vector<1x2048xi32>,
    return
  }
  func.func @transform_0(%arg0: i32) -> (i32, i32) {
    %add3A = arith.constant 4 : i32
    %add3A_0 = arith.addi %arg0, %add3A : i32
    %c0_i32 = arith.constant 0 : i32
    %c0_i32_1 = arith.constant 0 : i32
    return %c0_i32, %add3A_0 : i32, i32
  }
  func.func @transform_1(%arg0: i32) -> (i32, i32) {
    %c0_i32 = arith.constant 0 : i32
    %c0_i32_0 = arith.constant 0 : i32
    %c0_i32_1 = arith.constant 0 : i32
    return %c0_i32, %c0_i32_0 : i32, i32
  }
  func.func @transform_2(%arg0: i32) -> (i32, i32) {
    %c0_i32 = arith.constant 0 : i32
    %c0_i32_0 = arith.constant 0 : i32
    %c0_i32_1 = arith.constant 0 : i32
    return %c0_i32, %c0_i32_0 : i32, i32
  }
  func.func @transform_3(%arg0: i32) -> (i32, i32) {
    %c0_i32 = arith.constant 0 : i32
    %c0_i32_0 = arith.constant 0 : i32
    %c0_i32_1 = arith.constant 0 : i32
    return %c0_i32, %c0_i32_0 : i32, i32
  }
  func.func @transform_4(%arg0: i32) -> (i32, i32) {
    %c0_i32 = arith.constant 0 : i32
    %c0_i32_0 = arith.constant 0 : i32
    %c0_i32_1 = arith.constant 0 : i32
    return %c0_i32, %c0_i32_0 : i32, i32
  }
  func.func @transform_5(%arg0: i32) -> (i32, i32) {
    %c0_i32 = arith.constant 0 : i32
    %c0_i32_0 = arith.constant 0 : i32
    %c0_i32_1 = arith.constant 0 : i32
    return %c0_i32, %c0_i32_0 : i32, i32
  }
  func.func @transform_6(%arg0: i32) -> (i32, i32) {
    %c0_i32 = arith.constant 0 : i32
    %c0_i32_0 = arith.constant 0 : i32
    return %c0_i32, %arg0 : i32, i32
  }
  func.func @transform_7(%arg0: i32) -> (i32, i32) {
    %c0_i32 = arith.constant 0 : i32
    %c0_i32_0 = arith.constant 0 : i32
    return %c0_i32, %arg0 : i32, i32
  }
}

module attributes {stable_mosaic.version = 14 : i64} {
  func.func @_dec_body0(%arg0: i32, %arg1: memref<2048x128xf32, #tpu.memory_space<vmem>>, %arg2: memref<32x2048xf32, #tpu.memory_space<vmem>>, %arg3: memref<400x32xbf16, #tpu.memory_space<vmem>>, %arg4: memref<400x1xf32, #tpu.memory_space<vmem>>, %arg5: memref<784x400xbf16, #tpu.memory_space<vmem>>, %arg6: memref<784x1xf32, #tpu.memory_space<vmem>>, %arg7: memref<784x2048xf32, #tpu.memory_space<vmem>>, %arg8: memref<1x1xf32, #tpu.memory_space<vmem>>) attributes {dimension_semantics = [#tpu.dimension_semantics<arbitrary>], iteration_bounds = array<i64: 4>, scalar_prefetch = 0 : i64, scratch_operands = 0 : i64, tpu.core_type = #tpu.core_type<tc>, window_params = [{transform_indices = @transform_0, window_bounds = array<i64: 2048, 128>}, {transform_indices = @transform_1, window_bounds = array<i64: 32, 2048>}, {pipeline_mode = #tpu.pipeline_mode<synchronous>, transform_indices = @transform_2, window_bounds = array<i64: 400, 32>}, {pipeline_mode = #tpu.pipeline_mode<synchronous>, transform_indices = @transform_3, window_bounds = array<i64: 400, 1>}, {pipeline_mode = #tpu.pipeline_mode<synchronous>, transform_indices = @transform_4, window_bounds = array<i64: 784, 400>}, {pipeline_mode = #tpu.pipeline_mode<synchronous>, transform_indices = @transform_5, window_bounds = array<i64: 784, 1>}, {transform_indices = @transform_6, window_bounds = array<i64: 784, 2048>}, {pipeline_mode = #tpu.pipeline_mode<synchronous>, transform_indices = @transform_7, window_bounds = array<i64: 1, 1>}]} {
    %get3A = arith.constant 0 : index
    %get3A_0 = arith.constant 0 : index
    %get3A_1 = vector.load %arg1[%get3A, %get3A_0] : memref<2048x128xf32, #tpu.memory_space<vmem>>, vector<2048x32xf32>
    %convert_element_type3A = arith.truncf %get3A_1 : vector<2048x32xf32> to vector<2048x32xbf16>
    %iota3A = tpu.iota {dimensions = array<i32: 0>} : vector<32x32xi32>
    %iota3A_2 = tpu.iota {dimensions = array<i32: 1>} : vector<32x32xi32>
    %eq3A = arith.cmpi eq, %iota3A, %iota3A_2 : vector<32x32xi32>
    %convert_element_type3A_3 = arith.extui %eq3A : vector<32x32xi1> to vector<32x32xi32>
    %convert_element_type3A_4 = arith.sitofp %convert_element_type3A_3 : vector<32x32xi32> to vector<32x32xf32>
    %convert_element_type3A_5 = arith.truncf %convert_element_type3A_4 : vector<32x32xf32> to vector<32x32xbf16>
    %dot_general3A = arith.constant dense<0.000000e+00> : vector<32x2048xf32>
    %dot_general3A_6 = tpu.matmul %convert_element_type3A_5, %convert_element_type3A, %dot_general3A {dimension_numbers = #tpu.dot_dimension_numbers<[1], [1], [0], [0], [0, 0, 1, 0], [], []>, transpose_lhs_hint = false} : vector<32x32xbf16>, vector<2048x32xbf16>, vector<32x2048xf32> -> vector<32x2048xf32>
    %get3A_7 = arith.constant 0 : index
    %get3A_8 = arith.constant 0 : index
    %get3A_9 = vector.load %arg2[%get3A_7, %get3A_8] : memref<32x2048xf32, #tpu.memory_space<vmem>>, vector<32x2048xf32>
    %sub3A = arith.subf %dot_general3A_6, %get3A_9 : vector<32x2048xf32>
    %mul3A = arith.mulf %sub3A, %sub3A : vector<32x2048xf32>
    %reduce_sum3A = vector.shape_cast %mul3A : vector<32x2048xf32> to vector<1x32x2048xf32>
    %reduce_sum3A_10 = arith.constant dense<0.000000e+00> : vector<1xf32>
    %reduce_sum3A_11 = vector.multi_reduction <add>, %reduce_sum3A, %reduce_sum3A_10 [1, 2] : vector<1x32x2048xf32> to vector<1xf32>
    %reduce_sum3A_12 = vector.shape_cast %reduce_sum3A_11 : vector<1xf32> to vector<1x1x1xf32>
    %reduce_sum3A_13 = vector.extract %reduce_sum3A_12[0, 0, 0] : f32 from vector<1x1x1xf32>
    %reshape3A = vector.broadcast %reduce_sum3A_13 : f32 to vector<1x1xf32>
    %eq3A_14 = arith.constant 0 : i32
    %eq3A_15 = arith.cmpi eq, %arg0, %eq3A_14 : i32
    %convert_element_type3A_16 = arith.extui %eq3A_15 : i1 to i32
    %cond3A = arith.constant 0 : i32
    %cond3A_17 = arith.cmpi ne, %convert_element_type3A_16, %cond3A : i32
    scf.if %cond3A_17 {
      %broadcast_in_dim3A = arith.constant 0.000000e+00 : f32
      %broadcast_in_dim3A_57 = vector.broadcast %broadcast_in_dim3A : f32 to vector<1x1xf32>
      %swap3A_58 = arith.constant 0 : index
      %swap3A_59 = arith.constant 0 : index
      %swap3A_60 = vector.load %arg8[%swap3A_58, %swap3A_59] : memref<1x1xf32, #tpu.memory_space<vmem>>, vector<1x1xf32>
      tpu.vector_store %arg8[%swap3A_58, %swap3A_59], %broadcast_in_dim3A_57 {strides = array<i32>} : memref<1x1xf32, #tpu.memory_space<vmem>>, vector<1x1xf32>,
    } else {
    }
    %get3A_18 = arith.constant 0 : index
    %get3A_19 = arith.constant 0 : index
    %get3A_20 = vector.load %arg8[%get3A_18, %get3A_19] : memref<1x1xf32, #tpu.memory_space<vmem>>, vector<1x1xf32>
    %add3A = arith.addf %get3A_20, %reshape3A : vector<1x1xf32>
    %swap3A = arith.constant 0 : index
    %swap3A_21 = arith.constant 0 : index
    %swap3A_22 = vector.load %arg8[%swap3A, %swap3A_21] : memref<1x1xf32, #tpu.memory_space<vmem>>, vector<1x1xf32>
    tpu.vector_store %arg8[%swap3A, %swap3A_21], %add3A {strides = array<i32>} : memref<1x1xf32, #tpu.memory_space<vmem>>, vector<1x1xf32>,
    %get3A_23 = arith.constant 0 : index
    %get3A_24 = arith.constant 0 : index
    %get3A_25 = vector.load %arg3[%get3A_23, %get3A_24] : memref<400x32xbf16, #tpu.memory_space<vmem>>, vector<400x32xbf16>
    %convert_element_type3A_26 = arith.truncf %dot_general3A_6 : vector<32x2048xf32> to vector<32x2048xbf16>
    %dot_general3A_27 = arith.constant dense<0.000000e+00> : vector<400x2048xf32>
    %dot_general3A_28 = tpu.matmul %get3A_25, %convert_element_type3A_26, %dot_general3A_27 {dimension_numbers = #tpu.dot_dimension_numbers<[1], [0], [0], [1], [0, 0, 1, 1], [], []>, transpose_lhs_hint = false} : vector<400x32xbf16>, vector<32x2048xbf16>, vector<400x2048xf32> -> vector<400x2048xf32>
    %get3A_29 = arith.constant 0 : index
    %get3A_30 = arith.constant 0 : index
    %get3A_31 = vector.load %arg4[%get3A_29, %get3A_30] : memref<400x1xf32, #tpu.memory_space<vmem>>, vector<400x1xf32>
    %add3A_32 = vector.broadcast %get3A_31 : vector<400x1xf32> to vector<400x2048xf32>
    %add3A_33 = arith.addf %dot_general3A_28, %add3A_32 : vector<400x2048xf32>
    %max3A = arith.constant 0.000000e+00 : f32
    %max3A_34 = vector.broadcast %max3A : f32 to vector<400x2048xf32>
    %max3A_35 = arith.maximumf %add3A_33, %max3A_34 : vector<400x2048xf32>
    %get3A_36 = arith.constant 0 : index
    %get3A_37 = arith.constant 0 : index
    %get3A_38 = vector.load %arg5[%get3A_36, %get3A_37] : memref<784x400xbf16, #tpu.memory_space<vmem>>, vector<784x400xbf16>
    %convert_element_type3A_39 = arith.truncf %max3A_35 : vector<400x2048xf32> to vector<400x2048xbf16>
    %dot_general3A_40 = arith.constant dense<0.000000e+00> : vector<784x2048xf32>
    %dot_general3A_41 = tpu.matmul %get3A_38, %convert_element_type3A_39, %dot_general3A_40 {dimension_numbers = #tpu.dot_dimension_numbers<[1], [0], [0], [1], [0, 0, 1, 1], [], []>, transpose_lhs_hint = false} : vector<784x400xbf16>, vector<400x2048xbf16>, vector<784x2048xf32> -> vector<784x2048xf32>
    %get3A_42 = arith.constant 0 : index
    %get3A_43 = arith.constant 0 : index
    %get3A_44 = vector.load %arg6[%get3A_42, %get3A_43] : memref<784x1xf32, #tpu.memory_space<vmem>>, vector<784x1xf32>
    %add3A_45 = vector.broadcast %get3A_44 : vector<784x1xf32> to vector<784x2048xf32>
    %add3A_46 = arith.addf %dot_general3A_41, %add3A_45 : vector<784x2048xf32>
    %neg3A = arith.constant 0.000000e+00 : f32
    %neg3A_47 = vector.broadcast %neg3A : f32 to vector<784x2048xf32>
    %neg3A_48 = arith.subf %neg3A_47, %add3A_46 : vector<784x2048xf32>
    %exp3A = math.exp %neg3A_48 : vector<784x2048xf32>
    %add3A_49 = arith.constant 1.000000e+00 : f32
    %add3A_50 = vector.broadcast %add3A_49 : f32 to vector<784x2048xf32>
    %add3A_51 = arith.addf %add3A_50, %exp3A : vector<784x2048xf32>
    %div3A = arith.constant 1.000000e+00 : f32
    %div3A_52 = vector.broadcast %div3A : f32 to vector<784x2048xf32>
    %div3A_53 = arith.divf %div3A_52, %add3A_51 : vector<784x2048xf32>
    %swap3A_54 = arith.constant 0 : index
    %swap3A_55 = arith.constant 0 : index
    %swap3A_56 = vector.load %arg7[%swap3A_54, %swap3A_55] : memref<784x2048xf32, #tpu.memory_space<vmem>>, vector<784x2048xf32>
    tpu.vector_store %arg7[%swap3A_54, %swap3A_55], %div3A_53 {strides = array<i32>} : memref<784x2048xf32, #tpu.memory_space<vmem>>, vector<784x2048xf32>,
    return
  }
  func.func @transform_0(%arg0: i32) -> (i32, i32) {
    %c0_i32 = arith.constant 0 : i32
    %c0_i32_0 = arith.constant 0 : i32
    return %arg0, %c0_i32 : i32, i32
  }
  func.func @transform_1(%arg0: i32) -> (i32, i32) {
    %c0_i32 = arith.constant 0 : i32
    %c0_i32_0 = arith.constant 0 : i32
    return %c0_i32, %arg0 : i32, i32
  }
  func.func @transform_2(%arg0: i32) -> (i32, i32) {
    %c0_i32 = arith.constant 0 : i32
    %c0_i32_0 = arith.constant 0 : i32
    %c0_i32_1 = arith.constant 0 : i32
    return %c0_i32, %c0_i32_0 : i32, i32
  }
  func.func @transform_3(%arg0: i32) -> (i32, i32) {
    %c0_i32 = arith.constant 0 : i32
    %c0_i32_0 = arith.constant 0 : i32
    %c0_i32_1 = arith.constant 0 : i32
    return %c0_i32, %c0_i32_0 : i32, i32
  }
  func.func @transform_4(%arg0: i32) -> (i32, i32) {
    %c0_i32 = arith.constant 0 : i32
    %c0_i32_0 = arith.constant 0 : i32
    %c0_i32_1 = arith.constant 0 : i32
    return %c0_i32, %c0_i32_0 : i32, i32
  }
  func.func @transform_5(%arg0: i32) -> (i32, i32) {
    %c0_i32 = arith.constant 0 : i32
    %c0_i32_0 = arith.constant 0 : i32
    %c0_i32_1 = arith.constant 0 : i32
    return %c0_i32, %c0_i32_0 : i32, i32
  }
  func.func @transform_6(%arg0: i32) -> (i32, i32) {
    %add3A = arith.constant 0 : i32
    %add3A_0 = arith.addi %arg0, %add3A : i32
    %c0_i32 = arith.constant 0 : i32
    %c0_i32_1 = arith.constant 0 : i32
    return %c0_i32, %add3A_0 : i32, i32
  }
  func.func @transform_7(%arg0: i32) -> (i32, i32) {
    %c0_i32 = arith.constant 0 : i32
    %c0_i32_0 = arith.constant 0 : i32
    %c0_i32_1 = arith.constant 0 : i32
    return %c0_i32, %c0_i32_0 : i32, i32
  }
}

module attributes {stable_mosaic.version = 14 : i64} {
  func.func @_dec_body1(%arg0: i32, %arg1: memref<784x16384xf32, #tpu.memory_space<any>>, %arg2: memref<2048x128xf32, #tpu.memory_space<vmem>>, %arg3: memref<32x2048xf32, #tpu.memory_space<vmem>>, %arg4: memref<400x32xbf16, #tpu.memory_space<vmem>>, %arg5: memref<400x1xf32, #tpu.memory_space<vmem>>, %arg6: memref<784x400xbf16, #tpu.memory_space<vmem>>, %arg7: memref<784x1xf32, #tpu.memory_space<vmem>>, %arg8: memref<784x2048xf32, #tpu.memory_space<vmem>>, %arg9: memref<1x1xf32, #tpu.memory_space<vmem>>) attributes {dimension_semantics = [#tpu.dimension_semantics<arbitrary>], iteration_bounds = array<i64: 4>, scalar_prefetch = 0 : i64, scratch_operands = 0 : i64, tpu.core_type = #tpu.core_type<tc>, window_params = [{}, {transform_indices = @transform_1, window_bounds = array<i64: 2048, 128>}, {transform_indices = @transform_2, window_bounds = array<i64: 32, 2048>}, {pipeline_mode = #tpu.pipeline_mode<synchronous>, transform_indices = @transform_3, window_bounds = array<i64: 400, 32>}, {pipeline_mode = #tpu.pipeline_mode<synchronous>, transform_indices = @transform_4, window_bounds = array<i64: 400, 1>}, {pipeline_mode = #tpu.pipeline_mode<synchronous>, transform_indices = @transform_5, window_bounds = array<i64: 784, 400>}, {pipeline_mode = #tpu.pipeline_mode<synchronous>, transform_indices = @transform_6, window_bounds = array<i64: 784, 1>}, {transform_indices = @transform_7, window_bounds = array<i64: 784, 2048>}, {pipeline_mode = #tpu.pipeline_mode<synchronous>, transform_indices = @transform_8, window_bounds = array<i64: 1, 1>}]} {
    %get3A = arith.constant 0 : index
    %get3A_0 = arith.constant 0 : index
    %get3A_1 = vector.load %arg2[%get3A, %get3A_0] : memref<2048x128xf32, #tpu.memory_space<vmem>>, vector<2048x32xf32>
    %convert_element_type3A = arith.truncf %get3A_1 : vector<2048x32xf32> to vector<2048x32xbf16>
    %iota3A = tpu.iota {dimensions = array<i32: 0>} : vector<32x32xi32>
    %iota3A_2 = tpu.iota {dimensions = array<i32: 1>} : vector<32x32xi32>
    %eq3A = arith.cmpi eq, %iota3A, %iota3A_2 : vector<32x32xi32>
    %convert_element_type3A_3 = arith.extui %eq3A : vector<32x32xi1> to vector<32x32xi32>
    %convert_element_type3A_4 = arith.sitofp %convert_element_type3A_3 : vector<32x32xi32> to vector<32x32xf32>
    %convert_element_type3A_5 = arith.truncf %convert_element_type3A_4 : vector<32x32xf32> to vector<32x32xbf16>
    %dot_general3A = arith.constant dense<0.000000e+00> : vector<32x2048xf32>
    %dot_general3A_6 = tpu.matmul %convert_element_type3A_5, %convert_element_type3A, %dot_general3A {dimension_numbers = #tpu.dot_dimension_numbers<[1], [1], [0], [0], [0, 0, 1, 0], [], []>, transpose_lhs_hint = false} : vector<32x32xbf16>, vector<2048x32xbf16>, vector<32x2048xf32> -> vector<32x2048xf32>
    %get3A_7 = arith.constant 0 : index
    %get3A_8 = arith.constant 0 : index
    %get3A_9 = vector.load %arg3[%get3A_7, %get3A_8] : memref<32x2048xf32, #tpu.memory_space<vmem>>, vector<32x2048xf32>
    %sub3A = arith.subf %dot_general3A_6, %get3A_9 : vector<32x2048xf32>
    %mul3A = arith.mulf %sub3A, %sub3A : vector<32x2048xf32>
    %reduce_sum3A = vector.shape_cast %mul3A : vector<32x2048xf32> to vector<1x32x2048xf32>
    %reduce_sum3A_10 = arith.constant dense<0.000000e+00> : vector<1xf32>
    %reduce_sum3A_11 = vector.multi_reduction <add>, %reduce_sum3A, %reduce_sum3A_10 [1, 2] : vector<1x32x2048xf32> to vector<1xf32>
    %reduce_sum3A_12 = vector.shape_cast %reduce_sum3A_11 : vector<1xf32> to vector<1x1x1xf32>
    %reduce_sum3A_13 = vector.extract %reduce_sum3A_12[0, 0, 0] : f32 from vector<1x1x1xf32>
    %reshape3A = vector.broadcast %reduce_sum3A_13 : f32 to vector<1x1xf32>
    %eq3A_14 = arith.constant 0 : i32
    %eq3A_15 = arith.cmpi eq, %arg0, %eq3A_14 : i32
    %convert_element_type3A_16 = arith.extui %eq3A_15 : i1 to i32
    %cond3A = arith.constant 0 : i32
    %cond3A_17 = arith.cmpi ne, %convert_element_type3A_16, %cond3A : i32
    scf.if %cond3A_17 {
      %broadcast_in_dim3A = arith.constant 0.000000e+00 : f32
      %broadcast_in_dim3A_57 = vector.broadcast %broadcast_in_dim3A : f32 to vector<1x1xf32>
      %swap3A_58 = arith.constant 0 : index
      %swap3A_59 = arith.constant 0 : index
      %swap3A_60 = vector.load %arg9[%swap3A_58, %swap3A_59] : memref<1x1xf32, #tpu.memory_space<vmem>>, vector<1x1xf32>
      tpu.vector_store %arg9[%swap3A_58, %swap3A_59], %broadcast_in_dim3A_57 {strides = array<i32>} : memref<1x1xf32, #tpu.memory_space<vmem>>, vector<1x1xf32>,
    } else {
    }
    %get3A_18 = arith.constant 0 : index
    %get3A_19 = arith.constant 0 : index
    %get3A_20 = vector.load %arg9[%get3A_18, %get3A_19] : memref<1x1xf32, #tpu.memory_space<vmem>>, vector<1x1xf32>
    %add3A = arith.addf %get3A_20, %reshape3A : vector<1x1xf32>
    %swap3A = arith.constant 0 : index
    %swap3A_21 = arith.constant 0 : index
    %swap3A_22 = vector.load %arg9[%swap3A, %swap3A_21] : memref<1x1xf32, #tpu.memory_space<vmem>>, vector<1x1xf32>
    tpu.vector_store %arg9[%swap3A, %swap3A_21], %add3A {strides = array<i32>} : memref<1x1xf32, #tpu.memory_space<vmem>>, vector<1x1xf32>,
    %get3A_23 = arith.constant 0 : index
    %get3A_24 = arith.constant 0 : index
    %get3A_25 = vector.load %arg4[%get3A_23, %get3A_24] : memref<400x32xbf16, #tpu.memory_space<vmem>>, vector<400x32xbf16>
    %convert_element_type3A_26 = arith.truncf %dot_general3A_6 : vector<32x2048xf32> to vector<32x2048xbf16>
    %dot_general3A_27 = arith.constant dense<0.000000e+00> : vector<400x2048xf32>
    %dot_general3A_28 = tpu.matmul %get3A_25, %convert_element_type3A_26, %dot_general3A_27 {dimension_numbers = #tpu.dot_dimension_numbers<[1], [0], [0], [1], [0, 0, 1, 1], [], []>, transpose_lhs_hint = false} : vector<400x32xbf16>, vector<32x2048xbf16>, vector<400x2048xf32> -> vector<400x2048xf32>
    %get3A_29 = arith.constant 0 : index
    %get3A_30 = arith.constant 0 : index
    %get3A_31 = vector.load %arg5[%get3A_29, %get3A_30] : memref<400x1xf32, #tpu.memory_space<vmem>>, vector<400x1xf32>
    %add3A_32 = vector.broadcast %get3A_31 : vector<400x1xf32> to vector<400x2048xf32>
    %add3A_33 = arith.addf %dot_general3A_28, %add3A_32 : vector<400x2048xf32>
    %max3A = arith.constant 0.000000e+00 : f32
    %max3A_34 = vector.broadcast %max3A : f32 to vector<400x2048xf32>
    %max3A_35 = arith.maximumf %add3A_33, %max3A_34 : vector<400x2048xf32>
    %get3A_36 = arith.constant 0 : index
    %get3A_37 = arith.constant 0 : index
    %get3A_38 = vector.load %arg6[%get3A_36, %get3A_37] : memref<784x400xbf16, #tpu.memory_space<vmem>>, vector<784x400xbf16>
    %convert_element_type3A_39 = arith.truncf %max3A_35 : vector<400x2048xf32> to vector<400x2048xbf16>
    %dot_general3A_40 = arith.constant dense<0.000000e+00> : vector<784x2048xf32>
    %dot_general3A_41 = tpu.matmul %get3A_38, %convert_element_type3A_39, %dot_general3A_40 {dimension_numbers = #tpu.dot_dimension_numbers<[1], [0], [0], [1], [0, 0, 1, 1], [], []>, transpose_lhs_hint = false} : vector<784x400xbf16>, vector<400x2048xbf16>, vector<784x2048xf32> -> vector<784x2048xf32>
    %get3A_42 = arith.constant 0 : index
    %get3A_43 = arith.constant 0 : index
    %get3A_44 = vector.load %arg7[%get3A_42, %get3A_43] : memref<784x1xf32, #tpu.memory_space<vmem>>, vector<784x1xf32>
    %add3A_45 = vector.broadcast %get3A_44 : vector<784x1xf32> to vector<784x2048xf32>
    %add3A_46 = arith.addf %dot_general3A_41, %add3A_45 : vector<784x2048xf32>
    %neg3A = arith.constant 0.000000e+00 : f32
    %neg3A_47 = vector.broadcast %neg3A : f32 to vector<784x2048xf32>
    %neg3A_48 = arith.subf %neg3A_47, %add3A_46 : vector<784x2048xf32>
    %exp3A = math.exp %neg3A_48 : vector<784x2048xf32>
    %add3A_49 = arith.constant 1.000000e+00 : f32
    %add3A_50 = vector.broadcast %add3A_49 : f32 to vector<784x2048xf32>
    %add3A_51 = arith.addf %add3A_50, %exp3A : vector<784x2048xf32>
    %div3A = arith.constant 1.000000e+00 : f32
    %div3A_52 = vector.broadcast %div3A : f32 to vector<784x2048xf32>
    %div3A_53 = arith.divf %div3A_52, %add3A_51 : vector<784x2048xf32>
    %swap3A_54 = arith.constant 0 : index
    %swap3A_55 = arith.constant 0 : index
    %swap3A_56 = vector.load %arg8[%swap3A_54, %swap3A_55] : memref<784x2048xf32, #tpu.memory_space<vmem>>, vector<784x2048xf32>
    tpu.vector_store %arg8[%swap3A_54, %swap3A_55], %div3A_53 {strides = array<i32>} : memref<784x2048xf32, #tpu.memory_space<vmem>>, vector<784x2048xf32>,
    return
  }
  func.func @transform_1(%arg0: i32) -> (i32, i32) {
    %c0_i32 = arith.constant 0 : i32
    %c0_i32_0 = arith.constant 0 : i32
    return %arg0, %c0_i32 : i32, i32
  }
  func.func @transform_2(%arg0: i32) -> (i32, i32) {
    %c0_i32 = arith.constant 0 : i32
    %c0_i32_0 = arith.constant 0 : i32
    return %c0_i32, %arg0 : i32, i32
  }
  func.func @transform_3(%arg0: i32) -> (i32, i32) {
    %c0_i32 = arith.constant 0 : i32
    %c0_i32_0 = arith.constant 0 : i32
    %c0_i32_1 = arith.constant 0 : i32
    return %c0_i32, %c0_i32_0 : i32, i32
  }
  func.func @transform_4(%arg0: i32) -> (i32, i32) {
    %c0_i32 = arith.constant 0 : i32
    %c0_i32_0 = arith.constant 0 : i32
    %c0_i32_1 = arith.constant 0 : i32
    return %c0_i32, %c0_i32_0 : i32, i32
  }
  func.func @transform_5(%arg0: i32) -> (i32, i32) {
    %c0_i32 = arith.constant 0 : i32
    %c0_i32_0 = arith.constant 0 : i32
    %c0_i32_1 = arith.constant 0 : i32
    return %c0_i32, %c0_i32_0 : i32, i32
  }
  func.func @transform_6(%arg0: i32) -> (i32, i32) {
    %c0_i32 = arith.constant 0 : i32
    %c0_i32_0 = arith.constant 0 : i32
    %c0_i32_1 = arith.constant 0 : i32
    return %c0_i32, %c0_i32_0 : i32, i32
  }
  func.func @transform_7(%arg0: i32) -> (i32, i32) {
    %add3A = arith.constant 4 : i32
    %add3A_0 = arith.addi %arg0, %add3A : i32
    %c0_i32 = arith.constant 0 : i32
    %c0_i32_1 = arith.constant 0 : i32
    return %c0_i32, %add3A_0 : i32, i32
  }
  func.func @transform_8(%arg0: i32) -> (i32, i32) {
    %c0_i32 = arith.constant 0 : i32
    %c0_i32_0 = arith.constant 0 : i32
    %c0_i32_1 = arith.constant 0 : i32
    return %c0_i32, %c0_i32_0 : i32, i32
  }
}

</mosaic_0001>

<sc_bundles>
// kernel: kernel.11.cloned.1.call-start
scs
__scs_entry_jumppad:
0x0: {  	(pc) =	sbr.rel $0x88, $3  }
0x1: {  	(tag) =	ssettag $0x0;
	lr =	simm.s32 $0x1  }
0x2: {  	[smem:$0x3F97] =	sst lr;
	_ =	strace $0xD0000000  }
0x3: {  	_ = 	snop  }
0x4: {  	_ = 	snop  }
0x5: {  	_ = 	snop  }
0x6: {  	_ = 	snop  }
0x7: {  	_ = 	snop  }
__scs_overlays_trampoline_lowered:
0x8: {  	[smem:$0x3FA6] =	sst s0  }
0x9: {  	[smem:$0x3FA7] =	sst s1  }
0xa: {  	[smem:$0x3FA8] =	sst s2  }
0xb: {  	[smem:$0x3FA9] =	sst s3  }
0xc: {  	[smem:$0x3FAA] =	sst s4  }
0xd: {  	[smem:$0x3FAB] =	sst s5  }
0xe: {  	[smem:$0x3FAC] =	sst s6  }
0xf: {  	[smem:$0x3FAD] =	sst s7  }
0x10: {  	[smem:$0x3FAE] =	sst s8  }
0x11: {  	[smem:$0x3FAF] =	sst s9;
	s0 =	simm.s32 @!p0 $0x0  }
0x12: {  	s1 =	sld [smem:$0x3F95];
	s0 =	simm.s32 @p0 $0x1  }
0x13: {  	[smem:$0x3FB0] =	sst s0;
	s0 =	simm.s32 @!p1 $0x0  }
0x14: {  	s2 =	sld [smem:$0x3F94];
	s0 =	simm.s32 @p1 $0x1  }
0x15: {  	[smem:$0x3FB1] =	sst s0;
	s0 =	simm.s32 @!p2 $0x0  }
0x16: {  	s3 =	sld [smem:$0x3FDB];
	s0 =	simm.s32 @p2 $0x1  }
0x17: {  	s4 =	simm.s32 $0x1BF5;
	[smem:$0x3FB3] =	sst s0  }
0x18: {  	s0 =	sld [smem:$0x3F96];
	_ =	swait.ge [sflag:s4], $0x0  }
0x19: {  	s7 =	sld [smem:$0x3F97]  }
0x1a: {  	s8 =	sadd.s32 $0xFFFFE003, lr  }
0x1b: {  	s9 =	sadd.s32 $0xFFFFFEF7, lr;
	s5 =	simm.s32 $0xFFFFFFFF;
	p2 =	slt.u32 s8, $0xFFFFF086  }
0x1c: {  	p1 =	slt.u32 s9, $0xF7A;
	s5 =	simm.s32 @!p2 $0x0  }
0x1d: {  	s5 =	simm.s32 @p1 $0x1;
	p0 =	seq.s32 s7, s2  }
0x1e: {  	s7 =	smul.u32 @!p0 $0xF7A, s2;
	p2 =	seq.s32 @!p0 s5, $0x0  }
0x1f: {  	s9 =	smul.u32 $0xF7A, s1;
	s8 =	simm.s32 @!p0 $0x1BF5;
	p2 =	por !p2, p0  }
0x20: {  	[sflag:s8] =	ssyncset.s32 @!p0 $0xFFFFF086;
	s6 =	sadd.s32 @!p0 s3, s7;
	s7 =	simm.s32 @!p0 $0x108  }
0x21: {  	s3 =	sadd.s32 s3, s9;
	s6 =	sadd.s32 @!p0 $0x88, s6;
	s7 =	simm.s32 @p2 $0x1082  }
0x22: {  	[simem:s7], [sflag:s8] =	dma.local @!p0 [hbm:s6], $0xF7A  }
0x23: {  	s9 =	sor.u32 $0xD0000000, s2;
	s6 =	simm.s32 $0x108;
	_ =	swait.ge @!p0 [sflag:s8], $0x0  }
0x24: {  	s3 =	sadd.s32 $0x88, s3;
	s6 =	simm.s32 @!p1 $0x1082;
	[sflag:s4] =	ssyncset.s32 $0xFFFFF086  }
0x25: {  	[simem:s6], [sflag:s4] =	dma.local [hbm:s3], $0xF7A  }
0x26: {  	[smem:$0x3F97] =	sst s1;
	(tag) =	ssettag s2;
	_ =	strace s9  }
0x27: {  	s1 =	sld [smem:$0x3FA7]  }
0x28: {  	s2 =	sld [smem:$0x3FA8]  }
0x29: {  	s4 =	sld [smem:$0x3FAA]  }
0x2a: {  	p0 =	seq.s32 s5, $0x0;
	s5 =	sld [smem:$0x3FAB]  }
0x2b: {  	s6 =	sld [smem:$0x3FAC]  }
0x2c: {  	s7 =	sld [smem:$0x3FAD]  }
0x2d: {  	s3 =	simm.s32 $0x108;
	s8 =	sld [smem:$0x3FAE]  }
0x2e: {  	s3 =	simm.s32 @!p0 $0x1082;
	s9 =	sld [smem:$0x3FAF]  }
0x2f: {  	lr =	sadd.s32 s0, s3;
	s0 =	sld [smem:$0x3FA6]  }
0x30: {  	s3 =	sld [smem:$0x3FA9]  }
0x31: {  	[smem:$0x3FB2] =	sst s10  }
0x32: {  	s10 =	sld [smem:$0x3FB0];
	_ =	sdelay $0x3  }
0x33: {  	p0 =	seq.s32 s10, $0x1;
	s10 =	sld [smem:$0x3FB2];
	_ =	sdelay $0x3  }
0x34: {  	[smem:$0x3FB2] =	sst s10  }
0x35: {  	s10 =	sld [smem:$0x3FB1];
	_ =	sdelay $0x3  }
0x36: {  	p1 =	seq.s32 s10, $0x1;
	s10 =	sld [smem:$0x3FB2];
	_ =	sdelay $0x3  }
0x37: {  	[smem:$0x3FB2] =	sst s10  }
0x38: {  	s10 =	sld [smem:$0x3FB3]  }
0x39: {  	_ = 	snop;
	(pc) =	sbr.ind lr, $3  }
0x3a: {  	_ = 	snop  }
0x3b: {  	_ = 	snop  }
0x3c: {  	p2 =	seq.s32 s10, $0x1;
	s10 =	sld [smem:$0x3FB2]  }
0x3d: {  	_ =	shalt  }
0x3e: {  	_ =	shalt  }
0x3f: {  	_ =	shalt  }
0x40: {  	_ =	shalt  }
0x41: {  	_ =	shalt  }
0x42: {  	_ =	shalt  }
0x43: {  	_ =	shalt  }
0x44: {  	_ =	shalt  }
0x45: {  	_ =	shalt  }
0x46: {  	_ =	shalt  }
0x47: {  	_ =	shalt  }
0x48: {  	_ =	shalt  }
0x49: {  	_ =	shalt  }
0x4a: {  	_ =	shalt  }
0x4b: {  	_ =	shalt  }
0x4c: {  	_ =	shalt  }
0x4d: {  	_ =	shalt  }
0x4e: {  	_ =	shalt  }
0x4f: {  	_ =	shalt  }
0x50: {  	_ =	shalt  }
0x51: {  	_ =	shalt  }
0x52: {  	_ =	shalt  }
0x53: {  	_ =	shalt  }
0x54: {  	_ =	shalt  }
0x55: {  	_ =	shalt  }
0x56: {  	_ =	shalt  }
0x57: {  	_ =	shalt  }
0x58: {  	_ =	shalt  }
0x59: {  	_ =	shalt  }
0x5a: {  	_ =	shalt  }
0x5b: {  	_ =	shalt  }
0x5c: {  	_ =	shalt  }
0x5d: {  	_ =	shalt  }
0x5e: {  	_ =	shalt  }
0x5f: {  	_ =	shalt  }
0x60: {  	_ =	shalt  }
0x61: {  	_ =	shalt  }
0x62: {  	_ =	shalt  }
0x63: {  	_ =	shalt  }
0x64: {  	_ =	shalt  }
0x65: {  	_ =	shalt  }
0x66: {  	_ =	shalt  }
0x67: {  	_ =	shalt  }
0x68: {  	_ =	shalt  }
0x69: {  	_ =	shalt  }
0x6a: {  	_ =	shalt  }
0x6b: {  	_ =	shalt  }
0x6c: {  	_ =	shalt  }
0x6d: {  	_ =	shalt  }
0x6e: {  	_ =	shalt  }
0x6f: {  	_ =	shalt  }
0x70: {  	_ =	shalt  }
0x71: {  	_ =	shalt  }
0x72: {  	_ =	shalt  }
0x73: {  	_ =	shalt  }
0x74: {  	_ =	shalt  }
0x75: {  	_ =	shalt  }
0x76: {  	_ =	shalt  }
0x77: {  	_ =	shalt  }
0x78: {  	_ =	shalt  }
0x79: {  	_ =	shalt  }
0x7a: {  	_ =	shalt  }
0x7b: {  	_ =	shalt  }
0x7c: {  	_ =	shalt  }
0x7d: {  	_ =	shalt  }
0x7e: {  	_ =	shalt  }
0x7f: {  	_ =	shalt  }
0x80: {  	_ =	shalt  }
0x81: {  	_ =	shalt  }
0x82: {  	_ =	shalt  }
0x83: {  	_ =	shalt  }
0x84: {  	_ =	shalt  }
0x85: {  	_ =	shalt  }
0x86: {  	_ =	shalt  }
0x87: {  	_ =	shalt  }
.Lfunc_end0:
.L_simem_size_0:
called_computation.1_lowered:
.L_overlay_start_0:
0x88: {  	s2 =	sld [smem:$0x3FD9]  }
0x89: {  	s3 =	sld [smem:$0x3FFE];
	_ =	sdelay $0x1  }
0x8a: {  	s1 =	srdreg.scid  }
0x8b: {  	s0 =	sand.u32 $0x1, s1  }
0x8c: {  	s17 =	sshll.u32 s0, $0xA;
	s2 =	sadd.s32 s3, s2  }
0x8d: {  	s2 =	sadd.s32 s2, s17  }
0x8e: {  	[smem:$0x3FBE] =	sst s2  }
0x8f: {  	_ = 	snop  }
0x90: {  	(tm) =	ssettm $0x1  }
0x91: {  	s18 =	sld [smem:$0x3FFB];
	_ =	sdelay $0x3  }
0x92: {  	_ =	strace s18  }
0x93: {  	s2 =	sld [smem:$0x3FFC];
	_ =	sdelay $0x3  }
0x94: {  	_ =	strace s2  }
0x95: {  	s2 =	sld [smem:$0x3FFD];
	_ =	sdelay $0x3  }
0x96: {  	_ =	strace s2  }
0x97: {  	_ =	strace $0x8FFFFFFF  }
0x98: {  	s19 =	sld [smem:$0x3FDB];
	_ =	sdelay $0x1  }
0x99: {  	s20 =	simm.s32 $_scs_section_size  }
0x9a: {  	s4 =	simm.s32 $_size__tile_overlayer_lowered;
	s5 =	simm.s32 $_tile_overlayer_lowered  }
0x9b: {  	s6 =	simm.s32 $0x1BFF;
	s21 =	sshll.u32 s5, $0x1;
	s3 =	sadd.s32 s20, s19  }
0x9c: {  	s22 =	simm.s32 $0x0;
	s4 =	sshll.u32 s4, $0x1;
	s5 =	sadd.s32 s21, s3  }
0x9d: {  	[timem:s22], [sflag:s6] =	dma.local [hbm:s5], s4  }
0x9e: {  	_ =	swait.ge [sflag:s6], s4  }
0x9f: {  	s4 =	ssub.s32 $0x0, s4;
	[sflag:s6] =	ssyncset.done $0x0  }
0xa0: {  	[sflag:s6] =	ssyncadd.s32 s4;
	_ =	sdelay $0x1  }
0xa1: {  	s23 =	simm.s32 $0x1B8B  }
0xa2: {  	_ =	swait.ge [sflag:s23], $0x1  }
0xa3: {  	[sflag:s23] =	ssyncset.done $0x0  }
0xa4: {  	[sflag:s23] =	ssyncadd.s32 $0xFFFFFFFF  }
0xa5: {  	s4 =	sld [smem:$0x0]  }
0xa6: {  	s5 =	sand.u32 $0xFFFFFFFE, s1  }
0xa7: {  	p0 =	sne.s32 s1, s5  }
0xa8: {  	s5 =	sshll.u32 @p0 s5, $0xE  }
0xa9: {  	s5 =	sadd.s32 @p0 $0x11B8D, s5;
	s6 =	sshll.u32 @p0 s4, $0x11  }
0xaa: {  	s5 =	sor.u32 @p0 s6, s5  }
0xab: {  	[sflag:s5] =	ssyncadd.remote.s32 @p0 $0x1;
	_ =	sdelay $0x1  }
0xac: {  	s5 =	simm.s32 @p0 $0x1B8D  }
0xad: {  	_ =	swait.eq @p0 [sflag:s5], $0x1  }
0xae: {  	[sflag:s5] =	ssyncadd.s32 @p0 $0xFFFFFFFF  }
0xaf: {  	s6 =	sshll.u32 @!p0 s1, $0xE  }
0xb0: {  	s6 =	sor.u32 @!p0 $0x4000, s6;
	s5 =	simm.s32 @!p0 $0x1B8D  }
0xb1: {  	s4 =	sshll.u32 @!p0 s4, $0x11;
	s6 =	sadd.s32 @!p0 $0x11B8D, s6;
	_ =	swait.eq @!p0 [sflag:s5], $0x1  }
0xb2: {  	s4 =	sor.u32 @!p0 s4, s6;
	[sflag:s5] =	ssyncadd.s32 @!p0 $0xFFFFFFFF  }
0xb3: {  	s25 =	simm.s32 $0x1B8E;
	s24 =	sld [smem:$0x3FFE];
	[sflag:s4] =	ssyncadd.remote.s32 @!p0 $0x1  }
0xb4: {  	s26 =	simm.s32 $execute0_lowered;
	[smem:$0x3FD2] =	sst s25  }
0xb5: {  	s5 =	sshll.u32 s26, $0x1;
	_ =	strace $0x80000049;
	[dreg:$0x1] =	wrdreg $0xFFFFFFFF  }
0xb6: {  	s28 =	simm.s32 $_size_execute0_lowered;
	s3 =	sadd.s32 s3, s5;
	[dreg:$0x0] =	wrdreg $0x0  }
0xb7: {  	s5 =	sshll.u32 s28, $0x1;
	[dreg:$0x2] =	wrdreg s3  }
0xb8: {  	[dreg:$0x3] =	wrdreg s5  }
0xb9: {  	[dreg:$0x4] =	wrdreg $0xC0  }
0xba: {  	_ =	task [dreg:s22], $0x5FFFF  }
0xbb: {  	[dreg:$0x1] =	wrdreg $0xFFFFFFFF  }
0xbc: {  	[dreg:$0x0] =	wrdreg $0x60  }
0xbd: {  	[dreg:$0x2] =	wrdreg s24  }
0xbe: {  	[dreg:$0x3] =	wrdreg $0xA  }
0xbf: {  	_ =	task.clear_ibuf [dreg:s22], $0x4FFFF;
	_ =	strace $0x90000049  }
0xc0: {  	s29 =	simm.s32 $0xA;
	_ =	strace $0x8000004B  }
0xc1: {  	_ =	swait.ge [sflag:s29], $0x1  }
0xc2: {  	[sflag:s29] =	ssyncadd.s32 $0xFFFFFFFF  }
0xc3: {  	_ =	strace $0x9000004B  }
0xc4: {  	_ =	sfence  }
0xc5: {  	s30 =	sld [smem:$0x0];
	_ =	sdelay $0x2  }
0xc6: {  	s31 =	sshll.u32 s1, $0xD;
	s1 =	sshrl.u32 s1, $0x2  }
0xc7: {  	s4 =	sand.u32 $0x4000, s31;
	s1 =	sadd.s32 s1, s30  }
0xc8: {  	s0 =	sor.u32 s4, s0;
	s1 =	sshll.u32 s1, $0x11  }
0xc9: {  	s0 =	sor.u32 s1, s0  }
0xca: {  	s0 =	sadd.s32 $0x8F2B, s0  }
0xcb: {  	[sflag:s0] =	ssyncadd.remote.s32 $0x1  }
0xcc: {  	_ =	sfence.sel $0xFFFF  }
0xcd: {  	[dreg:$0x0] =	wrdreg $0xFFFFFFFF;
	(pc) =	sbr.abs _section_cstart, $3  }
0xce: {  	[dreg:$0x1] =	wrdreg $0xFFFFFFFF  }
0xcf: {  	_ =	task.clear_ibuf [dreg:s22], $0x2FFFF;
	_ =	strace $0x9FFFFFFF  }
0xd0: {  	(tm) =	ssettm $0x7FFFFFFF  }
0xd1: {  	_ =	shalt  }
tec
execute0_lowered:
.L_overlay_start_1:
0x0: {  	(tag) =	ssettag $0x1  }
0x1: {  	s1 =	srdreg.scid;
	s0 =	stileid.u32  }
0x2: {  	s11 =	sand.u32 $0x1, s1;
	s31 =	sshll.u32 s0, $0x1  }
0x3: {  	s12 =	sor.u32 s11, s31  }
0x4: {  	s10 =	rddreg [dreg:$0x0];
	s2 =	simm.s32 $0x0;
	s3 =	sshll.u32 s12, $0x5  }
0x5: {  	s4 =	simm.s32 $0x3;
	[smem:$0x7FF] =	sst s2;
	s3 =	sadd.s32 s3, s10  }
0x6: {  	s1 =	rddreg [dreg:$0x1];
	_ =	strace $0x8000004A;
	s3 =	sadd.s32 $0x22600, s3  }
0x7: {  	[tilespmem:s2], [sflag:$0x3] =	stream.linear.gather [hbm4b:s3+s2], $0x100, $0x38;
	[tilespmem:$0x8100] =	vst v63  }
0x8: {  	_ =	swait.ge [sflag:s4], $0x100  }
0x9: {  	s6 =	simm.s32 $0x80;
	[sflag:s4] =	ssyncset.done $0x0  }
0xa: {  	s7 =	simm.s32 $0x100;
	s5 =	sadd.s32 $0x2200, s10;
	[sflag:s4] =	ssyncadd.s32 $0xFFFFFF00  }
0xb: {  	[tilespmem:s7], [sflag:$0x1] =	stream.indirect.gather [hbm4b:s5+s6], $0x80, s2, s6, $0xb8;
	[tilespmem:$0x8100] =	vst v63  }
0xc: {  	s8 =	simm.s32 $0x4100;
	s9 =	simm.s32 $0x1  }
0xd: {  	[tilespmem:s8], [sflag:$0x1] =	stream.indirect.gather [hbm4b:s5+s6], $0x80, s6, s6, $0xb8;
	[tilespmem:$0x8100] =	vst v63  }
0xe: {  	s12 =	sshll.u32 s12, $0xC;
	_ =	swait.ge [sflag:s9], $0x4000  }
0xf: {  	s13 =	ssub.s32 $0x2, s11;
	s12 =	sadd.s32 s12, s10;
	[sflag:s9] =	ssyncset.done $0x0  }
0x10: {  	s14 =	sshrl.u32 s13, $0x1;
	s10 =	sadd.s32 $0x22A00, s12;
	[sflag:s9] =	ssyncadd.s32 $0xFFFFC000  }
0x11: {  	[hbm4b:s10+s2] =	stream.linear.scatter [tilespmem:s7], [sflag:$0x2], $0x4000, $0x38;
	[tilespmem:$0x8100] =	vst v63  }
0x12: {  	s13 =	ssub.s32 s13, s14;
	_ =	swait.ge [sflag:s9], $0x4000  }
0x13: {  	s11 =	simm.s32 $0x2;
	s13 =	smax.u32 s13, $0x1;
	[sflag:s9] =	ssyncset.done $0x0  }
0x14: {  	s12 =	sadd.s32 $0x23200, s12;
	p0 =	sne.s32 s13, $0x1;
	[sflag:s9] =	ssyncadd.s32 $0xFFFFC000  }
0x15: {  	[hbm4b:s12+s2] =	stream.linear.scatter [tilespmem:s8], [sflag:$0x2], $0x4000, $0x38;
	[tilespmem:$0x8100] =	vst v63  }
.Ltmp0:
0x16: {  	_ =	swait.ge [sflag:s11], $0x4000;
	(pc) =	sbr.rel @!p0 .LBB2_2-.Ltmp0, $4  }
0x17: {  	[sflag:s11] =	ssyncset.done $0x0  }
0x18: {  	[sflag:s11] =	ssyncadd.s32 $0xFFFFC000  }
0x19: {  	_ =	swait.ge [sflag:s11], $0x4000  }
0x1a: {  	s13 =	sadd.s32 $0xFFFFFFFF, s13;
	[sflag:s11] =	ssyncset.done $0x0  }
.LBB2_1:
0x1b: {  	p0 =	sne.s32 s13, $0x1;
	s13 =	sadd.s32 $0xFFFFFFFF, s13;
	[sflag:s11] =	ssyncadd.s32 $0xFFFFC000  }
0x1c: {  	[tilespmem:s2], [sflag:$0x3] =	stream.linear.gather [hbm4b:s3+s2], $0x100, $0x38;
	[tilespmem:$0x8100] =	vst v63  }
0x1d: {  	_ =	swait.ge [sflag:s4], $0x100  }
0x1e: {  	[sflag:s4] =	ssyncset.done $0x0  }
0x1f: {  	[sflag:s4] =	ssyncadd.s32 $0xFFFFFF00  }
0x20: {  	[tilespmem:s7], [sflag:$0x1] =	stream.indirect.gather [hbm4b:s5+s6], $0x80, s2, s6, $0xb8;
	[tilespmem:$0x8100] =	vst v63  }
0x21: {  	_ = 	snop  }
0x22: {  	[tilespmem:s8], [sflag:$0x1] =	stream.indirect.gather [hbm4b:s5+s6], $0x80, s6, s6, $0xb8;
	[tilespmem:$0x8100] =	vst v63  }
0x23: {  	_ =	swait.ge [sflag:s9], $0x4000  }
0x24: {  	[sflag:s9] =	ssyncset.done $0x0  }
0x25: {  	[sflag:s9] =	ssyncadd.s32 $0xFFFFC000  }
0x26: {  	[hbm4b:s10+s2] =	stream.linear.scatter [tilespmem:s7], [sflag:$0x2], $0x4000, $0x38;
	[tilespmem:$0x8100] =	vst v63  }
0x27: {  	_ =	swait.ge [sflag:s9], $0x4000  }
0x28: {  	[sflag:s9] =	ssyncset.done $0x0  }
0x29: {  	[sflag:s9] =	ssyncadd.s32 $0xFFFFC000  }
0x2a: {  	[hbm4b:s12+s2] =	stream.linear.scatter [tilespmem:s8], [sflag:$0x2], $0x4000, $0x38;
	[tilespmem:$0x8100] =	vst v63  }
.Ltmp1:
0x2b: {  	_ =	swait.ge [sflag:s11], $0x4000;
	(pc) =	sbr.rel @p0 .LBB2_1-.Ltmp1, $4  }
0x2c: {  	[sflag:s11] =	ssyncset.done $0x0  }
0x2d: {  	[sflag:s11] =	ssyncadd.s32 $0xFFFFC000  }
0x2e: {  	_ =	swait.ge [sflag:s11], $0x4000  }
0x2f: {  	[sflag:s11] =	ssyncset.done $0x0  }
.LBB2_2:
0x30: {  	[sflag:s11] =	ssyncadd.s32 $0xFFFFC000  }
0x31: {  	_ =	sfence.sel $0x180000  }
0x32: {  	[bflag:$0x0] =	sbarrier.arrive $0xFFFF  }
0x33: {  	p0 =	sne.s32 s0, $0x0;
	_ =	strace $0x9000004A  }
0x34: {  	s0 =	sadd.s32 @!p0 $0x100000, s1;
	[bflag:$0x2] =	sbarrier.arrive $0xFFFF  }
0x35: {  	[sflag:s0] =	ssyncadd.tile.s32 @!p0 $0x1;
	_ =	shalt  }
.Lfunc_end2:
_tile_overlayer_lowered:
.L_overlay_start_2:
0x36: {  	(tag) =	ssettag $0x2  }
0x37: {  	s0 =	rddreg [dreg:$0x0];
	s2 =	stileid.u32  }
0x38: {  	s1 =	rddreg [dreg:$0x1];
	p0 =	sne.s32 s2, $0x0  }
0x39: {  	s3 =	rddreg [dreg:$0x2];
	[bflag:$0x3] =	sbarrier.arrive $0xFFFF;
	s2 =	simm.s32 @!p0 $0x1C03  }
0x3a: {  	[timem:s3], [sflag:s2] =	dma.local @!p0 [hbm:s0], s1  }
0x3b: {  	s0 =	simm.s32 @!p0 $0x3  }
0x3c: {  	_ =	swait.ge @!p0 [sflag:s0], s1  }
0x3d: {  	s1 =	ssub.s32 @!p0 $0x0, s1;
	[sflag:s0] =	ssyncset.done @!p0 $0x0  }
0x3e: {  	[sflag:s0] =	ssyncadd.s32 @!p0 s1  }
0x3f: {  	[bflag:$0x3] =	sbarrier.arrive $0xFFFF  }
0x40: {  	_ =	shalt  }

// kernel: kernel.8.cloned.1.call-start
scs
__scs_entry_jumppad:
0x0: {  	(pc) =	sbr.rel $0x88, $3  }
0x1: {  	(tag) =	ssettag $0x0;
	lr =	simm.s32 $0x1  }
0x2: {  	[smem:$0x3F97] =	sst lr;
	_ =	strace $0xD0000000  }
0x3: {  	_ = 	snop  }
0x4: {  	_ = 	snop  }
0x5: {  	_ = 	snop  }
0x6: {  	_ = 	snop  }
0x7: {  	_ = 	snop  }
__scs_overlays_trampoline_lowered:
0x8: {  	[smem:$0x3FA6] =	sst s0  }
0x9: {  	[smem:$0x3FA7] =	sst s1  }
0xa: {  	[smem:$0x3FA8] =	sst s2  }
0xb: {  	[smem:$0x3FA9] =	sst s3  }
0xc: {  	[smem:$0x3FAA] =	sst s4  }
0xd: {  	[smem:$0x3FAB] =	sst s5  }
0xe: {  	[smem:$0x3FAC] =	sst s6  }
0xf: {  	[smem:$0x3FAD] =	sst s7  }
0x10: {  	[smem:$0x3FAE] =	sst s8  }
0x11: {  	[smem:$0x3FAF] =	sst s9;
	s0 =	simm.s32 @!p0 $0x0  }
0x12: {  	s1 =	sld [smem:$0x3F95];
	s0 =	simm.s32 @p0 $0x1  }
0x13: {  	[smem:$0x3FB0] =	sst s0;
	s0 =	simm.s32 @!p1 $0x0  }
0x14: {  	s2 =	sld [smem:$0x3F94];
	s0 =	simm.s32 @p1 $0x1  }
0x15: {  	[smem:$0x3FB1] =	sst s0;
	s0 =	simm.s32 @!p2 $0x0  }
0x16: {  	s3 =	sld [smem:$0x3FDB];
	s0 =	simm.s32 @p2 $0x1  }
0x17: {  	s4 =	simm.s32 $0x1BF5;
	[smem:$0x3FB3] =	sst s0  }
0x18: {  	s0 =	sld [smem:$0x3F96];
	_ =	swait.ge [sflag:s4], $0x0  }
0x19: {  	s7 =	sld [smem:$0x3F97]  }
0x1a: {  	s8 =	sadd.s32 $0xFFFFE003, lr  }
0x1b: {  	s9 =	sadd.s32 $0xFFFFFEF7, lr;
	s5 =	simm.s32 $0xFFFFFFFF;
	p2 =	slt.u32 s8, $0xFFFFF086  }
0x1c: {  	p1 =	slt.u32 s9, $0xF7A;
	s5 =	simm.s32 @!p2 $0x0  }
0x1d: {  	s5 =	simm.s32 @p1 $0x1;
	p0 =	seq.s32 s7, s2  }
0x1e: {  	s7 =	smul.u32 @!p0 $0xF7A, s2;
	p2 =	seq.s32 @!p0 s5, $0x0  }
0x1f: {  	s9 =	smul.u32 $0xF7A, s1;
	s8 =	simm.s32 @!p0 $0x1BF5;
	p2 =	por !p2, p0  }
0x20: {  	[sflag:s8] =	ssyncset.s32 @!p0 $0xFFFFF086;
	s6 =	sadd.s32 @!p0 s3, s7;
	s7 =	simm.s32 @!p0 $0x108  }
0x21: {  	s3 =	sadd.s32 s3, s9;
	s6 =	sadd.s32 @!p0 $0x88, s6;
	s7 =	simm.s32 @p2 $0x1082  }
0x22: {  	[simem:s7], [sflag:s8] =	dma.local @!p0 [hbm:s6], $0xF7A  }
0x23: {  	s9 =	sor.u32 $0xD0000000, s2;
	s6 =	simm.s32 $0x108;
	_ =	swait.ge @!p0 [sflag:s8], $0x0  }
0x24: {  	s3 =	sadd.s32 $0x88, s3;
	s6 =	simm.s32 @!p1 $0x1082;
	[sflag:s4] =	ssyncset.s32 $0xFFFFF086  }
0x25: {  	[simem:s6], [sflag:s4] =	dma.local [hbm:s3], $0xF7A  }
0x26: {  	[smem:$0x3F97] =	sst s1;
	(tag) =	ssettag s2;
	_ =	strace s9  }
0x27: {  	s1 =	sld [smem:$0x3FA7]  }
0x28: {  	s2 =	sld [smem:$0x3FA8]  }
0x29: {  	s4 =	sld [smem:$0x3FAA]  }
0x2a: {  	p0 =	seq.s32 s5, $0x0;
	s5 =	sld [smem:$0x3FAB]  }
0x2b: {  	s6 =	sld [smem:$0x3FAC]  }
0x2c: {  	s7 =	sld [smem:$0x3FAD]  }
0x2d: {  	s3 =	simm.s32 $0x108;
	s8 =	sld [smem:$0x3FAE]  }
0x2e: {  	s3 =	simm.s32 @!p0 $0x1082;
	s9 =	sld [smem:$0x3FAF]  }
0x2f: {  	lr =	sadd.s32 s0, s3;
	s0 =	sld [smem:$0x3FA6]  }
0x30: {  	s3 =	sld [smem:$0x3FA9]  }
0x31: {  	[smem:$0x3FB2] =	sst s10  }
0x32: {  	s10 =	sld [smem:$0x3FB0];
	_ =	sdelay $0x3  }
0x33: {  	p0 =	seq.s32 s10, $0x1;
	s10 =	sld [smem:$0x3FB2];
	_ =	sdelay $0x3  }
0x34: {  	[smem:$0x3FB2] =	sst s10  }
0x35: {  	s10 =	sld [smem:$0x3FB1];
	_ =	sdelay $0x3  }
0x36: {  	p1 =	seq.s32 s10, $0x1;
	s10 =	sld [smem:$0x3FB2];
	_ =	sdelay $0x3  }
0x37: {  	[smem:$0x3FB2] =	sst s10  }
0x38: {  	s10 =	sld [smem:$0x3FB3]  }
0x39: {  	_ = 	snop;
	(pc) =	sbr.ind lr, $3  }
0x3a: {  	_ = 	snop  }
0x3b: {  	_ = 	snop  }
0x3c: {  	p2 =	seq.s32 s10, $0x1;
	s10 =	sld [smem:$0x3FB2]  }
0x3d: {  	_ =	shalt  }
0x3e: {  	_ =	shalt  }
0x3f: {  	_ =	shalt  }
0x40: {  	_ =	shalt  }
0x41: {  	_ =	shalt  }
0x42: {  	_ =	shalt  }
0x43: {  	_ =	shalt  }
0x44: {  	_ =	shalt  }
0x45: {  	_ =	shalt  }
0x46: {  	_ =	shalt  }
0x47: {  	_ =	shalt  }
0x48: {  	_ =	shalt  }
0x49: {  	_ =	shalt  }
0x4a: {  	_ =	shalt  }
0x4b: {  	_ =	shalt  }
0x4c: {  	_ =	shalt  }
0x4d: {  	_ =	shalt  }
0x4e: {  	_ =	shalt  }
0x4f: {  	_ =	shalt  }
0x50: {  	_ =	shalt  }
0x51: {  	_ =	shalt  }
0x52: {  	_ =	shalt  }
0x53: {  	_ =	shalt  }
0x54: {  	_ =	shalt  }
0x55: {  	_ =	shalt  }
0x56: {  	_ =	shalt  }
0x57: {  	_ =	shalt  }
0x58: {  	_ =	shalt  }
0x59: {  	_ =	shalt  }
0x5a: {  	_ =	shalt  }
0x5b: {  	_ =	shalt  }
0x5c: {  	_ =	shalt  }
0x5d: {  	_ =	shalt  }
0x5e: {  	_ =	shalt  }
0x5f: {  	_ =	shalt  }
0x60: {  	_ =	shalt  }
0x61: {  	_ =	shalt  }
0x62: {  	_ =	shalt  }
0x63: {  	_ =	shalt  }
0x64: {  	_ =	shalt  }
0x65: {  	_ =	shalt  }
0x66: {  	_ =	shalt  }
0x67: {  	_ =	shalt  }
0x68: {  	_ =	shalt  }
0x69: {  	_ =	shalt  }
0x6a: {  	_ =	shalt  }
0x6b: {  	_ =	shalt  }
0x6c: {  	_ =	shalt  }
0x6d: {  	_ =	shalt  }
0x6e: {  	_ =	shalt  }
0x6f: {  	_ =	shalt  }
0x70: {  	_ =	shalt  }
0x71: {  	_ =	shalt  }
0x72: {  	_ =	shalt  }
0x73: {  	_ =	shalt  }
0x74: {  	_ =	shalt  }
0x75: {  	_ =	shalt  }
0x76: {  	_ =	shalt  }
0x77: {  	_ =	shalt  }
0x78: {  	_ =	shalt  }
0x79: {  	_ =	shalt  }
0x7a: {  	_ =	shalt  }
0x7b: {  	_ =	shalt  }
0x7c: {  	_ =	shalt  }
0x7d: {  	_ =	shalt  }
0x7e: {  	_ =	shalt  }
0x7f: {  	_ =	shalt  }
0x80: {  	_ =	shalt  }
0x81: {  	_ =	shalt  }
0x82: {  	_ =	shalt  }
0x83: {  	_ =	shalt  }
0x84: {  	_ =	shalt  }
0x85: {  	_ =	shalt  }
0x86: {  	_ =	shalt  }
0x87: {  	_ =	shalt  }
.Lfunc_end0:
.L_simem_size_0:
called_computation_lowered:
.L_overlay_start_0:
0x88: {  	s2 =	sld [smem:$0x3FD9]  }
0x89: {  	s3 =	sld [smem:$0x3FFE];
	_ =	sdelay $0x1  }
0x8a: {  	s1 =	srdreg.scid  }
0x8b: {  	s0 =	sand.u32 $0x1, s1  }
0x8c: {  	s14 =	sshll.u32 s0, $0xA;
	s2 =	sadd.s32 s3, s2  }
0x8d: {  	s2 =	sadd.s32 s2, s14  }
0x8e: {  	[smem:$0x3FBE] =	sst s2  }
0x8f: {  	_ = 	snop  }
0x90: {  	s2 =	sld [smem:$0x3FD0];
	_ =	sdelay $0x2  }
0x91: {  	s15 =	simm.s32 $0xB;
	s4 =	simm.s32 $0x10  }
0x92: {  	[smem:s4], [sflag:s15] =	dma.local [hbm:s2], $0x1  }
0x93: {  	_ =	swait.eq [sflag:s15], $0x1  }
0x94: {  	[sflag:s15] =	ssyncset.done $0x0  }
0x95: {  	[sflag:s15] =	ssyncadd.s32 $0xFFFFFFFF  }
0x96: {  	s16 =	sld [smem:$0x10];
	(tm) =	ssettm $0x1  }
0x97: {  	s17 =	sld [smem:$0x3FFB];
	_ =	sdelay $0x3  }
0x98: {  	_ =	strace s17  }
0x99: {  	s3 =	sld [smem:$0x3FFC];
	_ =	sdelay $0x3  }
0x9a: {  	_ =	strace s3  }
0x9b: {  	s3 =	sld [smem:$0x3FFD];
	_ =	sdelay $0x3  }
0x9c: {  	_ =	strace s3  }
0x9d: {  	_ =	strace $0x8FFFFFFF  }
0x9e: {  	s18 =	sld [smem:$0x3FDB];
	_ =	sdelay $0x1  }
0x9f: {  	s19 =	simm.s32 $_scs_section_size  }
0xa0: {  	s5 =	simm.s32 $_size__tile_overlayer_lowered;
	s6 =	simm.s32 $_tile_overlayer_lowered  }
0xa1: {  	s22 =	simm.s32 $0x1BFF;
	s21 =	sshll.u32 s6, $0x1;
	s3 =	sadd.s32 s19, s18  }
0xa2: {  	s7 =	simm.s32 $0x0;
	s20 =	sshll.u32 s5, $0x1;
	s5 =	sadd.s32 s21, s3  }
0xa3: {  	[timem:s7], [sflag:s22] =	dma.local [hbm:s5], s20  }
0xa4: {  	_ =	swait.ge [sflag:s22], s20  }
0xa5: {  	s4 =	ssub.s32 $0x0, s20;
	[sflag:s22] =	ssyncset.done $0x0  }
0xa6: {  	[sflag:s22] =	ssyncadd.s32 s4;
	_ =	sdelay $0x1  }
0xa7: {  	s23 =	simm.s32 $0x1B8B  }
0xa8: {  	_ =	swait.ge [sflag:s23], $0x1  }
0xa9: {  	[sflag:s23] =	ssyncset.done $0x0  }
0xaa: {  	s25 =	simm.s32 $0x1B8E;
	s24 =	sld [smem:$0x3FFE];
	[sflag:s23] =	ssyncadd.s32 $0xFFFFFFFF  }
0xab: {  	s26 =	simm.s32 $execute0_lowered;
	[smem:$0x3FD2] =	sst s25  }
0xac: {  	s5 =	sshll.u32 s26, $0x1;
	_ =	strace $0x80000046;
	[dreg:$0x1] =	wrdreg $0xFFFFFFFF  }
0xad: {  	s28 =	simm.s32 $_size_execute0_lowered;
	s3 =	sadd.s32 s3, s5;
	[dreg:$0x0] =	wrdreg $0x0  }
0xae: {  	s5 =	sshll.u32 s28, $0x1;
	[dreg:$0x2] =	wrdreg s3  }
0xaf: {  	[dreg:$0x3] =	wrdreg s5  }
0xb0: {  	[dreg:$0x4] =	wrdreg $0xC0  }
0xb1: {  	_ =	task [dreg:s7], $0x5FFFF  }
0xb2: {  	[dreg:$0x1] =	wrdreg $0xFFFFFFFF  }
0xb3: {  	[dreg:$0x0] =	wrdreg $0x60  }
0xb4: {  	[dreg:$0x2] =	wrdreg s24  }
0xb5: {  	[dreg:$0x3] =	wrdreg s16  }
0xb6: {  	[dreg:$0x4] =	wrdreg $0x9  }
0xb7: {  	_ =	task.clear_ibuf [dreg:s7], $0x5FFFF;
	_ =	strace $0x90000046  }
0xb8: {  	s29 =	simm.s32 $0x9;
	_ =	strace $0x80000048  }
0xb9: {  	_ =	swait.ge [sflag:s29], $0x1  }
0xba: {  	[sflag:s29] =	ssyncadd.s32 $0xFFFFFFFF  }
0xbb: {  	_ =	strace $0x90000048  }
0xbc: {  	_ =	sfence  }
0xbd: {  	s30 =	sld [smem:$0x0];
	_ =	sdelay $0x2  }
0xbe: {  	s31 =	sshll.u32 s1, $0xD;
	s1 =	sshrl.u32 s1, $0x2  }
0xbf: {  	s3 =	sand.u32 $0x4000, s31;
	s1 =	sadd.s32 s1, s30  }
0xc0: {  	s0 =	sor.u32 s3, s0;
	s1 =	sshll.u32 s1, $0x11  }
0xc1: {  	s0 =	sor.u32 s1, s0  }
0xc2: {  	s0 =	sadd.s32 $0x8F2B, s0  }
0xc3: {  	[sflag:s0] =	ssyncadd.remote.s32 $0x1  }
0xc4: {  	_ =	sfence.sel $0xFFFF  }
0xc5: {  	[dreg:$0x0] =	wrdreg $0xFFFFFFFF;
	(pc) =	sbr.abs _section_cstart, $3  }
0xc6: {  	[dreg:$0x1] =	wrdreg $0xFFFFFFFF  }
0xc7: {  	_ =	task.clear_ibuf [dreg:s7], $0x2FFFF;
	_ =	strace $0x9FFFFFFF  }
0xc8: {  	(tm) =	ssettm $0x7FFFFFFF  }
0xc9: {  	_ =	shalt  }
tec
execute0_lowered:
.L_overlay_start_1:
0x0: {  	(tag) =	ssettag $0x1  }
0x1: {  	s1 =	srdreg.scid;
	s0 =	stileid.u32  }
0x2: {  	s11 =	sand.u32 $0x1, s1;
	s31 =	sshll.u32 s0, $0x1  }
0x3: {  	s5 =	rddreg [dreg:$0x0];
	s12 =	sor.u32 s11, s31  }
0x4: {  	s10 =	rddreg [dreg:$0x1];
	s2 =	simm.s32 $0x0;
	s3 =	sshll.u32 s12, $0x5  }
0x5: {  	s4 =	simm.s32 $0x3;
	[smem:$0x7FF] =	sst s2;
	s3 =	sadd.s32 s3, s5  }
0x6: {  	s1 =	rddreg [dreg:$0x2];
	_ =	strace $0x80000047;
	s3 =	sadd.s32 $0x22200, s3  }
0x7: {  	[tilespmem:s2], [sflag:$0x3] =	stream.linear.gather [hbm4b:s3+s2], $0x100, $0x38;
	[tilespmem:$0x8100] =	vst v63  }
0x8: {  	_ =	swait.ge [sflag:s4], $0x100  }
0x9: {  	s6 =	simm.s32 $0x80;
	[sflag:s4] =	ssyncset.done $0x0  }
0xa: {  	s7 =	simm.s32 $0x100;
	s5 =	sadd.s32 $0x2200, s5;
	[sflag:s4] =	ssyncadd.s32 $0xFFFFFF00  }
0xb: {  	[tilespmem:s7], [sflag:$0x1] =	stream.indirect.gather [hbm4b:s5+s6], $0x80, s2, s6, $0xb8;
	[tilespmem:$0x8100] =	vst v63  }
0xc: {  	s8 =	simm.s32 $0x4100;
	s9 =	simm.s32 $0x1  }
0xd: {  	[tilespmem:s8], [sflag:$0x1] =	stream.indirect.gather [hbm4b:s5+s6], $0x80, s6, s6, $0xb8;
	[tilespmem:$0x8100] =	vst v63  }
0xe: {  	_ =	swait.ge [sflag:s9], $0x4000  }
0xf: {  	s13 =	ssub.s32 $0x2, s11;
	s12 =	sshll.u32 s12, $0xC;
	[sflag:s9] =	ssyncset.done $0x0  }
0x10: {  	s14 =	sshrl.u32 s13, $0x1;
	s10 =	sadd.s32 s10, s12;
	[sflag:s9] =	ssyncadd.s32 $0xFFFFC000  }
0x11: {  	[hbm4b:s10+s2] =	stream.linear.scatter [tilespmem:s7], [sflag:$0x2], $0x4000, $0x38;
	[tilespmem:$0x8100] =	vst v63  }
0x12: {  	s13 =	ssub.s32 s13, s14;
	_ =	swait.ge [sflag:s9], $0x4000  }
0x13: {  	s11 =	simm.s32 $0x2;
	s13 =	smax.u32 s13, $0x1;
	[sflag:s9] =	ssyncset.done $0x0  }
0x14: {  	s12 =	sadd.s32 $0x800, s10;
	p0 =	sne.s32 s13, $0x1;
	[sflag:s9] =	ssyncadd.s32 $0xFFFFC000  }
0x15: {  	[hbm4b:s12+s2] =	stream.linear.scatter [tilespmem:s8], [sflag:$0x2], $0x4000, $0x38;
	[tilespmem:$0x8100] =	vst v63  }
.Ltmp0:
0x16: {  	_ =	swait.ge [sflag:s11], $0x4000;
	(pc) =	sbr.rel @!p0 .LBB2_2-.Ltmp0, $4  }
0x17: {  	[sflag:s11] =	ssyncset.done $0x0  }
0x18: {  	[sflag:s11] =	ssyncadd.s32 $0xFFFFC000  }
0x19: {  	_ =	swait.ge [sflag:s11], $0x4000  }
0x1a: {  	s13 =	sadd.s32 $0xFFFFFFFF, s13;
	[sflag:s11] =	ssyncset.done $0x0  }
.LBB2_1:
0x1b: {  	p0 =	sne.s32 s13, $0x1;
	s13 =	sadd.s32 $0xFFFFFFFF, s13;
	[sflag:s11] =	ssyncadd.s32 $0xFFFFC000  }
0x1c: {  	[tilespmem:s2], [sflag:$0x3] =	stream.linear.gather [hbm4b:s3+s2], $0x100, $0x38;
	[tilespmem:$0x8100] =	vst v63  }
0x1d: {  	_ =	swait.ge [sflag:s4], $0x100  }
0x1e: {  	[sflag:s4] =	ssyncset.done $0x0  }
0x1f: {  	[sflag:s4] =	ssyncadd.s32 $0xFFFFFF00  }
0x20: {  	[tilespmem:s7], [sflag:$0x1] =	stream.indirect.gather [hbm4b:s5+s6], $0x80, s2, s6, $0xb8;
	[tilespmem:$0x8100] =	vst v63  }
0x21: {  	_ = 	snop  }
0x22: {  	[tilespmem:s8], [sflag:$0x1] =	stream.indirect.gather [hbm4b:s5+s6], $0x80, s6, s6, $0xb8;
	[tilespmem:$0x8100] =	vst v63  }
0x23: {  	_ =	swait.ge [sflag:s9], $0x4000  }
0x24: {  	[sflag:s9] =	ssyncset.done $0x0  }
0x25: {  	[sflag:s9] =	ssyncadd.s32 $0xFFFFC000  }
0x26: {  	[hbm4b:s10+s2] =	stream.linear.scatter [tilespmem:s7], [sflag:$0x2], $0x4000, $0x38;
	[tilespmem:$0x8100] =	vst v63  }
0x27: {  	_ =	swait.ge [sflag:s9], $0x4000  }
0x28: {  	[sflag:s9] =	ssyncset.done $0x0  }
0x29: {  	[sflag:s9] =	ssyncadd.s32 $0xFFFFC000  }
0x2a: {  	[hbm4b:s12+s2] =	stream.linear.scatter [tilespmem:s8], [sflag:$0x2], $0x4000, $0x38;
	[tilespmem:$0x8100] =	vst v63  }
.Ltmp1:
0x2b: {  	_ =	swait.ge [sflag:s11], $0x4000;
	(pc) =	sbr.rel @p0 .LBB2_1-.Ltmp1, $4  }
0x2c: {  	[sflag:s11] =	ssyncset.done $0x0  }
0x2d: {  	[sflag:s11] =	ssyncadd.s32 $0xFFFFC000  }
0x2e: {  	_ =	swait.ge [sflag:s11], $0x4000  }
0x2f: {  	[sflag:s11] =	ssyncset.done $0x0  }
.LBB2_2:
0x30: {  	[sflag:s11] =	ssyncadd.s32 $0xFFFFC000  }
0x31: {  	_ =	sfence.sel $0x180000  }
0x32: {  	[bflag:$0x0] =	sbarrier.arrive $0xFFFF  }
0x33: {  	p0 =	sne.s32 s0, $0x0;
	_ =	strace $0x90000047  }
0x34: {  	s0 =	sadd.s32 @!p0 $0x100000, s1;
	[bflag:$0x2] =	sbarrier.arrive $0xFFFF  }
0x35: {  	[sflag:s0] =	ssyncadd.tile.s32 @!p0 $0x1;
	_ =	shalt  }
.Lfunc_end2:
_tile_overlayer_lowered:
.L_overlay_start_2:
0x36: {  	(tag) =	ssettag $0x2  }
0x37: {  	s0 =	rddreg [dreg:$0x0];
	s2 =	stileid.u32  }
0x38: {  	s1 =	rddreg [dreg:$0x1];
	p0 =	sne.s32 s2, $0x0  }
0x39: {  	s3 =	rddreg [dreg:$0x2];
	[bflag:$0x3] =	sbarrier.arrive $0xFFFF;
	s2 =	simm.s32 @!p0 $0x1C03  }
0x3a: {  	[timem:s3], [sflag:s2] =	dma.local @!p0 [hbm:s0], s1  }
0x3b: {  	s0 =	simm.s32 @!p0 $0x3  }
0x3c: {  	_ =	swait.ge @!p0 [sflag:s0], s1  }
0x3d: {  	s1 =	ssub.s32 @!p0 $0x0, s1;
	[sflag:s0] =	ssyncset.done @!p0 $0x0  }
0x3e: {  	[sflag:s0] =	ssyncadd.s32 @!p0 s1  }
0x3f: {  	[bflag:$0x3] =	sbarrier.arrive $0xFFFF  }
0x40: {  	_ =	shalt  }

</sc_bundles>
